<compile_context>
chip_gen: v7x
topology: tpu7x:2x2x1
jax: 0.10.2.dev20260603
libtpu: 0.0.44.dev20260713+nightly
codegen_flags: <defaults>
</compile_context>

<pallas_src>
import functools

import jax
import jax.numpy as jnp
from jax import lax
from jax.experimental import pallas as pl
from jax.experimental.pallas import tpu as pltpu
from jax.experimental.pallas import tpu_sc as plsc

D_MODEL = 64
BATCH = 1024
LENGTH = 200
NUM_WORKERS = 32
ROWS_PER_W = BATCH // NUM_WORKERS


@functools.partial(
    pl.kernel,
    out_type=jax.ShapeDtypeStruct((BATCH, LENGTH, D_MODEL), jnp.float32),
    mesh=plsc.VectorSubcoreMesh(core_axis_name="c", subcore_axis_name="s"),
    compiler_params=pltpu.CompilerParams(use_tc_tiling_on_sc=False),
    scratch_types=[
        pltpu.VMEM((ROWS_PER_W, LENGTH), jnp.int32),
        pltpu.VMEM((LENGTH, D_MODEL), jnp.float32),
        pltpu.VMEM((LENGTH, D_MODEL), jnp.float32),
        pltpu.VMEM((LENGTH, D_MODEL), jnp.float32),
        pltpu.VMEM((LENGTH, D_MODEL), jnp.float32),
        pltpu.SemaphoreType.DMA,
        pltpu.SemaphoreType.DMA,
        pltpu.SemaphoreType.DMA,
        pltpu.SemaphoreType.DMA,
        pltpu.SemaphoreType.DMA,
        pltpu.SemaphoreType.DMA,
        pltpu.SemaphoreType.DMA,
        pltpu.SemaphoreType.DMA,
    ],
)
def _embed_gather(ids_hbm, table_hbm, out_hbm, idx_v, rows0, rows1,
                  rows2, rows3, g0, g1, g2, g3, o0, o1, o2, o3):
    wid = lax.axis_index("s") * 2 + lax.axis_index("c")
    base = wid * ROWS_PER_W
    pltpu.sync_copy(ids_hbm.at[pl.ds(base, ROWS_PER_W)], idx_v)

    bufs = (rows0, rows1, rows2, rows3)
    gsems = (g0, g1, g2, g3)
    osems = (o0, o1, o2, o3)

    def start_gather(r):
        return pltpu.async_copy(
            table_hbm.at[idx_v.at[r]], bufs[r % 4], gsems[r % 4])

    def start_write(r):
        return pltpu.async_copy(
            bufs[r % 4], out_hbm.at[base + r], osems[r % 4])

    gathers = [start_gather(0), start_gather(1), None, None]
    writes = [None, None, None, None]
    for r in range(ROWS_PER_W):
        gathers[r % 4].wait()
        writes[r % 4] = start_write(r)
        nxt = r + 2
        if nxt < ROWS_PER_W:
            if writes[nxt % 4] is not None:
                writes[nxt % 4].wait()
            gathers[nxt % 4] = start_gather(nxt)
    for r in range(ROWS_PER_W - 4, ROWS_PER_W):
        writes[r % 4].wait()


def kernel(ids, emb_weight):
    return _embed_gather(ids, emb_weight)

# --- scband reference (transcript-rebuilt; emitter-appended) ---
"""Pipeline reference for scband-token-embedding-17377437680275 (READ-ONLY COPY).

The authoritative reference and input builder live on the scoring server;
editing this copy changes nothing except your own understanding.
"""

import jax, jax.numpy as jnp
import numpy as np

VOCAB = 1000000
D_MODEL = 64
BATCH = 1024
LENGTH = 200


def setup_inputs(seed: int = 0) -> dict:
    key = jax.random.key(seed)
    k_ids, k_emb = jax.random.split(key)
    ids = jax.random.randint(k_ids, (BATCH, LENGTH), 0, VOCAB, dtype=jnp.int64 if jax.config.jax_enable_x64 else jnp.int32).astype(jnp.int32)
    emb_weight = jax.random.normal(k_emb, (VOCAB, D_MODEL), dtype=jnp.float32)
    return {"ids": ids, "emb_weight": emb_weight}


def reference(ids, emb_weight):
    # nn.Embedding forward: row gather from the table
    token_emb = jnp.take(emb_weight, ids, axis=0)  # [batch, length, d_model]
    return token_emb

if __name__ == "__main__":
    import jax
    _d = setup_inputs()
    print(jax.jit(kernel)(*tuple(_d.values())))

</pallas_src>

<mosaic_0001>
#map = affine_map<(d0, d1) -> (0, 0)>
#map1 = affine_map<(d0, d1) -> (0, 0, 0)>
module attributes {stable_mosaic.version = 14 : i64} {
  func.func @_embed_gather(%arg0: i32, %arg1: i32, %arg2: memref<1024x200xi32, #tpu.memory_space<hbm>>, %arg3: memref<1000000x64xf32, #tpu.memory_space<hbm>>, %arg4: memref<1024x200x64xf32, #tpu.memory_space<hbm>>, %arg5: memref<32x200xi32, #tpu.memory_space<vmem>>, %arg6: memref<200x64xf32, #tpu.memory_space<vmem>>, %arg7: memref<200x64xf32, #tpu.memory_space<vmem>>, %arg8: memref<200x64xf32, #tpu.memory_space<vmem>>, %arg9: memref<200x64xf32, #tpu.memory_space<vmem>>, %arg10: memref<!tpu.dma_semaphore, #tpu.memory_space<semaphore_mem>>, %arg11: memref<!tpu.dma_semaphore, #tpu.memory_space<semaphore_mem>>, %arg12: memref<!tpu.dma_semaphore, #tpu.memory_space<semaphore_mem>>, %arg13: memref<!tpu.dma_semaphore, #tpu.memory_space<semaphore_mem>>, %arg14: memref<!tpu.dma_semaphore, #tpu.memory_space<semaphore_mem>>, %arg15: memref<!tpu.dma_semaphore, #tpu.memory_space<semaphore_mem>>, %arg16: memref<!tpu.dma_semaphore, #tpu.memory_space<semaphore_mem>>, %arg17: memref<!tpu.dma_semaphore, #tpu.memory_space<semaphore_mem>>) attributes {dimension_semantics = [#tpu.dimension_semantics<core_parallel>, #tpu.dimension_semantics<subcore_parallel>], iteration_bounds = array<i64: 2, 16>, scalar_prefetch = 0 : i64, scratch_operands = 13 : i64, tpu.core_type = #tpu.core_type<sc_vector_subcore>, window_params = [{transform_indices = #map}, {transform_indices = #map}, {transform_indices = #map1}]} {
    %mul3A = arith.constant 2 : i32
    %mul3A_0 = arith.muli %arg1, %mul3A : i32
    %add3A = arith.addi %mul3A_0, %arg0 : i32
    %mul3A_1 = arith.constant 32 : i32
    %mul3A_2 = arith.muli %add3A, %mul3A_1 : i32
    "tpu.region"() ({
      %run_scoped3A = tpu.sem_alloc : memref<!tpu.dma_semaphore, #tpu.memory_space<semaphore_mem>>
      %dma_start3A_1025 = arith.constant 0 : i32
      %dma_start3A_1026 = tpu.memref_slice %arg2[%mul3A_2, %dma_start3A_1025] : memref<1024x200xi32, #tpu.memory_space<hbm>> -> memref<32x200xi32, #tpu.memory_space<hbm>>
      %dma_start3A_1027 = arith.constant 0 : i32
      %dma_start3A_1028 = tpu.memref_slice %arg2[%mul3A_2, %dma_start3A_1027] : memref<1024x200xi32, #tpu.memory_space<hbm>> -> memref<32x200xi32, #tpu.memory_space<hbm>>
      tpu.enqueue_dma source(%dma_start3A_1028 : memref<32x200xi32, #tpu.memory_space<hbm>>) target(%arg5 : memref<32x200xi32, #tpu.memory_space<vmem>>) target_semaphore(%run_scoped3A : memref<!tpu.dma_semaphore, #tpu.memory_space<semaphore_mem>>)
      %dma_wait3A_1029 = arith.constant 0 : i32
      %dma_wait3A_1030 = tpu.memref_slice %arg2[%mul3A_2, %dma_wait3A_1029] : memref<1024x200xi32, #tpu.memory_space<hbm>> -> memref<32x200xi32, #tpu.memory_space<hbm>>
      %dma_wait3A_1031 = arith.constant 0 : i32
      %dma_wait3A_1032 = tpu.memref_slice %arg2[%mul3A_2, %dma_wait3A_1031] : memref<1024x200xi32, #tpu.memory_space<hbm>> -> memref<32x200xi32, #tpu.memory_space<hbm>>
      tpu.wait_dma2 semaphore(%run_scoped3A : memref<!tpu.dma_semaphore, #tpu.memory_space<semaphore_mem>>) src(%dma_wait3A_1032 : memref<32x200xi32, #tpu.memory_space<hbm>>) dst(%arg5 : memref<32x200xi32, #tpu.memory_space<vmem>>)
      tpu.yield
    }) : () -> ()
    %dma_start3A = arith.constant 0 : i32
    %dma_start3A_3 = arith.constant 0 : i32
    %dma_start3A_4 = tpu.memref_slice %arg5[%dma_start3A, %dma_start3A_3] : memref<32x200xi32, #tpu.memory_space<vmem>> -> memref<1x200xi32, #tpu.memory_space<vmem>>
    %dma_start3A_5 = tpu.memref_squeeze %dma_start3A_4 : memref<1x200xi32, #tpu.memory_space<vmem>> -> memref<200xi32, #tpu.memory_space<vmem>>
    %dma_start3A_6 = arith.constant 0 : i32
    %dma_start3A_7 = arith.constant 0 : i32
    %dma_start3A_8 = tpu.memref_slice %arg3[%dma_start3A_6, %dma_start3A_7] : memref<1000000x64xf32, #tpu.memory_space<hbm>> -> memref<1000000x64xf32, #tpu.memory_space<hbm>>
    tpu.enqueue_indirect_dma source(%dma_start3A_8 : memref<1000000x64xf32, #tpu.memory_space<hbm>>) target(%arg6 : memref<200x64xf32, #tpu.memory_space<vmem>>) offsets(%dma_start3A_5 : memref<200xi32, #tpu.memory_space<vmem>>) semaphore(%arg10 : memref<!tpu.dma_semaphore, #tpu.memory_space<semaphore_mem>>)
    %dma_start3A_9 = arith.constant 1 : i32
    %dma_start3A_10 = arith.constant 0 : i32
    %dma_start3A_11 = tpu.memref_slice %arg5[%dma_start3A_9, %dma_start3A_10] : memref<32x200xi32, #tpu.memory_space<vmem>> -> memref<1x200xi32, #tpu.memory_space<vmem>>
    %dma_start3A_12 = tpu.memref_squeeze %dma_start3A_11 : memref<1x200xi32, #tpu.memory_space<vmem>> -> memref<200xi32, #tpu.memory_space<vmem>>
    %dma_start3A_13 = arith.constant 0 : i32
    %dma_start3A_14 = arith.constant 0 : i32
    %dma_start3A_15 = tpu.memref_slice %arg3[%dma_start3A_13, %dma_start3A_14] : memref<1000000x64xf32, #tpu.memory_space<hbm>> -> memref<1000000x64xf32, #tpu.memory_space<hbm>>
    tpu.enqueue_indirect_dma source(%dma_start3A_15 : memref<1000000x64xf32, #tpu.memory_space<hbm>>) target(%arg7 : memref<200x64xf32, #tpu.memory_space<vmem>>) offsets(%dma_start3A_12 : memref<200xi32, #tpu.memory_space<vmem>>) semaphore(%arg11 : memref<!tpu.dma_semaphore, #tpu.memory_space<semaphore_mem>>)
    %dma_wait3A = arith.constant 0 : i32
    %dma_wait3A_16 = arith.constant 0 : i32
    %dma_wait3A_17 = tpu.memref_slice %arg5[%dma_wait3A, %dma_wait3A_16] : memref<32x200xi32, #tpu.memory_space<vmem>> -> memref<1x200xi32, #tpu.memory_space<vmem>>
    %dma_wait3A_18 = tpu.memref_squeeze %dma_wait3A_17 : memref<1x200xi32, #tpu.memory_space<vmem>> -> memref<200xi32, #tpu.memory_space<vmem>>
    %dma_wait3A_19 = arith.constant 0 : i32
    %dma_wait3A_20 = arith.constant 0 : i32
    %dma_wait3A_21 = tpu.memref_slice %arg3[%dma_wait3A_19, %dma_wait3A_20] : memref<1000000x64xf32, #tpu.memory_space<hbm>> -> memref<1000000x64xf32, #tpu.memory_space<hbm>>
    tpu.wait_indirect_dma semaphore(%arg10 : memref<!tpu.dma_semaphore, #tpu.memory_space<semaphore_mem>>) src(%dma_wait3A_21 : memref<1000000x64xf32, #tpu.memory_space<hbm>>) dst(%arg6 : memref<200x64xf32, #tpu.memory_space<vmem>>)
    %add3A_22 = arith.constant 0 : i32
    %add3A_23 = arith.addi %mul3A_2, %add3A_22 : i32
    %dma_start3A_24 = arith.constant 0 : i32
    %dma_start3A_25 = arith.constant 0 : i32
    %dma_start3A_26 = tpu.memref_slice %arg4[%add3A_23, %dma_start3A_24, %dma_start3A_25] : memref<1024x200x64xf32, #tpu.memory_space<hbm>> -> memref<1x200x64xf32, #tpu.memory_space<hbm>>
    %dma_start3A_27 = tpu.memref_squeeze %dma_start3A_26 : memref<1x200x64xf32, #tpu.memory_space<hbm>> -> memref<200x64xf32, #tpu.memory_space<hbm>>
    %dma_start3A_28 = arith.constant 0 : i32
    %dma_start3A_29 = arith.constant 0 : i32
    %dma_start3A_30 = tpu.memref_slice %arg4[%add3A_23, %dma_start3A_28, %dma_start3A_29] : memref<1024x200x64xf32, #tpu.memory_space<hbm>> -> memref<1x200x64xf32, #tpu.memory_space<hbm>>
    %dma_start3A_31 = tpu.memref_squeeze %dma_start3A_30 : memref<1x200x64xf32, #tpu.memory_space<hbm>> -> memref<200x64xf32, #tpu.memory_space<hbm>>
    tpu.enqueue_dma source(%arg6 : memref<200x64xf32, #tpu.memory_space<vmem>>) target(%dma_start3A_31 : memref<200x64xf32, #tpu.memory_space<hbm>>) target_semaphore(%arg14 : memref<!tpu.dma_semaphore, #tpu.memory_space<semaphore_mem>>)
    %dma_start3A_32 = arith.constant 2 : i32
    %dma_start3A_33 = arith.constant 0 : i32
    %dma_start3A_34 = tpu.memref_slice %arg5[%dma_start3A_32, %dma_start3A_33] : memref<32x200xi32, #tpu.memory_space<vmem>> -> memref<1x200xi32, #tpu.memory_space<vmem>>
    %dma_start3A_35 = tpu.memref_squeeze %dma_start3A_34 : memref<1x200xi32, #tpu.memory_space<vmem>> -> memref<200xi32, #tpu.memory_space<vmem>>
    %dma_start3A_36 = arith.constant 0 : i32
    %dma_start3A_37 = arith.constant 0 : i32
    %dma_start3A_38 = tpu.memref_slice %arg3[%dma_start3A_36, %dma_start3A_37] : memref<1000000x64xf32, #tpu.memory_space<hbm>> -> memref<1000000x64xf32, #tpu.memory_space<hbm>>
    tpu.enqueue_indirect_dma source(%dma_start3A_38 : memref<1000000x64xf32, #tpu.memory_space<hbm>>) target(%arg8 : memref<200x64xf32, #tpu.memory_space<vmem>>) offsets(%dma_start3A_35 : memref<200xi32, #tpu.memory_space<vmem>>) semaphore(%arg12 : memref<!tpu.dma_semaphore, #tpu.memory_space<semaphore_mem>>)
    %dma_wait3A_39 = arith.constant 1 : i32
    %dma_wait3A_40 = arith.constant 0 : i32
    %dma_wait3A_41 = tpu.memref_slice %arg5[%dma_wait3A_39, %dma_wait3A_40] : memref<32x200xi32, #tpu.memory_space<vmem>> -> memref<1x200xi32, #tpu.memory_space<vmem>>
    %dma_wait3A_42 = tpu.memref_squeeze %dma_wait3A_41 : memref<1x200xi32, #tpu.memory_space<vmem>> -> memref<200xi32, #tpu.memory_space<vmem>>
    %dma_wait3A_43 = arith.constant 0 : i32
    %dma_wait3A_44 = arith.constant 0 : i32
    %dma_wait3A_45 = tpu.memref_slice %arg3[%dma_wait3A_43, %dma_wait3A_44] : memref<1000000x64xf32, #tpu.memory_space<hbm>> -> memref<1000000x64xf32, #tpu.memory_space<hbm>>
    tpu.wait_indirect_dma semaphore(%arg11 : memref<!tpu.dma_semaphore, #tpu.memory_space<semaphore_mem>>) src(%dma_wait3A_45 : memref<1000000x64xf32, #tpu.memory_space<hbm>>) dst(%arg7 : memref<200x64xf32, #tpu.memory_space<vmem>>)
    %add3A_46 = arith.constant 1 : i32
    %add3A_47 = arith.addi %mul3A_2, %add3A_46 : i32
    %dma_start3A_48 = arith.constant 0 : i32
    %dma_start3A_49 = arith.constant 0 : i32
    %dma_start3A_50 = tpu.memref_slice %arg4[%add3A_47, %dma_start3A_48, %dma_start3A_49] : memref<1024x200x64xf32, #tpu.memory_space<hbm>> -> memref<1x200x64xf32, #tpu.memory_space<hbm>>
    %dma_start3A_51 = tpu.memref_squeeze %dma_start3A_50 : memref<1x200x64xf32, #tpu.memory_space<hbm>> -> memref<200x64xf32, #tpu.memory_space<hbm>>
    %dma_start3A_52 = arith.constant 0 : i32
    %dma_start3A_53 = arith.constant 0 : i32
    %dma_start3A_54 = tpu.memref_slice %arg4[%add3A_47, %dma_start3A_52, %dma_start3A_53] : memref<1024x200x64xf32, #tpu.memory_space<hbm>> -> memref<1x200x64xf32, #tpu.memory_space<hbm>>
    %dma_start3A_55 = tpu.memref_squeeze %dma_start3A_54 : memref<1x200x64xf32, #tpu.memory_space<hbm>> -> memref<200x64xf32, #tpu.memory_space<hbm>>
    tpu.enqueue_dma source(%arg7 : memref<200x64xf32, #tpu.memory_space<vmem>>) target(%dma_start3A_55 : memref<200x64xf32, #tpu.memory_space<hbm>>) target_semaphore(%arg15 : memref<!tpu.dma_semaphore, #tpu.memory_space<semaphore_mem>>)
    %dma_start3A_56 = arith.constant 3 : i32
    %dma_start3A_57 = arith.constant 0 : i32
    %dma_start3A_58 = tpu.memref_slice %arg5[%dma_start3A_56, %dma_start3A_57] : memref<32x200xi32, #tpu.memory_space<vmem>> -> memref<1x200xi32, #tpu.memory_space<vmem>>
    %dma_start3A_59 = tpu.memref_squeeze %dma_start3A_58 : memref<1x200xi32, #tpu.memory_space<vmem>> -> memref<200xi32, #tpu.memory_space<vmem>>
    %dma_start3A_60 = arith.constant 0 : i32
    %dma_start3A_61 = arith.constant 0 : i32
    %dma_start3A_62 = tpu.memref_slice %arg3[%dma_start3A_60, %dma_start3A_61] : memref<1000000x64xf32, #tpu.memory_space<hbm>> -> memref<1000000x64xf32, #tpu.memory_space<hbm>>
    tpu.enqueue_indirect_dma source(%dma_start3A_62 : memref<1000000x64xf32, #tpu.memory_space<hbm>>) target(%arg9 : memref<200x64xf32, #tpu.memory_space<vmem>>) offsets(%dma_start3A_59 : memref<200xi32, #tpu.memory_space<vmem>>) semaphore(%arg13 : memref<!tpu.dma_semaphore, #tpu.memory_space<semaphore_mem>>)
    %dma_wait3A_63 = arith.constant 2 : i32
    %dma_wait3A_64 = arith.constant 0 : i32
    %dma_wait3A_65 = tpu.memref_slice %arg5[%dma_wait3A_63, %dma_wait3A_64] : memref<32x200xi32, #tpu.memory_space<vmem>> -> memref<1x200xi32, #tpu.memory_space<vmem>>
    %dma_wait3A_66 = tpu.memref_squeeze %dma_wait3A_65 : memref<1x200xi32, #tpu.memory_space<vmem>> -> memref<200xi32, #tpu.memory_space<vmem>>
    %dma_wait3A_67 = arith.constant 0 : i32
    %dma_wait3A_68 = arith.constant 0 : i32
    %dma_wait3A_69 = tpu.memref_slice %arg3[%dma_wait3A_67, %dma_wait3A_68] : memref<1000000x64xf32, #tpu.memory_space<hbm>> -> memref<1000000x64xf32, #tpu.memory_space<hbm>>
    tpu.wait_indirect_dma semaphore(%arg12 : memref<!tpu.dma_semaphore, #tpu.memory_space<semaphore_mem>>) src(%dma_wait3A_69 : memref<1000000x64xf32, #tpu.memory_space<hbm>>) dst(%arg8 : memref<200x64xf32, #tpu.memory_space<vmem>>)
    %add3A_70 = arith.constant 2 : i32
    %add3A_71 = arith.addi %mul3A_2, %add3A_70 : i32
    %dma_start3A_72 = arith.constant 0 : i32
    %dma_start3A_73 = arith.constant 0 : i32
    %dma_start3A_74 = tpu.memref_slice %arg4[%add3A_71, %dma_start3A_72, %dma_start3A_73] : memref<1024x200x64xf32, #tpu.memory_space<hbm>> -> memref<1x200x64xf32, #tpu.memory_space<hbm>>
    %dma_start3A_75 = tpu.memref_squeeze %dma_start3A_74 : memref<1x200x64xf32, #tpu.memory_space<hbm>> -> memref<200x64xf32, #tpu.memory_space<hbm>>
    %dma_start3A_76 = arith.constant 0 : i32
    %dma_start3A_77 = arith.constant 0 : i32
    %dma_start3A_78 = tpu.memref_slice %arg4[%add3A_71, %dma_start3A_76, %dma_start3A_77] : memref<1024x200x64xf32, #tpu.memory_space<hbm>> -> memref<1x200x64xf32, #tpu.memory_space<hbm>>
    %dma_start3A_79 = tpu.memref_squeeze %dma_start3A_78 : memref<1x200x64xf32, #tpu.memory_space<hbm>> -> memref<200x64xf32, #tpu.memory_space<hbm>>
    tpu.enqueue_dma source(%arg8 : memref<200x64xf32, #tpu.memory_space<vmem>>) target(%dma_start3A_79 : memref<200x64xf32, #tpu.memory_space<hbm>>) target_semaphore(%arg16 : memref<!tpu.dma_semaphore, #tpu.memory_space<semaphore_mem>>)
    %dma_wait3A_80 = arith.constant 0 : i32
    %dma_wait3A_81 = arith.constant 0 : i32
    %dma_wait3A_82 = tpu.memref_slice %arg4[%add3A_23, %dma_wait3A_80, %dma_wait3A_81] : memref<1024x200x64xf32, #tpu.memory_space<hbm>> -> memref<1x200x64xf32, #tpu.memory_space<hbm>>
    %dma_wait3A_83 = tpu.memref_squeeze %dma_wait3A_82 : memref<1x200x64xf32, #tpu.memory_space<hbm>> -> memref<200x64xf32, #tpu.memory_space<hbm>>
    %dma_wait3A_84 = arith.constant 0 : i32
    %dma_wait3A_85 = arith.constant 0 : i32
    %dma_wait3A_86 = tpu.memref_slice %arg4[%add3A_23, %dma_wait3A_84, %dma_wait3A_85] : memref<1024x200x64xf32, #tpu.memory_space<hbm>> -> memref<1x200x64xf32, #tpu.memory_space<hbm>>
    %dma_wait3A_87 = tpu.memref_squeeze %dma_wait3A_86 : memref<1x200x64xf32, #tpu.memory_space<hbm>> -> memref<200x64xf32, #tpu.memory_space<hbm>>
    tpu.wait_dma2 semaphore(%arg14 : memref<!tpu.dma_semaphore, #tpu.memory_space<semaphore_mem>>) src(%arg6 : memref<200x64xf32, #tpu.memory_space<vmem>>) dst(%dma_wait3A_87 : memref<200x64xf32, #tpu.memory_space<hbm>>)
    %dma_start3A_88 = arith.constant 4 : i32
    %dma_start3A_89 = arith.constant 0 : i32
    %dma_start3A_90 = tpu.memref_slice %arg5[%dma_start3A_88, %dma_start3A_89] : memref<32x200xi32, #tpu.memory_space<vmem>> -> memref<1x200xi32, #tpu.memory_space<vmem>>
    %dma_start3A_91 = tpu.memref_squeeze %dma_start3A_90 : memref<1x200xi32, #tpu.memory_space<vmem>> -> memref<200xi32, #tpu.memory_space<vmem>>
    %dma_start3A_92 = arith.constant 0 : i32
    %dma_start3A_93 = arith.constant 0 : i32
    %dma_start3A_94 = tpu.memref_slice %arg3[%dma_start3A_92, %dma_start3A_93] : memref<1000000x64xf32, #tpu.memory_space<hbm>> -> memref<1000000x64xf32, #tpu.memory_space<hbm>>
    tpu.enqueue_indirect_dma source(%dma_start3A_94 : memref<1000000x64xf32, #tpu.memory_space<hbm>>) target(%arg6 : memref<200x64xf32, #tpu.memory_space<vmem>>) offsets(%dma_start3A_91 : memref<200xi32, #tpu.memory_space<vmem>>) semaphore(%arg10 : memref<!tpu.dma_semaphore, #tpu.memory_space<semaphore_mem>>)
    %dma_wait3A_95 = arith.constant 3 : i32
    %dma_wait3A_96 = arith.constant 0 : i32
    %dma_wait3A_97 = tpu.memref_slice %arg5[%dma_wait3A_95, %dma_wait3A_96] : memref<32x200xi32, #tpu.memory_space<vmem>> -> memref<1x200xi32, #tpu.memory_space<vmem>>
    %dma_wait3A_98 = tpu.memref_squeeze %dma_wait3A_97 : memref<1x200xi32, #tpu.memory_space<vmem>> -> memref<200xi32, #tpu.memory_space<vmem>>
    %dma_wait3A_99 = arith.constant 0 : i32
    %dma_wait3A_100 = arith.constant 0 : i32
    %dma_wait3A_101 = tpu.memref_slice %arg3[%dma_wait3A_99, %dma_wait3A_100] : memref<1000000x64xf32, #tpu.memory_space<hbm>> -> memref<1000000x64xf32, #tpu.memory_space<hbm>>
    tpu.wait_indirect_dma semaphore(%arg13 : memref<!tpu.dma_semaphore, #tpu.memory_space<semaphore_mem>>) src(%dma_wait3A_101 : memref<1000000x64xf32, #tpu.memory_space<hbm>>) dst(%arg9 : memref<200x64xf32, #tpu.memory_space<vmem>>)
    %add3A_102 = arith.constant 3 : i32
    %add3A_103 = arith.addi %mul3A_2, %add3A_102 : i32
    %dma_start3A_104 = arith.constant 0 : i32
    %dma_start3A_105 = arith.constant 0 : i32
    %dma_start3A_106 = tpu.memref_slice %arg4[%add3A_103, %dma_start3A_104, %dma_start3A_105] : memref<1024x200x64xf32, #tpu.memory_space<hbm>> -> memref<1x200x64xf32, #tpu.memory_space<hbm>>
    %dma_start3A_107 = tpu.memref_squeeze %dma_start3A_106 : memref<1x200x64xf32, #tpu.memory_space<hbm>> -> memref<200x64xf32, #tpu.memory_space<hbm>>
    %dma_start3A_108 = arith.constant 0 : i32
    %dma_start3A_109 = arith.constant 0 : i32
    %dma_start3A_110 = tpu.memref_slice %arg4[%add3A_103, %dma_start3A_108, %dma_start3A_109] : memref<1024x200x64xf32, #tpu.memory_space<hbm>> -> memref<1x200x64xf32, #tpu.memory_space<hbm>>
    %dma_start3A_111 = tpu.memref_squeeze %dma_start3A_110 : memref<1x200x64xf32, #tpu.memory_space<hbm>> -> memref<200x64xf32, #tpu.memory_space<hbm>>
    tpu.enqueue_dma source(%arg9 : memref<200x64xf32, #tpu.memory_space<vmem>>) target(%dma_start3A_111 : memref<200x64xf32, #tpu.memory_space<hbm>>) target_semaphore(%arg17 : memref<!tpu.dma_semaphore, #tpu.memory_space<semaphore_mem>>)
    %dma_wait3A_112 = arith.constant 0 : i32
    %dma_wait3A_113 = arith.constant 0 : i32
    %dma_wait3A_114 = tpu.memref_slice %arg4[%add3A_47, %dma_wait3A_112, %dma_wait3A_113] : memref<1024x200x64xf32, #tpu.memory_space<hbm>> -> memref<1x200x64xf32, #tpu.memory_space<hbm>>
    %dma_wait3A_115 = tpu.memref_squeeze %dma_wait3A_114 : memref<1x200x64xf32, #tpu.memory_space<hbm>> -> memref<200x64xf32, #tpu.memory_space<hbm>>
    %dma_wait3A_116 = arith.constant 0 : i32
    %dma_wait3A_117 = arith.constant 0 : i32
    %dma_wait3A_118 = tpu.memref_slice %arg4[%add3A_47, %dma_wait3A_116, %dma_wait3A_117] : memref<1024x200x64xf32, #tpu.memory_space<hbm>> -> memref<1x200x64xf32, #tpu.memory_space<hbm>>
    %dma_wait3A_119 = tpu.memref_squeeze %dma_wait3A_118 : memref<1x200x64xf32, #tpu.memory_space<hbm>> -> memref<200x64xf32, #tpu.memory_space<hbm>>
    tpu.wait_dma2 semaphore(%arg15 : memref<!tpu.dma_semaphore, #tpu.memory_space<semaphore_mem>>) src(%arg7 : memref<200x64xf32, #tpu.memory_space<vmem>>) dst(%dma_wait3A_119 : memref<200x64xf32, #tpu.memory_space<hbm>>)
    %dma_start3A_120 = arith.constant 5 : i32
    %dma_start3A_121 = arith.constant 0 : i32
    %dma_start3A_122 = tpu.memref_slice %arg5[%dma_start3A_120, %dma_start3A_121] : memref<32x200xi32, #tpu.memory_space<vmem>> -> memref<1x200xi32, #tpu.memory_space<vmem>>
    %dma_start3A_123 = tpu.memref_squeeze %dma_start3A_122 : memref<1x200xi32, #tpu.memory_space<vmem>> -> memref<200xi32, #tpu.memory_space<vmem>>
    %dma_start3A_124 = arith.constant 0 : i32
    %dma_start3A_125 = arith.constant 0 : i32
    %dma_start3A_126 = tpu.memref_slice %arg3[%dma_start3A_124, %dma_start3A_125] : memref<1000000x64xf32, #tpu.memory_space<hbm>> -> memref<1000000x64xf32, #tpu.memory_space<hbm>>
    tpu.enqueue_indirect_dma source(%dma_start3A_126 : memref<1000000x64xf32, #tpu.memory_space<hbm>>) target(%arg7 : memref<200x64xf32, #tpu.memory_space<vmem>>) offsets(%dma_start3A_123 : memref<200xi32, #tpu.memory_space<vmem>>) semaphore(%arg11 : memref<!tpu.dma_semaphore, #tpu.memory_space<semaphore_mem>>)
    %dma_wait3A_127 = arith.constant 4 : i32
    %dma_wait3A_128 = arith.constant 0 : i32
    %dma_wait3A_129 = tpu.memref_slice %arg5[%dma_wait3A_127, %dma_wait3A_128] : memref<32x200xi32, #tpu.memory_space<vmem>> -> memref<1x200xi32, #tpu.memory_space<vmem>>
    %dma_wait3A_130 = tpu.memref_squeeze %dma_wait3A_129 : memref<1x200xi32, #tpu.memory_space<vmem>> -> memref<200xi32, #tpu.memory_space<vmem>>
    %dma_wait3A_131 = arith.constant 0 : i32
    %dma_wait3A_132 = arith.constant 0 : i32
    %dma_wait3A_133 = tpu.memref_slice %arg3[%dma_wait3A_131, %dma_wait3A_132] : memref<1000000x64xf32, #tpu.memory_space<hbm>> -> memref<1000000x64xf32, #tpu.memory_space<hbm>>
    tpu.wait_indirect_dma semaphore(%arg10 : memref<!tpu.dma_semaphore, #tpu.memory_space<semaphore_mem>>) src(%dma_wait3A_133 : memref<1000000x64xf32, #tpu.memory_space<hbm>>) dst(%arg6 : memref<200x64xf32, #tpu.memory_space<vmem>>)
    %add3A_134 = arith.constant 4 : i32
    %add3A_135 = arith.addi %mul3A_2, %add3A_134 : i32
    %dma_start3A_136 = arith.constant 0 : i32
    %dma_start3A_137 = arith.constant 0 : i32
    %dma_start3A_138 = tpu.memref_slice %arg4[%add3A_135, %dma_start3A_136, %dma_start3A_137] : memref<1024x200x64xf32, #tpu.memory_space<hbm>> -> memref<1x200x64xf32, #tpu.memory_space<hbm>>
    %dma_start3A_139 = tpu.memref_squeeze %dma_start3A_138 : memref<1x200x64xf32, #tpu.memory_space<hbm>> -> memref<200x64xf32, #tpu.memory_space<hbm>>
    %dma_start3A_140 = arith.constant 0 : i32
    %dma_start3A_141 = arith.constant 0 : i32
    %dma_start3A_142 = tpu.memref_slice %arg4[%add3A_135, %dma_start3A_140, %dma_start3A_141] : memref<1024x200x64xf32, #tpu.memory_space<hbm>> -> memref<1x200x64xf32, #tpu.memory_space<hbm>>
    %dma_start3A_143 = tpu.memref_squeeze %dma_start3A_142 : memref<1x200x64xf32, #tpu.memory_space<hbm>> -> memref<200x64xf32, #tpu.memory_space<hbm>>
    tpu.enqueue_dma source(%arg6 : memref<200x64xf32, #tpu.memory_space<vmem>>) target(%dma_start3A_143 : memref<200x64xf32, #tpu.memory_space<hbm>>) target_semaphore(%arg14 : memref<!tpu.dma_semaphore, #tpu.memory_space<semaphore_mem>>)
    %dma_wait3A_144 = arith.constant 0 : i32
    %dma_wait3A_145 = arith.constant 0 : i32
    %dma_wait3A_146 = tpu.memref_slice %arg4[%add3A_71, %dma_wait3A_144, %dma_wait3A_145] : memref<1024x200x64xf32, #tpu.memory_space<hbm>> -> memref<1x200x64xf32, #tpu.memory_space<hbm>>
    %dma_wait3A_147 = tpu.memref_squeeze %dma_wait3A_146 : memref<1x200x64xf32, #tpu.memory_space<hbm>> -> memref<200x64xf32, #tpu.memory_space<hbm>>
    %dma_wait3A_148 = arith.constant 0 : i32
    %dma_wait3A_149 = arith.constant 0 : i32
    %dma_wait3A_150 = tpu.memref_slice %arg4[%add3A_71, %dma_wait3A_148, %dma_wait3A_149] : memref<1024x200x64xf32, #tpu.memory_space<hbm>> -> memref<1x200x64xf32, #tpu.memory_space<hbm>>
    %dma_wait3A_151 = tpu.memref_squeeze %dma_wait3A_150 : memref<1x200x64xf32, #tpu.memory_space<hbm>> -> memref<200x64xf32, #tpu.memory_space<hbm>>
    tpu.wait_dma2 semaphore(%arg16 : memref<!tpu.dma_semaphore, #tpu.memory_space<semaphore_mem>>) src(%arg8 : memref<200x64xf32, #tpu.memory_space<vmem>>) dst(%dma_wait3A_151 : memref<200x64xf32, #tpu.memory_space<hbm>>)
    %dma_start3A_152 = arith.constant 6 : i32
    %dma_start3A_153 = arith.constant 0 : i32
    %dma_start3A_154 = tpu.memref_slice %arg5[%dma_start3A_152, %dma_start3A_153] : memref<32x200xi32, #tpu.memory_space<vmem>> -> memref<1x200xi32, #tpu.memory_space<vmem>>
    %dma_start3A_155 = tpu.memref_squeeze %dma_start3A_154 : memref<1x200xi32, #tpu.memory_space<vmem>> -> memref<200xi32, #tpu.memory_space<vmem>>
    %dma_start3A_156 = arith.constant 0 : i32
    %dma_start3A_157 = arith.constant 0 : i32
    %dma_start3A_158 = tpu.memref_slice %arg3[%dma_start3A_156, %dma_start3A_157] : memref<1000000x64xf32, #tpu.memory_space<hbm>> -> memref<1000000x64xf32, #tpu.memory_space<hbm>>
    tpu.enqueue_indirect_dma source(%dma_start3A_158 : memref<1000000x64xf32, #tpu.memory_space<hbm>>) target(%arg8 : memref<200x64xf32, #tpu.memory_space<vmem>>) offsets(%dma_start3A_155 : memref<200xi32, #tpu.memory_space<vmem>>) semaphore(%arg12 : memref<!tpu.dma_semaphore, #tpu.memory_space<semaphore_mem>>)
    %dma_wait3A_159 = arith.constant 5 : i32
    %dma_wait3A_160 = arith.constant 0 : i32
    %dma_wait3A_161 = tpu.memref_slice %arg5[%dma_wait3A_159, %dma_wait3A_160] : memref<32x200xi32, #tpu.memory_space<vmem>> -> memref<1x200xi32, #tpu.memory_space<vmem>>
    %dma_wait3A_162 = tpu.memref_squeeze %dma_wait3A_161 : memref<1x200xi32, #tpu.memory_space<vmem>> -> memref<200xi32, #tpu.memory_space<vmem>>
    %dma_wait3A_163 = arith.constant 0 : i32
    %dma_wait3A_164 = arith.constant 0 : i32
    %dma_wait3A_165 = tpu.memref_slice %arg3[%dma_wait3A_163, %dma_wait3A_164] : memref<1000000x64xf32, #tpu.memory_space<hbm>> -> memref<1000000x64xf32, #tpu.memory_space<hbm>>
    tpu.wait_indirect_dma semaphore(%arg11 : memref<!tpu.dma_semaphore, #tpu.memory_space<semaphore_mem>>) src(%dma_wait3A_165 : memref<1000000x64xf32, #tpu.memory_space<hbm>>) dst(%arg7 : memref<200x64xf32, #tpu.memory_space<vmem>>)
    %add3A_166 = arith.constant 5 : i32
    %add3A_167 = arith.addi %mul3A_2, %add3A_166 : i32
    %dma_start3A_168 = arith.constant 0 : i32
    %dma_start3A_169 = arith.constant 0 : i32
    %dma_start3A_170 = tpu.memref_slice %arg4[%add3A_167, %dma_start3A_168, %dma_start3A_169] : memref<1024x200x64xf32, #tpu.memory_space<hbm>> -> memref<1x200x64xf32, #tpu.memory_space<hbm>>
    %dma_start3A_171 = tpu.memref_squeeze %dma_start3A_170 : memref<1x200x64xf32, #tpu.memory_space<hbm>> -> memref<200x64xf32, #tpu.memory_space<hbm>>
    %dma_start3A_172 = arith.constant 0 : i32
    %dma_start3A_173 = arith.constant 0 : i32
    %dma_start3A_174 = tpu.memref_slice %arg4[%add3A_167, %dma_start3A_172, %dma_start3A_173] : memref<1024x200x64xf32, #tpu.memory_space<hbm>> -> memref<1x200x64xf32, #tpu.memory_space<hbm>>
    %dma_start3A_175 = tpu.memref_squeeze %dma_start3A_174 : memref<1x200x64xf32, #tpu.memory_space<hbm>> -> memref<200x64xf32, #tpu.memory_space<hbm>>
    tpu.enqueue_dma source(%arg7 : memref<200x64xf32, #tpu.memory_space<vmem>>) target(%dma_start3A_175 : memref<200x64xf32, #tpu.memory_space<hbm>>) target_semaphore(%arg15 : memref<!tpu.dma_semaphore, #tpu.memory_space<semaphore_mem>>)
    %dma_wait3A_176 = arith.constant 0 : i32
    %dma_wait3A_177 = arith.constant 0 : i32
    %dma_wait3A_178 = tpu.memref_slice %arg4[%add3A_103, %dma_wait3A_176, %dma_wait3A_177] : memref<1024x200x64xf32, #tpu.memory_space<hbm>> -> memref<1x200x64xf32, #tpu.memory_space<hbm>>
    %dma_wait3A_179 = tpu.memref_squeeze %dma_wait3A_178 : memref<1x200x64xf32, #tpu.memory_space<hbm>> -> memref<200x64xf32, #tpu.memory_space<hbm>>
    %dma_wait3A_180 = arith.constant 0 : i32
    %dma_wait3A_181 = arith.constant 0 : i32
    %dma_wait3A_182 = tpu.memref_slice %arg4[%add3A_103, %dma_wait3A_180, %dma_wait3A_181] : memref<1024x200x64xf32, #tpu.memory_space<hbm>> -> memref<1x200x64xf32, #tpu.memory_space<hbm>>
    %dma_wait3A_183 = tpu.memref_squeeze %dma_wait3A_182 : memref<1x200x64xf32, #tpu.memory_space<hbm>> -> memref<200x64xf32, #tpu.memory_space<hbm>>
    tpu.wait_dma2 semaphore(%arg17 : memref<!tpu.dma_semaphore, #tpu.memory_space<semaphore_mem>>) src(%arg9 : memref<200x64xf32, #tpu.memory_space<vmem>>) dst(%dma_wait3A_183 : memref<200x64xf32, #tpu.memory_space<hbm>>)
    %dma_start3A_184 = arith.constant 7 : i32
    %dma_start3A_185 = arith.constant 0 : i32
    %dma_start3A_186 = tpu.memref_slice %arg5[%dma_start3A_184, %dma_start3A_185] : memref<32x200xi32, #tpu.memory_space<vmem>> -> memref<1x200xi32, #tpu.memory_space<vmem>>
    %dma_start3A_187 = tpu.memref_squeeze %dma_start3A_186 : memref<1x200xi32, #tpu.memory_space<vmem>> -> memref<200xi32, #tpu.memory_space<vmem>>
    %dma_start3A_188 = arith.constant 0 : i32
    %dma_start3A_189 = arith.constant 0 : i32
    %dma_start3A_190 = tpu.memref_slice %arg3[%dma_start3A_188, %dma_start3A_189] : memref<1000000x64xf32, #tpu.memory_space<hbm>> -> memref<1000000x64xf32, #tpu.memory_space<hbm>>
    tpu.enqueue_indirect_dma source(%dma_start3A_190 : memref<1000000x64xf32, #tpu.memory_space<hbm>>) target(%arg9 : memref<200x64xf32, #tpu.memory_space<vmem>>) offsets(%dma_start3A_187 : memref<200xi32, #tpu.memory_space<vmem>>) semaphore(%arg13 : memref<!tpu.dma_semaphore, #tpu.memory_space<semaphore_mem>>)
    %dma_wait3A_191 = arith.constant 6 : i32
    %dma_wait3A_192 = arith.constant 0 : i32
    %dma_wait3A_193 = tpu.memref_slice %arg5[%dma_wait3A_191, %dma_wait3A_192] : memref<32x200xi32, #tpu.memory_space<vmem>> -> memref<1x200xi32, #tpu.memory_space<vmem>>
    %dma_wait3A_194 = tpu.memref_squeeze %dma_wait3A_193 : memref<1x200xi32, #tpu.memory_space<vmem>> -> memref<200xi32, #tpu.memory_space<vmem>>
    %dma_wait3A_195 = arith.constant 0 : i32
    %dma_wait3A_196 = arith.constant 0 : i32
    %dma_wait3A_197 = tpu.memref_slice %arg3[%dma_wait3A_195, %dma_wait3A_196] : memref<1000000x64xf32, #tpu.memory_space<hbm>> -> memref<1000000x64xf32, #tpu.memory_space<hbm>>
    tpu.wait_indirect_dma semaphore(%arg12 : memref<!tpu.dma_semaphore, #tpu.memory_space<semaphore_mem>>) src(%dma_wait3A_197 : memref<1000000x64xf32, #tpu.memory_space<hbm>>) dst(%arg8 : memref<200x64xf32, #tpu.memory_space<vmem>>)
    %add3A_198 = arith.constant 6 : i32
    %add3A_199 = arith.addi %mul3A_2, %add3A_198 : i32
    %dma_start3A_200 = arith.constant 0 : i32
    %dma_start3A_201 = arith.constant 0 : i32
    %dma_start3A_202 = tpu.memref_slice %arg4[%add3A_199, %dma_start3A_200, %dma_start3A_201] : memref<1024x200x64xf32, #tpu.memory_space<hbm>> -> memref<1x200x64xf32, #tpu.memory_space<hbm>>
    %dma_start3A_203 = tpu.memref_squeeze %dma_start3A_202 : memref<1x200x64xf32, #tpu.memory_space<hbm>> -> memref<200x64xf32, #tpu.memory_space<hbm>>
    %dma_start3A_204 = arith.constant 0 : i32
    %dma_start3A_205 = arith.constant 0 : i32
    %dma_start3A_206 = tpu.memref_slice %arg4[%add3A_199, %dma_start3A_204, %dma_start3A_205] : memref<1024x200x64xf32, #tpu.memory_space<hbm>> -> memref<1x200x64xf32, #tpu.memory_space<hbm>>
    %dma_start3A_207 = tpu.memref_squeeze %dma_start3A_206 : memref<1x200x64xf32, #tpu.memory_space<hbm>> -> memref<200x64xf32, #tpu.memory_space<hbm>>
    tpu.enqueue_dma source(%arg8 : memref<200x64xf32, #tpu.memory_space<vmem>>) target(%dma_start3A_207 : memref<200x64xf32, #tpu.memory_space<hbm>>) target_semaphore(%arg16 : memref<!tpu.dma_semaphore, #tpu.memory_space<semaphore_mem>>)
    %dma_wait3A_208 = arith.constant 0 : i32
    %dma_wait3A_209 = arith.constant 0 : i32
    %dma_wait3A_210 = tpu.memref_slice %arg4[%add3A_135, %dma_wait3A_208, %dma_wait3A_209] : memref<1024x200x64xf32, #tpu.memory_space<hbm>> -> memref<1x200x64xf32, #tpu.memory_space<hbm>>
    %dma_wait3A_211 = tpu.memref_squeeze %dma_wait3A_210 : memref<1x200x64xf32, #tpu.memory_space<hbm>> -> memref<200x64xf32, #tpu.memory_space<hbm>>
    %dma_wait3A_212 = arith.constant 0 : i32
    %dma_wait3A_213 = arith.constant 0 : i32
    %dma_wait3A_214 = tpu.memref_slice %arg4[%add3A_135, %dma_wait3A_212, %dma_wait3A_213] : memref<1024x200x64xf32, #tpu.memory_space<hbm>> -> memref<1x200x64xf32, #tpu.memory_space<hbm>>
    %dma_wait3A_215 = tpu.memref_squeeze %dma_wait3A_214 : memref<1x200x64xf32, #tpu.memory_space<hbm>> -> memref<200x64xf32, #tpu.memory_space<hbm>>
    tpu.wait_dma2 semaphore(%arg14 : memref<!tpu.dma_semaphore, #tpu.memory_space<semaphore_mem>>) src(%arg6 : memref<200x64xf32, #tpu.memory_space<vmem>>) dst(%dma_wait3A_215 : memref<200x64xf32, #tpu.memory_space<hbm>>)
    %dma_start3A_216 = arith.constant 8 : i32
    %dma_start3A_217 = arith.constant 0 : i32
    %dma_start3A_218 = tpu.memref_slice %arg5[%dma_start3A_216, %dma_start3A_217] : memref<32x200xi32, #tpu.memory_space<vmem>> -> memref<1x200xi32, #tpu.memory_space<vmem>>
    %dma_start3A_219 = tpu.memref_squeeze %dma_start3A_218 : memref<1x200xi32, #tpu.memory_space<vmem>> -> memref<200xi32, #tpu.memory_space<vmem>>
    %dma_start3A_220 = arith.constant 0 : i32
    %dma_start3A_221 = arith.constant 0 : i32
    %dma_start3A_222 = tpu.memref_slice %arg3[%dma_start3A_220, %dma_start3A_221] : memref<1000000x64xf32, #tpu.memory_space<hbm>> -> memref<1000000x64xf32, #tpu.memory_space<hbm>>
    tpu.enqueue_indirect_dma source(%dma_start3A_222 : memref<1000000x64xf32, #tpu.memory_space<hbm>>) target(%arg6 : memref<200x64xf32, #tpu.memory_space<vmem>>) offsets(%dma_start3A_219 : memref<200xi32, #tpu.memory_space<vmem>>) semaphore(%arg10 : memref<!tpu.dma_semaphore, #tpu.memory_space<semaphore_mem>>)
    %dma_wait3A_223 = arith.constant 7 : i32
    %dma_wait3A_224 = arith.constant 0 : i32
    %dma_wait3A_225 = tpu.memref_slice %arg5[%dma_wait3A_223, %dma_wait3A_224] : memref<32x200xi32, #tpu.memory_space<vmem>> -> memref<1x200xi32, #tpu.memory_space<vmem>>
    %dma_wait3A_226 = tpu.memref_squeeze %dma_wait3A_225 : memref<1x200xi32, #tpu.memory_space<vmem>> -> memref<200xi32, #tpu.memory_space<vmem>>
    %dma_wait3A_227 = arith.constant 0 : i32
    %dma_wait3A_228 = arith.constant 0 : i32
    %dma_wait3A_229 = tpu.memref_slice %arg3[%dma_wait3A_227, %dma_wait3A_228] : memref<1000000x64xf32, #tpu.memory_space<hbm>> -> memref<1000000x64xf32, #tpu.memory_space<hbm>>
    tpu.wait_indirect_dma semaphore(%arg13 : memref<!tpu.dma_semaphore, #tpu.memory_space<semaphore_mem>>) src(%dma_wait3A_229 : memref<1000000x64xf32, #tpu.memory_space<hbm>>) dst(%arg9 : memref<200x64xf32, #tpu.memory_space<vmem>>)
    %add3A_230 = arith.constant 7 : i32
    %add3A_231 = arith.addi %mul3A_2, %add3A_230 : i32
    %dma_start3A_232 = arith.constant 0 : i32
    %dma_start3A_233 = arith.constant 0 : i32
    %dma_start3A_234 = tpu.memref_slice %arg4[%add3A_231, %dma_start3A_232, %dma_start3A_233] : memref<1024x200x64xf32, #tpu.memory_space<hbm>> -> memref<1x200x64xf32, #tpu.memory_space<hbm>>
    %dma_start3A_235 = tpu.memref_squeeze %dma_start3A_234 : memref<1x200x64xf32, #tpu.memory_space<hbm>> -> memref<200x64xf32, #tpu.memory_space<hbm>>
    %dma_start3A_236 = arith.constant 0 : i32
    %dma_start3A_237 = arith.constant 0 : i32
    %dma_start3A_238 = tpu.memref_slice %arg4[%add3A_231, %dma_start3A_236, %dma_start3A_237] : memref<1024x200x64xf32, #tpu.memory_space<hbm>> -> memref<1x200x64xf32, #tpu.memory_space<hbm>>
    %dma_start3A_239 = tpu.memref_squeeze %dma_start3A_238 : memref<1x200x64xf32, #tpu.memory_space<hbm>> -> memref<200x64xf32, #tpu.memory_space<hbm>>
    tpu.enqueue_dma source(%arg9 : memref<200x64xf32, #tpu.memory_space<vmem>>) target(%dma_start3A_239 : memref<200x64xf32, #tpu.memory_space<hbm>>) target_semaphore(%arg17 : memref<!tpu.dma_semaphore, #tpu.memory_space<semaphore_mem>>)
    %dma_wait3A_240 = arith.constant 0 : i32
    %dma_wait3A_241 = arith.constant 0 : i32
    %dma_wait3A_242 = tpu.memref_slice %arg4[%add3A_167, %dma_wait3A_240, %dma_wait3A_241] : memref<1024x200x64xf32, #tpu.memory_space<hbm>> -> memref<1x200x64xf32, #tpu.memory_space<hbm>>
    %dma_wait3A_243 = tpu.memref_squeeze %dma_wait3A_242 : memref<1x200x64xf32, #tpu.memory_space<hbm>> -> memref<200x64xf32, #tpu.memory_space<hbm>>
    %dma_wait3A_244 = arith.constant 0 : i32
    %dma_wait3A_245 = arith.constant 0 : i32
    %dma_wait3A_246 = tpu.memref_slice %arg4[%add3A_167, %dma_wait3A_244, %dma_wait3A_245] : memref<1024x200x64xf32, #tpu.memory_space<hbm>> -> memref<1x200x64xf32, #tpu.memory_space<hbm>>
    %dma_wait3A_247 = tpu.memref_squeeze %dma_wait3A_246 : memref<1x200x64xf32, #tpu.memory_space<hbm>> -> memref<200x64xf32, #tpu.memory_space<hbm>>
    tpu.wait_dma2 semaphore(%arg15 : memref<!tpu.dma_semaphore, #tpu.memory_space<semaphore_mem>>) src(%arg7 : memref<200x64xf32, #tpu.memory_space<vmem>>) dst(%dma_wait3A_247 : memref<200x64xf32, #tpu.memory_space<hbm>>)
    %dma_start3A_248 = arith.constant 9 : i32
    %dma_start3A_249 = arith.constant 0 : i32
    %dma_start3A_250 = tpu.memref_slice %arg5[%dma_start3A_248, %dma_start3A_249] : memref<32x200xi32, #tpu.memory_space<vmem>> -> memref<1x200xi32, #tpu.memory_space<vmem>>
    %dma_start3A_251 = tpu.memref_squeeze %dma_start3A_250 : memref<1x200xi32, #tpu.memory_space<vmem>> -> memref<200xi32, #tpu.memory_space<vmem>>
    %dma_start3A_252 = arith.constant 0 : i32
    %dma_start3A_253 = arith.constant 0 : i32
    %dma_start3A_254 = tpu.memref_slice %arg3[%dma_start3A_252, %dma_start3A_253] : memref<1000000x64xf32, #tpu.memory_space<hbm>> -> memref<1000000x64xf32, #tpu.memory_space<hbm>>
    tpu.enqueue_indirect_dma source(%dma_start3A_254 : memref<1000000x64xf32, #tpu.memory_space<hbm>>) target(%arg7 : memref<200x64xf32, #tpu.memory_space<vmem>>) offsets(%dma_start3A_251 : memref<200xi32, #tpu.memory_space<vmem>>) semaphore(%arg11 : memref<!tpu.dma_semaphore, #tpu.memory_space<semaphore_mem>>)
    %dma_wait3A_255 = arith.constant 8 : i32
    %dma_wait3A_256 = arith.constant 0 : i32
    %dma_wait3A_257 = tpu.memref_slice %arg5[%dma_wait3A_255, %dma_wait3A_256] : memref<32x200xi32, #tpu.memory_space<vmem>> -> memref<1x200xi32, #tpu.memory_space<vmem>>
    %dma_wait3A_258 = tpu.memref_squeeze %dma_wait3A_257 : memref<1x200xi32, #tpu.memory_space<vmem>> -> memref<200xi32, #tpu.memory_space<vmem>>
    %dma_wait3A_259 = arith.constant 0 : i32
    %dma_wait3A_260 = arith.constant 0 : i32
    %dma_wait3A_261 = tpu.memref_slice %arg3[%dma_wait3A_259, %dma_wait3A_260] : memref<1000000x64xf32, #tpu.memory_space<hbm>> -> memref<1000000x64xf32, #tpu.memory_space<hbm>>
    tpu.wait_indirect_dma semaphore(%arg10 : memref<!tpu.dma_semaphore, #tpu.memory_space<semaphore_mem>>) src(%dma_wait3A_261 : memref<1000000x64xf32, #tpu.memory_space<hbm>>) dst(%arg6 : memref<200x64xf32, #tpu.memory_space<vmem>>)
    %add3A_262 = arith.constant 8 : i32
    %add3A_263 = arith.addi %mul3A_2, %add3A_262 : i32
    %dma_start3A_264 = arith.constant 0 : i32
    %dma_start3A_265 = arith.constant 0 : i32
    %dma_start3A_266 = tpu.memref_slice %arg4[%add3A_263, %dma_start3A_264, %dma_start3A_265] : memref<1024x200x64xf32, #tpu.memory_space<hbm>> -> memref<1x200x64xf32, #tpu.memory_space<hbm>>
    %dma_start3A_267 = tpu.memref_squeeze %dma_start3A_266 : memref<1x200x64xf32, #tpu.memory_space<hbm>> -> memref<200x64xf32, #tpu.memory_space<hbm>>
    %dma_start3A_268 = arith.constant 0 : i32
    %dma_start3A_269 = arith.constant 0 : i32
    %dma_start3A_270 = tpu.memref_slice %arg4[%add3A_263, %dma_start3A_268, %dma_start3A_269] : memref<1024x200x64xf32, #tpu.memory_space<hbm>> -> memref<1x200x64xf32, #tpu.memory_space<hbm>>
    %dma_start3A_271 = tpu.memref_squeeze %dma_start3A_270 : memref<1x200x64xf32, #tpu.memory_space<hbm>> -> memref<200x64xf32, #tpu.memory_space<hbm>>
    tpu.enqueue_dma source(%arg6 : memref<200x64xf32, #tpu.memory_space<vmem>>) target(%dma_start3A_271 : memref<200x64xf32, #tpu.memory_space<hbm>>) target_semaphore(%arg14 : memref<!tpu.dma_semaphore, #tpu.memory_space<semaphore_mem>>)
    %dma_wait3A_272 = arith.constant 0 : i32
    %dma_wait3A_273 = arith.constant 0 : i32
    %dma_wait3A_274 = tpu.memref_slice %arg4[%add3A_199, %dma_wait3A_272, %dma_wait3A_273] : memref<1024x200x64xf32, #tpu.memory_space<hbm>> -> memref<1x200x64xf32, #tpu.memory_space<hbm>>
    %dma_wait3A_275 = tpu.memref_squeeze %dma_wait3A_274 : memref<1x200x64xf32, #tpu.memory_space<hbm>> -> memref<200x64xf32, #tpu.memory_space<hbm>>
    %dma_wait3A_276 = arith.constant 0 : i32
    %dma_wait3A_277 = arith.constant 0 : i32
    %dma_wait3A_278 = tpu.memref_slice %arg4[%add3A_199, %dma_wait3A_276, %dma_wait3A_277] : memref<1024x200x64xf32, #tpu.memory_space<hbm>> -> memref<1x200x64xf32, #tpu.memory_space<hbm>>
    %dma_wait3A_279 = tpu.memref_squeeze %dma_wait3A_278 : memref<1x200x64xf32, #tpu.memory_space<hbm>> -> memref<200x64xf32, #tpu.memory_space<hbm>>
    tpu.wait_dma2 semaphore(%arg16 : memref<!tpu.dma_semaphore, #tpu.memory_space<semaphore_mem>>) src(%arg8 : memref<200x64xf32, #tpu.memory_space<vmem>>) dst(%dma_wait3A_279 : memref<200x64xf32, #tpu.memory_space<hbm>>)
    %dma_start3A_280 = arith.constant 10 : i32
    %dma_start3A_281 = arith.constant 0 : i32
    %dma_start3A_282 = tpu.memref_slice %arg5[%dma_start3A_280, %dma_start3A_281] : memref<32x200xi32, #tpu.memory_space<vmem>> -> memref<1x200xi32, #tpu.memory_space<vmem>>
    %dma_start3A_283 = tpu.memref_squeeze %dma_start3A_282 : memref<1x200xi32, #tpu.memory_space<vmem>> -> memref<200xi32, #tpu.memory_space<vmem>>
    %dma_start3A_284 = arith.constant 0 : i32
    %dma_start3A_285 = arith.constant 0 : i32
    %dma_start3A_286 = tpu.memref_slice %arg3[%dma_start3A_284, %dma_start3A_285] : memref<1000000x64xf32, #tpu.memory_space<hbm>> -> memref<1000000x64xf32, #tpu.memory_space<hbm>>
    tpu.enqueue_indirect_dma source(%dma_start3A_286 : memref<1000000x64xf32, #tpu.memory_space<hbm>>) target(%arg8 : memref<200x64xf32, #tpu.memory_space<vmem>>) offsets(%dma_start3A_283 : memref<200xi32, #tpu.memory_space<vmem>>) semaphore(%arg12 : memref<!tpu.dma_semaphore, #tpu.memory_space<semaphore_mem>>)
    %dma_wait3A_287 = arith.constant 9 : i32
    %dma_wait3A_288 = arith.constant 0 : i32
    %dma_wait3A_289 = tpu.memref_slice %arg5[%dma_wait3A_287, %dma_wait3A_288] : memref<32x200xi32, #tpu.memory_space<vmem>> -> memref<1x200xi32, #tpu.memory_space<vmem>>
    %dma_wait3A_290 = tpu.memref_squeeze %dma_wait3A_289 : memref<1x200xi32, #tpu.memory_space<vmem>> -> memref<200xi32, #tpu.memory_space<vmem>>
    %dma_wait3A_291 = arith.constant 0 : i32
    %dma_wait3A_292 = arith.constant 0 : i32
    %dma_wait3A_293 = tpu.memref_slice %arg3[%dma_wait3A_291, %dma_wait3A_292] : memref<1000000x64xf32, #tpu.memory_space<hbm>> -> memref<1000000x64xf32, #tpu.memory_space<hbm>>
    tpu.wait_indirect_dma semaphore(%arg11 : memref<!tpu.dma_semaphore, #tpu.memory_space<semaphore_mem>>) src(%dma_wait3A_293 : memref<1000000x64xf32, #tpu.memory_space<hbm>>) dst(%arg7 : memref<200x64xf32, #tpu.memory_space<vmem>>)
    %add3A_294 = arith.constant 9 : i32
    %add3A_295 = arith.addi %mul3A_2, %add3A_294 : i32
    %dma_start3A_296 = arith.constant 0 : i32
    %dma_start3A_297 = arith.constant 0 : i32
    %dma_start3A_298 = tpu.memref_slice %arg4[%add3A_295, %dma_start3A_296, %dma_start3A_297] : memref<1024x200x64xf32, #tpu.memory_space<hbm>> -> memref<1x200x64xf32, #tpu.memory_space<hbm>>
    %dma_start3A_299 = tpu.memref_squeeze %dma_start3A_298 : memref<1x200x64xf32, #tpu.memory_space<hbm>> -> memref<200x64xf32, #tpu.memory_space<hbm>>
    %dma_start3A_300 = arith.constant 0 : i32
    %dma_start3A_301 = arith.constant 0 : i32
    %dma_start3A_302 = tpu.memref_slice %arg4[%add3A_295, %dma_start3A_300, %dma_start3A_301] : memref<1024x200x64xf32, #tpu.memory_space<hbm>> -> memref<1x200x64xf32, #tpu.memory_space<hbm>>
    %dma_start3A_303 = tpu.memref_squeeze %dma_start3A_302 : memref<1x200x64xf32, #tpu.memory_space<hbm>> -> memref<200x64xf32, #tpu.memory_space<hbm>>
    tpu.enqueue_dma source(%arg7 : memref<200x64xf32, #tpu.memory_space<vmem>>) target(%dma_start3A_303 : memref<200x64xf32, #tpu.memory_space<hbm>>) target_semaphore(%arg15 : memref<!tpu.dma_semaphore, #tpu.memory_space<semaphore_mem>>)
    %dma_wait3A_304 = arith.constant 0 : i32
    %dma_wait3A_305 = arith.constant 0 : i32
    %dma_wait3A_306 = tpu.memref_slice %arg4[%add3A_231, %dma_wait3A_304, %dma_wait3A_305] : memref<1024x200x64xf32, #tpu.memory_space<hbm>> -> memref<1x200x64xf32, #tpu.memory_space<hbm>>
    %dma_wait3A_307 = tpu.memref_squeeze %dma_wait3A_306 : memref<1x200x64xf32, #tpu.memory_space<hbm>> -> memref<200x64xf32, #tpu.memory_space<hbm>>
    %dma_wait3A_308 = arith.constant 0 : i32
    %dma_wait3A_309 = arith.constant 0 : i32
    %dma_wait3A_310 = tpu.memref_slice %arg4[%add3A_231, %dma_wait3A_308, %dma_wait3A_309] : memref<1024x200x64xf32, #tpu.memory_space<hbm>> -> memref<1x200x64xf32, #tpu.memory_space<hbm>>
    %dma_wait3A_311 = tpu.memref_squeeze %dma_wait3A_310 : memref<1x200x64xf32, #tpu.memory_space<hbm>> -> memref<200x64xf32, #tpu.memory_space<hbm>>
    tpu.wait_dma2 semaphore(%arg17 : memref<!tpu.dma_semaphore, #tpu.memory_space<semaphore_mem>>) src(%arg9 : memref<200x64xf32, #tpu.memory_space<vmem>>) dst(%dma_wait3A_311 : memref<200x64xf32, #tpu.memory_space<hbm>>)
    %dma_start3A_312 = arith.constant 11 : i32
    %dma_start3A_313 = arith.constant 0 : i32
    %dma_start3A_314 = tpu.memref_slice %arg5[%dma_start3A_312, %dma_start3A_313] : memref<32x200xi32, #tpu.memory_space<vmem>> -> memref<1x200xi32, #tpu.memory_space<vmem>>
    %dma_start3A_315 = tpu.memref_squeeze %dma_start3A_314 : memref<1x200xi32, #tpu.memory_space<vmem>> -> memref<200xi32, #tpu.memory_space<vmem>>
    %dma_start3A_316 = arith.constant 0 : i32
    %dma_start3A_317 = arith.constant 0 : i32
    %dma_start3A_318 = tpu.memref_slice %arg3[%dma_start3A_316, %dma_start3A_317] : memref<1000000x64xf32, #tpu.memory_space<hbm>> -> memref<1000000x64xf32, #tpu.memory_space<hbm>>
    tpu.enqueue_indirect_dma source(%dma_start3A_318 : memref<1000000x64xf32, #tpu.memory_space<hbm>>) target(%arg9 : memref<200x64xf32, #tpu.memory_space<vmem>>) offsets(%dma_start3A_315 : memref<200xi32, #tpu.memory_space<vmem>>) semaphore(%arg13 : memref<!tpu.dma_semaphore, #tpu.memory_space<semaphore_mem>>)
    %dma_wait3A_319 = arith.constant 10 : i32
    %dma_wait3A_320 = arith.constant 0 : i32
    %dma_wait3A_321 = tpu.memref_slice %arg5[%dma_wait3A_319, %dma_wait3A_320] : memref<32x200xi32, #tpu.memory_space<vmem>> -> memref<1x200xi32, #tpu.memory_space<vmem>>
    %dma_wait3A_322 = tpu.memref_squeeze %dma_wait3A_321 : memref<1x200xi32, #tpu.memory_space<vmem>> -> memref<200xi32, #tpu.memory_space<vmem>>
    %dma_wait3A_323 = arith.constant 0 : i32
    %dma_wait3A_324 = arith.constant 0 : i32
    %dma_wait3A_325 = tpu.memref_slice %arg3[%dma_wait3A_323, %dma_wait3A_324] : memref<1000000x64xf32, #tpu.memory_space<hbm>> -> memref<1000000x64xf32, #tpu.memory_space<hbm>>
    tpu.wait_indirect_dma semaphore(%arg12 : memref<!tpu.dma_semaphore, #tpu.memory_space<semaphore_mem>>) src(%dma_wait3A_325 : memref<1000000x64xf32, #tpu.memory_space<hbm>>) dst(%arg8 : memref<200x64xf32, #tpu.memory_space<vmem>>)
    %add3A_326 = arith.constant 10 : i32
    %add3A_327 = arith.addi %mul3A_2, %add3A_326 : i32
    %dma_start3A_328 = arith.constant 0 : i32
    %dma_start3A_329 = arith.constant 0 : i32
    %dma_start3A_330 = tpu.memref_slice %arg4[%add3A_327, %dma_start3A_328, %dma_start3A_329] : memref<1024x200x64xf32, #tpu.memory_space<hbm>> -> memref<1x200x64xf32, #tpu.memory_space<hbm>>
    %dma_start3A_331 = tpu.memref_squeeze %dma_start3A_330 : memref<1x200x64xf32, #tpu.memory_space<hbm>> -> memref<200x64xf32, #tpu.memory_space<hbm>>
    %dma_start3A_332 = arith.constant 0 : i32
    %dma_start3A_333 = arith.constant 0 : i32
    %dma_start3A_334 = tpu.memref_slice %arg4[%add3A_327, %dma_start3A_332, %dma_start3A_333] : memref<1024x200x64xf32, #tpu.memory_space<hbm>> -> memref<1x200x64xf32, #tpu.memory_space<hbm>>
    %dma_start3A_335 = tpu.memref_squeeze %dma_start3A_334 : memref<1x200x64xf32, #tpu.memory_space<hbm>> -> memref<200x64xf32, #tpu.memory_space<hbm>>
    tpu.enqueue_dma source(%arg8 : memref<200x64xf32, #tpu.memory_space<vmem>>) target(%dma_start3A_335 : memref<200x64xf32, #tpu.memory_space<hbm>>) target_semaphore(%arg16 : memref<!tpu.dma_semaphore, #tpu.memory_space<semaphore_mem>>)
    %dma_wait3A_336 = arith.constant 0 : i32
    %dma_wait3A_337 = arith.constant 0 : i32
    %dma_wait3A_338 = tpu.memref_slice %arg4[%add3A_263, %dma_wait3A_336, %dma_wait3A_337] : memref<1024x200x64xf32, #tpu.memory_space<hbm>> -> memref<1x200x64xf32, #tpu.memory_space<hbm>>
    %dma_wait3A_339 = tpu.memref_squeeze %dma_wait3A_338 : memref<1x200x64xf32, #tpu.memory_space<hbm>> -> memref<200x64xf32, #tpu.memory_space<hbm>>
    %dma_wait3A_340 = arith.constant 0 : i32
    %dma_wait3A_341 = arith.constant 0 : i32
    %dma_wait3A_342 = tpu.memref_slice %arg4[%add3A_263, %dma_wait3A_340, %dma_wait3A_341] : memref<1024x200x64xf32, #tpu.memory_space<hbm>> -> memref<1x200x64xf32, #tpu.memory_space<hbm>>
    %dma_wait3A_343 = tpu.memref_squeeze %dma_wait3A_342 : memref<1x200x64xf32, #tpu.memory_space<hbm>> -> memref<200x64xf32, #tpu.memory_space<hbm>>
    tpu.wait_dma2 semaphore(%arg14 : memref<!tpu.dma_semaphore, #tpu.memory_space<semaphore_mem>>) src(%arg6 : memref<200x64xf32, #tpu.memory_space<vmem>>) dst(%dma_wait3A_343 : memref<200x64xf32, #tpu.memory_space<hbm>>)
    %dma_start3A_344 = arith.constant 12 : i32
    %dma_start3A_345 = arith.constant 0 : i32
    %dma_start3A_346 = tpu.memref_slice %arg5[%dma_start3A_344, %dma_start3A_345] : memref<32x200xi32, #tpu.memory_space<vmem>> -> memref<1x200xi32, #tpu.memory_space<vmem>>
    %dma_start3A_347 = tpu.memref_squeeze %dma_start3A_346 : memref<1x200xi32, #tpu.memory_space<vmem>> -> memref<200xi32, #tpu.memory_space<vmem>>
    %dma_start3A_348 = arith.constant 0 : i32
    %dma_start3A_349 = arith.constant 0 : i32
    %dma_start3A_350 = tpu.memref_slice %arg3[%dma_start3A_348, %dma_start3A_349] : memref<1000000x64xf32, #tpu.memory_space<hbm>> -> memref<1000000x64xf32, #tpu.memory_space<hbm>>
    tpu.enqueue_indirect_dma source(%dma_start3A_350 : memref<1000000x64xf32, #tpu.memory_space<hbm>>) target(%arg6 : memref<200x64xf32, #tpu.memory_space<vmem>>) offsets(%dma_start3A_347 : memref<200xi32, #tpu.memory_space<vmem>>) semaphore(%arg10 : memref<!tpu.dma_semaphore, #tpu.memory_space<semaphore_mem>>)
    %dma_wait3A_351 = arith.constant 11 : i32
    %dma_wait3A_352 = arith.constant 0 : i32
    %dma_wait3A_353 = tpu.memref_slice %arg5[%dma_wait3A_351, %dma_wait3A_352] : memref<32x200xi32, #tpu.memory_space<vmem>> -> memref<1x200xi32, #tpu.memory_space<vmem>>
    %dma_wait3A_354 = tpu.memref_squeeze %dma_wait3A_353 : memref<1x200xi32, #tpu.memory_space<vmem>> -> memref<200xi32, #tpu.memory_space<vmem>>
    %dma_wait3A_355 = arith.constant 0 : i32
    %dma_wait3A_356 = arith.constant 0 : i32
    %dma_wait3A_357 = tpu.memref_slice %arg3[%dma_wait3A_355, %dma_wait3A_356] : memref<1000000x64xf32, #tpu.memory_space<hbm>> -> memref<1000000x64xf32, #tpu.memory_space<hbm>>
    tpu.wait_indirect_dma semaphore(%arg13 : memref<!tpu.dma_semaphore, #tpu.memory_space<semaphore_mem>>) src(%dma_wait3A_357 : memref<1000000x64xf32, #tpu.memory_space<hbm>>) dst(%arg9 : memref<200x64xf32, #tpu.memory_space<vmem>>)
    %add3A_358 = arith.constant 11 : i32
    %add3A_359 = arith.addi %mul3A_2, %add3A_358 : i32
    %dma_start3A_360 = arith.constant 0 : i32
    %dma_start3A_361 = arith.constant 0 : i32
    %dma_start3A_362 = tpu.memref_slice %arg4[%add3A_359, %dma_start3A_360, %dma_start3A_361] : memref<1024x200x64xf32, #tpu.memory_space<hbm>> -> memref<1x200x64xf32, #tpu.memory_space<hbm>>
    %dma_start3A_363 = tpu.memref_squeeze %dma_start3A_362 : memref<1x200x64xf32, #tpu.memory_space<hbm>> -> memref<200x64xf32, #tpu.memory_space<hbm>>
    %dma_start3A_364 = arith.constant 0 : i32
    %dma_start3A_365 = arith.constant 0 : i32
    %dma_start3A_366 = tpu.memref_slice %arg4[%add3A_359, %dma_start3A_364, %dma_start3A_365] : memref<1024x200x64xf32, #tpu.memory_space<hbm>> -> memref<1x200x64xf32, #tpu.memory_space<hbm>>
    %dma_start3A_367 = tpu.memref_squeeze %dma_start3A_366 : memref<1x200x64xf32, #tpu.memory_space<hbm>> -> memref<200x64xf32, #tpu.memory_space<hbm>>
    tpu.enqueue_dma source(%arg9 : memref<200x64xf32, #tpu.memory_space<vmem>>) target(%dma_start3A_367 : memref<200x64xf32, #tpu.memory_space<hbm>>) target_semaphore(%arg17 : memref<!tpu.dma_semaphore, #tpu.memory_space<semaphore_mem>>)
    %dma_wait3A_368 = arith.constant 0 : i32
    %dma_wait3A_369 = arith.constant 0 : i32
    %dma_wait3A_370 = tpu.memref_slice %arg4[%add3A_295, %dma_wait3A_368, %dma_wait3A_369] : memref<1024x200x64xf32, #tpu.memory_space<hbm>> -> memref<1x200x64xf32, #tpu.memory_space<hbm>>
    %dma_wait3A_371 = tpu.memref_squeeze %dma_wait3A_370 : memref<1x200x64xf32, #tpu.memory_space<hbm>> -> memref<200x64xf32, #tpu.memory_space<hbm>>
    %dma_wait3A_372 = arith.constant 0 : i32
    %dma_wait3A_373 = arith.constant 0 : i32
    %dma_wait3A_374 = tpu.memref_slice %arg4[%add3A_295, %dma_wait3A_372, %dma_wait3A_373] : memref<1024x200x64xf32, #tpu.memory_space<hbm>> -> memref<1x200x64xf32, #tpu.memory_space<hbm>>
    %dma_wait3A_375 = tpu.memref_squeeze %dma_wait3A_374 : memref<1x200x64xf32, #tpu.memory_space<hbm>> -> memref<200x64xf32, #tpu.memory_space<hbm>>
    tpu.wait_dma2 semaphore(%arg15 : memref<!tpu.dma_semaphore, #tpu.memory_space<semaphore_mem>>) src(%arg7 : memref<200x64xf32, #tpu.memory_space<vmem>>) dst(%dma_wait3A_375 : memref<200x64xf32, #tpu.memory_space<hbm>>)
    %dma_start3A_376 = arith.constant 13 : i32
    %dma_start3A_377 = arith.constant 0 : i32
    %dma_start3A_378 = tpu.memref_slice %arg5[%dma_start3A_376, %dma_start3A_377] : memref<32x200xi32, #tpu.memory_space<vmem>> -> memref<1x200xi32, #tpu.memory_space<vmem>>
    %dma_start3A_379 = tpu.memref_squeeze %dma_start3A_378 : memref<1x200xi32, #tpu.memory_space<vmem>> -> memref<200xi32, #tpu.memory_space<vmem>>
    %dma_start3A_380 = arith.constant 0 : i32
    %dma_start3A_381 = arith.constant 0 : i32
    %dma_start3A_382 = tpu.memref_slice %arg3[%dma_start3A_380, %dma_start3A_381] : memref<1000000x64xf32, #tpu.memory_space<hbm>> -> memref<1000000x64xf32, #tpu.memory_space<hbm>>
    tpu.enqueue_indirect_dma source(%dma_start3A_382 : memref<1000000x64xf32, #tpu.memory_space<hbm>>) target(%arg7 : memref<200x64xf32, #tpu.memory_space<vmem>>) offsets(%dma_start3A_379 : memref<200xi32, #tpu.memory_space<vmem>>) semaphore(%arg11 : memref<!tpu.dma_semaphore, #tpu.memory_space<semaphore_mem>>)
    %dma_wait3A_383 = arith.constant 12 : i32
    %dma_wait3A_384 = arith.constant 0 : i32
    %dma_wait3A_385 = tpu.memref_slice %arg5[%dma_wait3A_383, %dma_wait3A_384] : memref<32x200xi32, #tpu.memory_space<vmem>> -> memref<1x200xi32, #tpu.memory_space<vmem>>
    %dma_wait3A_386 = tpu.memref_squeeze %dma_wait3A_385 : memref<1x200xi32, #tpu.memory_space<vmem>> -> memref<200xi32, #tpu.memory_space<vmem>>
    %dma_wait3A_387 = arith.constant 0 : i32
    %dma_wait3A_388 = arith.constant 0 : i32
    %dma_wait3A_389 = tpu.memref_slice %arg3[%dma_wait3A_387, %dma_wait3A_388] : memref<1000000x64xf32, #tpu.memory_space<hbm>> -> memref<1000000x64xf32, #tpu.memory_space<hbm>>
    tpu.wait_indirect_dma semaphore(%arg10 : memref<!tpu.dma_semaphore, #tpu.memory_space<semaphore_mem>>) src(%dma_wait3A_389 : memref<1000000x64xf32, #tpu.memory_space<hbm>>) dst(%arg6 : memref<200x64xf32, #tpu.memory_space<vmem>>)
    %add3A_390 = arith.constant 12 : i32
    %add3A_391 = arith.addi %mul3A_2, %add3A_390 : i32
    %dma_start3A_392 = arith.constant 0 : i32
    %dma_start3A_393 = arith.constant 0 : i32
    %dma_start3A_394 = tpu.memref_slice %arg4[%add3A_391, %dma_start3A_392, %dma_start3A_393] : memref<1024x200x64xf32, #tpu.memory_space<hbm>> -> memref<1x200x64xf32, #tpu.memory_space<hbm>>
    %dma_start3A_395 = tpu.memref_squeeze %dma_start3A_394 : memref<1x200x64xf32, #tpu.memory_space<hbm>> -> memref<200x64xf32, #tpu.memory_space<hbm>>
    %dma_start3A_396 = arith.constant 0 : i32
    %dma_start3A_397 = arith.constant 0 : i32
    %dma_start3A_398 = tpu.memref_slice %arg4[%add3A_391, %dma_start3A_396, %dma_start3A_397] : memref<1024x200x64xf32, #tpu.memory_space<hbm>> -> memref<1x200x64xf32, #tpu.memory_space<hbm>>
    %dma_start3A_399 = tpu.memref_squeeze %dma_start3A_398 : memref<1x200x64xf32, #tpu.memory_space<hbm>> -> memref<200x64xf32, #tpu.memory_space<hbm>>
    tpu.enqueue_dma source(%arg6 : memref<200x64xf32, #tpu.memory_space<vmem>>) target(%dma_start3A_399 : memref<200x64xf32, #tpu.memory_space<hbm>>) target_semaphore(%arg14 : memref<!tpu.dma_semaphore, #tpu.memory_space<semaphore_mem>>)
    %dma_wait3A_400 = arith.constant 0 : i32
    %dma_wait3A_401 = arith.constant 0 : i32
    %dma_wait3A_402 = tpu.memref_slice %arg4[%add3A_327, %dma_wait3A_400, %dma_wait3A_401] : memref<1024x200x64xf32, #tpu.memory_space<hbm>> -> memref<1x200x64xf32, #tpu.memory_space<hbm>>
    %dma_wait3A_403 = tpu.memref_squeeze %dma_wait3A_402 : memref<1x200x64xf32, #tpu.memory_space<hbm>> -> memref<200x64xf32, #tpu.memory_space<hbm>>
    %dma_wait3A_404 = arith.constant 0 : i32
    %dma_wait3A_405 = arith.constant 0 : i32
    %dma_wait3A_406 = tpu.memref_slice %arg4[%add3A_327, %dma_wait3A_404, %dma_wait3A_405] : memref<1024x200x64xf32, #tpu.memory_space<hbm>> -> memref<1x200x64xf32, #tpu.memory_space<hbm>>
    %dma_wait3A_407 = tpu.memref_squeeze %dma_wait3A_406 : memref<1x200x64xf32, #tpu.memory_space<hbm>> -> memref<200x64xf32, #tpu.memory_space<hbm>>
    tpu.wait_dma2 semaphore(%arg16 : memref<!tpu.dma_semaphore, #tpu.memory_space<semaphore_mem>>) src(%arg8 : memref<200x64xf32, #tpu.memory_space<vmem>>) dst(%dma_wait3A_407 : memref<200x64xf32, #tpu.memory_space<hbm>>)
    %dma_start3A_408 = arith.constant 14 : i32
    %dma_start3A_409 = arith.constant 0 : i32
    %dma_start3A_410 = tpu.memref_slice %arg5[%dma_start3A_408, %dma_start3A_409] : memref<32x200xi32, #tpu.memory_space<vmem>> -> memref<1x200xi32, #tpu.memory_space<vmem>>
    %dma_start3A_411 = tpu.memref_squeeze %dma_start3A_410 : memref<1x200xi32, #tpu.memory_space<vmem>> -> memref<200xi32, #tpu.memory_space<vmem>>
    %dma_start3A_412 = arith.constant 0 : i32
    %dma_start3A_413 = arith.constant 0 : i32
    %dma_start3A_414 = tpu.memref_slice %arg3[%dma_start3A_412, %dma_start3A_413] : memref<1000000x64xf32, #tpu.memory_space<hbm>> -> memref<1000000x64xf32, #tpu.memory_space<hbm>>
    tpu.enqueue_indirect_dma source(%dma_start3A_414 : memref<1000000x64xf32, #tpu.memory_space<hbm>>) target(%arg8 : memref<200x64xf32, #tpu.memory_space<vmem>>) offsets(%dma_start3A_411 : memref<200xi32, #tpu.memory_space<vmem>>) semaphore(%arg12 : memref<!tpu.dma_semaphore, #tpu.memory_space<semaphore_mem>>)
    %dma_wait3A_415 = arith.constant 13 : i32
    %dma_wait3A_416 = arith.constant 0 : i32
    %dma_wait3A_417 = tpu.memref_slice %arg5[%dma_wait3A_415, %dma_wait3A_416] : memref<32x200xi32, #tpu.memory_space<vmem>> -> memref<1x200xi32, #tpu.memory_space<vmem>>
    %dma_wait3A_418 = tpu.memref_squeeze %dma_wait3A_417 : memref<1x200xi32, #tpu.memory_space<vmem>> -> memref<200xi32, #tpu.memory_space<vmem>>
    %dma_wait3A_419 = arith.constant 0 : i32
    %dma_wait3A_420 = arith.constant 0 : i32
    %dma_wait3A_421 = tpu.memref_slice %arg3[%dma_wait3A_419, %dma_wait3A_420] : memref<1000000x64xf32, #tpu.memory_space<hbm>> -> memref<1000000x64xf32, #tpu.memory_space<hbm>>
    tpu.wait_indirect_dma semaphore(%arg11 : memref<!tpu.dma_semaphore, #tpu.memory_space<semaphore_mem>>) src(%dma_wait3A_421 : memref<1000000x64xf32, #tpu.memory_space<hbm>>) dst(%arg7 : memref<200x64xf32, #tpu.memory_space<vmem>>)
    %add3A_422 = arith.constant 13 : i32
    %add3A_423 = arith.addi %mul3A_2, %add3A_422 : i32
    %dma_start3A_424 = arith.constant 0 : i32
    %dma_start3A_425 = arith.constant 0 : i32
    %dma_start3A_426 = tpu.memref_slice %arg4[%add3A_423, %dma_start3A_424, %dma_start3A_425] : memref<1024x200x64xf32, #tpu.memory_space<hbm>> -> memref<1x200x64xf32, #tpu.memory_space<hbm>>
    %dma_start3A_427 = tpu.memref_squeeze %dma_start3A_426 : memref<1x200x64xf32, #tpu.memory_space<hbm>> -> memref<200x64xf32, #tpu.memory_space<hbm>>
    %dma_start3A_428 = arith.constant 0 : i32
    %dma_start3A_429 = arith.constant 0 : i32
    %dma_start3A_430 = tpu.memref_slice %arg4[%add3A_423, %dma_start3A_428, %dma_start3A_429] : memref<1024x200x64xf32, #tpu.memory_space<hbm>> -> memref<1x200x64xf32, #tpu.memory_space<hbm>>
    %dma_start3A_431 = tpu.memref_squeeze %dma_start3A_430 : memref<1x200x64xf32, #tpu.memory_space<hbm>> -> memref<200x64xf32, #tpu.memory_space<hbm>>
    tpu.enqueue_dma source(%arg7 : memref<200x64xf32, #tpu.memory_space<vmem>>) target(%dma_start3A_431 : memref<200x64xf32, #tpu.memory_space<hbm>>) target_semaphore(%arg15 : memref<!tpu.dma_semaphore, #tpu.memory_space<semaphore_mem>>)
    %dma_wait3A_432 = arith.constant 0 : i32
    %dma_wait3A_433 = arith.constant 0 : i32
    %dma_wait3A_434 = tpu.memref_slice %arg4[%add3A_359, %dma_wait3A_432, %dma_wait3A_433] : memref<1024x200x64xf32, #tpu.memory_space<hbm>> -> memref<1x200x64xf32, #tpu.memory_space<hbm>>
    %dma_wait3A_435 = tpu.memref_squeeze %dma_wait3A_434 : memref<1x200x64xf32, #tpu.memory_space<hbm>> -> memref<200x64xf32, #tpu.memory_space<hbm>>
    %dma_wait3A_436 = arith.constant 0 : i32
    %dma_wait3A_437 = arith.constant 0 : i32
    %dma_wait3A_438 = tpu.memref_slice %arg4[%add3A_359, %dma_wait3A_436, %dma_wait3A_437] : memref<1024x200x64xf32, #tpu.memory_space<hbm>> -> memref<1x200x64xf32, #tpu.memory_space<hbm>>
    %dma_wait3A_439 = tpu.memref_squeeze %dma_wait3A_438 : memref<1x200x64xf32, #tpu.memory_space<hbm>> -> memref<200x64xf32, #tpu.memory_space<hbm>>
    tpu.wait_dma2 semaphore(%arg17 : memref<!tpu.dma_semaphore, #tpu.memory_space<semaphore_mem>>) src(%arg9 : memref<200x64xf32, #tpu.memory_space<vmem>>) dst(%dma_wait3A_439 : memref<200x64xf32, #tpu.memory_space<hbm>>)
    %dma_start3A_440 = arith.constant 15 : i32
    %dma_start3A_441 = arith.constant 0 : i32
    %dma_start3A_442 = tpu.memref_slice %arg5[%dma_start3A_440, %dma_start3A_441] : memref<32x200xi32, #tpu.memory_space<vmem>> -> memref<1x200xi32, #tpu.memory_space<vmem>>
    %dma_start3A_443 = tpu.memref_squeeze %dma_start3A_442 : memref<1x200xi32, #tpu.memory_space<vmem>> -> memref<200xi32, #tpu.memory_space<vmem>>
    %dma_start3A_444 = arith.constant 0 : i32
    %dma_start3A_445 = arith.constant 0 : i32
    %dma_start3A_446 = tpu.memref_slice %arg3[%dma_start3A_444, %dma_start3A_445] : memref<1000000x64xf32, #tpu.memory_space<hbm>> -> memref<1000000x64xf32, #tpu.memory_space<hbm>>
    tpu.enqueue_indirect_dma source(%dma_start3A_446 : memref<1000000x64xf32, #tpu.memory_space<hbm>>) target(%arg9 : memref<200x64xf32, #tpu.memory_space<vmem>>) offsets(%dma_start3A_443 : memref<200xi32, #tpu.memory_space<vmem>>) semaphore(%arg13 : memref<!tpu.dma_semaphore, #tpu.memory_space<semaphore_mem>>)
    %dma_wait3A_447 = arith.constant 14 : i32
    %dma_wait3A_448 = arith.constant 0 : i32
    %dma_wait3A_449 = tpu.memref_slice %arg5[%dma_wait3A_447, %dma_wait3A_448] : memref<32x200xi32, #tpu.memory_space<vmem>> -> memref<1x200xi32, #tpu.memory_space<vmem>>
    %dma_wait3A_450 = tpu.memref_squeeze %dma_wait3A_449 : memref<1x200xi32, #tpu.memory_space<vmem>> -> memref<200xi32, #tpu.memory_space<vmem>>
    %dma_wait3A_451 = arith.constant 0 : i32
    %dma_wait3A_452 = arith.constant 0 : i32
    %dma_wait3A_453 = tpu.memref_slice %arg3[%dma_wait3A_451, %dma_wait3A_452] : memref<1000000x64xf32, #tpu.memory_space<hbm>> -> memref<1000000x64xf32, #tpu.memory_space<hbm>>
    tpu.wait_indirect_dma semaphore(%arg12 : memref<!tpu.dma_semaphore, #tpu.memory_space<semaphore_mem>>) src(%dma_wait3A_453 : memref<1000000x64xf32, #tpu.memory_space<hbm>>) dst(%arg8 : memref<200x64xf32, #tpu.memory_space<vmem>>)
    %add3A_454 = arith.constant 14 : i32
    %add3A_455 = arith.addi %mul3A_2, %add3A_454 : i32
    %dma_start3A_456 = arith.constant 0 : i32
    %dma_start3A_457 = arith.constant 0 : i32
    %dma_start3A_458 = tpu.memref_slice %arg4[%add3A_455, %dma_start3A_456, %dma_start3A_457] : memref<1024x200x64xf32, #tpu.memory_space<hbm>> -> memref<1x200x64xf32, #tpu.memory_space<hbm>>
    %dma_start3A_459 = tpu.memref_squeeze %dma_start3A_458 : memref<1x200x64xf32, #tpu.memory_space<hbm>> -> memref<200x64xf32, #tpu.memory_space<hbm>>
    %dma_start3A_460 = arith.constant 0 : i32
    %dma_start3A_461 = arith.constant 0 : i32
    %dma_start3A_462 = tpu.memref_slice %arg4[%add3A_455, %dma_start3A_460, %dma_start3A_461] : memref<1024x200x64xf32, #tpu.memory_space<hbm>> -> memref<1x200x64xf32, #tpu.memory_space<hbm>>
    %dma_start3A_463 = tpu.memref_squeeze %dma_start3A_462 : memref<1x200x64xf32, #tpu.memory_space<hbm>> -> memref<200x64xf32, #tpu.memory_space<hbm>>
    tpu.enqueue_dma source(%arg8 : memref<200x64xf32, #tpu.memory_space<vmem>>) target(%dma_start3A_463 : memref<200x64xf32, #tpu.memory_space<hbm>>) target_semaphore(%arg16 : memref<!tpu.dma_semaphore, #tpu.memory_space<semaphore_mem>>)
    %dma_wait3A_464 = arith.constant 0 : i32
    %dma_wait3A_465 = arith.constant 0 : i32
    %dma_wait3A_466 = tpu.memref_slice %arg4[%add3A_391, %dma_wait3A_464, %dma_wait3A_465] : memref<1024x200x64xf32, #tpu.memory_space<hbm>> -> memref<1x200x64xf32, #tpu.memory_space<hbm>>
    %dma_wait3A_467 = tpu.memref_squeeze %dma_wait3A_466 : memref<1x200x64xf32, #tpu.memory_space<hbm>> -> memref<200x64xf32, #tpu.memory_space<hbm>>
    %dma_wait3A_468 = arith.constant 0 : i32
    %dma_wait3A_469 = arith.constant 0 : i32
    %dma_wait3A_470 = tpu.memref_slice %arg4[%add3A_391, %dma_wait3A_468, %dma_wait3A_469] : memref<1024x200x64xf32, #tpu.memory_space<hbm>> -> memref<1x200x64xf32, #tpu.memory_space<hbm>>
    %dma_wait3A_471 = tpu.memref_squeeze %dma_wait3A_470 : memref<1x200x64xf32, #tpu.memory_space<hbm>> -> memref<200x64xf32, #tpu.memory_space<hbm>>
    tpu.wait_dma2 semaphore(%arg14 : memref<!tpu.dma_semaphore, #tpu.memory_space<semaphore_mem>>) src(%arg6 : memref<200x64xf32, #tpu.memory_space<vmem>>) dst(%dma_wait3A_471 : memref<200x64xf32, #tpu.memory_space<hbm>>)
    %dma_start3A_472 = arith.constant 16 : i32
    %dma_start3A_473 = arith.constant 0 : i32
    %dma_start3A_474 = tpu.memref_slice %arg5[%dma_start3A_472, %dma_start3A_473] : memref<32x200xi32, #tpu.memory_space<vmem>> -> memref<1x200xi32, #tpu.memory_space<vmem>>
    %dma_start3A_475 = tpu.memref_squeeze %dma_start3A_474 : memref<1x200xi32, #tpu.memory_space<vmem>> -> memref<200xi32, #tpu.memory_space<vmem>>
    %dma_start3A_476 = arith.constant 0 : i32
    %dma_start3A_477 = arith.constant 0 : i32
    %dma_start3A_478 = tpu.memref_slice %arg3[%dma_start3A_476, %dma_start3A_477] : memref<1000000x64xf32, #tpu.memory_space<hbm>> -> memref<1000000x64xf32, #tpu.memory_space<hbm>>
    tpu.enqueue_indirect_dma source(%dma_start3A_478 : memref<1000000x64xf32, #tpu.memory_space<hbm>>) target(%arg6 : memref<200x64xf32, #tpu.memory_space<vmem>>) offsets(%dma_start3A_475 : memref<200xi32, #tpu.memory_space<vmem>>) semaphore(%arg10 : memref<!tpu.dma_semaphore, #tpu.memory_space<semaphore_mem>>)
    %dma_wait3A_479 = arith.constant 15 : i32
    %dma_wait3A_480 = arith.constant 0 : i32
    %dma_wait3A_481 = tpu.memref_slice %arg5[%dma_wait3A_479, %dma_wait3A_480] : memref<32x200xi32, #tpu.memory_space<vmem>> -> memref<1x200xi32, #tpu.memory_space<vmem>>
    %dma_wait3A_482 = tpu.memref_squeeze %dma_wait3A_481 : memref<1x200xi32, #tpu.memory_space<vmem>> -> memref<200xi32, #tpu.memory_space<vmem>>
    %dma_wait3A_483 = arith.constant 0 : i32
    %dma_wait3A_484 = arith.constant 0 : i32
    %dma_wait3A_485 = tpu.memref_slice %arg3[%dma_wait3A_483, %dma_wait3A_484] : memref<1000000x64xf32, #tpu.memory_space<hbm>> -> memref<1000000x64xf32, #tpu.memory_space<hbm>>
    tpu.wait_indirect_dma semaphore(%arg13 : memref<!tpu.dma_semaphore, #tpu.memory_space<semaphore_mem>>) src(%dma_wait3A_485 : memref<1000000x64xf32, #tpu.memory_space<hbm>>) dst(%arg9 : memref<200x64xf32, #tpu.memory_space<vmem>>)
    %add3A_486 = arith.constant 15 : i32
    %add3A_487 = arith.addi %mul3A_2, %add3A_486 : i32
    %dma_start3A_488 = arith.constant 0 : i32
    %dma_start3A_489 = arith.constant 0 : i32
    %dma_start3A_490 = tpu.memref_slice %arg4[%add3A_487, %dma_start3A_488, %dma_start3A_489] : memref<1024x200x64xf32, #tpu.memory_space<hbm>> -> memref<1x200x64xf32, #tpu.memory_space<hbm>>
    %dma_start3A_491 = tpu.memref_squeeze %dma_start3A_490 : memref<1x200x64xf32, #tpu.memory_space<hbm>> -> memref<200x64xf32, #tpu.memory_space<hbm>>
    %dma_start3A_492 = arith.constant 0 : i32
    %dma_start3A_493 = arith.constant 0 : i32
    %dma_start3A_494 = tpu.memref_slice %arg4[%add3A_487, %dma_start3A_492, %dma_start3A_493] : memref<1024x200x64xf32, #tpu.memory_space<hbm>> -> memref<1x200x64xf32, #tpu.memory_space<hbm>>
    %dma_start3A_495 = tpu.memref_squeeze %dma_start3A_494 : memref<1x200x64xf32, #tpu.memory_space<hbm>> -> memref<200x64xf32, #tpu.memory_space<hbm>>
    tpu.enqueue_dma source(%arg9 : memref<200x64xf32, #tpu.memory_space<vmem>>) target(%dma_start3A_495 : memref<200x64xf32, #tpu.memory_space<hbm>>) target_semaphore(%arg17 : memref<!tpu.dma_semaphore, #tpu.memory_space<semaphore_mem>>)
    %dma_wait3A_496 = arith.constant 0 : i32
    %dma_wait3A_497 = arith.constant 0 : i32
    %dma_wait3A_498 = tpu.memref_slice %arg4[%add3A_423, %dma_wait3A_496, %dma_wait3A_497] : memref<1024x200x64xf32, #tpu.memory_space<hbm>> -> memref<1x200x64xf32, #tpu.memory_space<hbm>>
    %dma_wait3A_499 = tpu.memref_squeeze %dma_wait3A_498 : memref<1x200x64xf32, #tpu.memory_space<hbm>> -> memref<200x64xf32, #tpu.memory_space<hbm>>
    %dma_wait3A_500 = arith.constant 0 : i32
    %dma_wait3A_501 = arith.constant 0 : i32
    %dma_wait3A_502 = tpu.memref_slice %arg4[%add3A_423, %dma_wait3A_500, %dma_wait3A_501] : memref<1024x200x64xf32, #tpu.memory_space<hbm>> -> memref<1x200x64xf32, #tpu.memory_space<hbm>>
    %dma_wait3A_503 = tpu.memref_squeeze %dma_wait3A_502 : memref<1x200x64xf32, #tpu.memory_space<hbm>> -> memref<200x64xf32, #tpu.memory_space<hbm>>
    tpu.wait_dma2 semaphore(%arg15 : memref<!tpu.dma_semaphore, #tpu.memory_space<semaphore_mem>>) src(%arg7 : memref<200x64xf32, #tpu.memory_space<vmem>>) dst(%dma_wait3A_503 : memref<200x64xf32, #tpu.memory_space<hbm>>)
    %dma_start3A_504 = arith.constant 17 : i32
    %dma_start3A_505 = arith.constant 0 : i32
    %dma_start3A_506 = tpu.memref_slice %arg5[%dma_start3A_504, %dma_start3A_505] : memref<32x200xi32, #tpu.memory_space<vmem>> -> memref<1x200xi32, #tpu.memory_space<vmem>>
    %dma_start3A_507 = tpu.memref_squeeze %dma_start3A_506 : memref<1x200xi32, #tpu.memory_space<vmem>> -> memref<200xi32, #tpu.memory_space<vmem>>
    %dma_start3A_508 = arith.constant 0 : i32
    %dma_start3A_509 = arith.constant 0 : i32
    %dma_start3A_510 = tpu.memref_slice %arg3[%dma_start3A_508, %dma_start3A_509] : memref<1000000x64xf32, #tpu.memory_space<hbm>> -> memref<1000000x64xf32, #tpu.memory_space<hbm>>
    tpu.enqueue_indirect_dma source(%dma_start3A_510 : memref<1000000x64xf32, #tpu.memory_space<hbm>>) target(%arg7 : memref<200x64xf32, #tpu.memory_space<vmem>>) offsets(%dma_start3A_507 : memref<200xi32, #tpu.memory_space<vmem>>) semaphore(%arg11 : memref<!tpu.dma_semaphore, #tpu.memory_space<semaphore_mem>>)
    %dma_wait3A_511 = arith.constant 16 : i32
    %dma_wait3A_512 = arith.constant 0 : i32
    %dma_wait3A_513 = tpu.memref_slice %arg5[%dma_wait3A_511, %dma_wait3A_512] : memref<32x200xi32, #tpu.memory_space<vmem>> -> memref<1x200xi32, #tpu.memory_space<vmem>>
    %dma_wait3A_514 = tpu.memref_squeeze %dma_wait3A_513 : memref<1x200xi32, #tpu.memory_space<vmem>> -> memref<200xi32, #tpu.memory_space<vmem>>
    %dma_wait3A_515 = arith.constant 0 : i32
    %dma_wait3A_516 = arith.constant 0 : i32
    %dma_wait3A_517 = tpu.memref_slice %arg3[%dma_wait3A_515, %dma_wait3A_516] : memref<1000000x64xf32, #tpu.memory_space<hbm>> -> memref<1000000x64xf32, #tpu.memory_space<hbm>>
    tpu.wait_indirect_dma semaphore(%arg10 : memref<!tpu.dma_semaphore, #tpu.memory_space<semaphore_mem>>) src(%dma_wait3A_517 : memref<1000000x64xf32, #tpu.memory_space<hbm>>) dst(%arg6 : memref<200x64xf32, #tpu.memory_space<vmem>>)
    %add3A_518 = arith.constant 16 : i32
    %add3A_519 = arith.addi %mul3A_2, %add3A_518 : i32
    %dma_start3A_520 = arith.constant 0 : i32
    %dma_start3A_521 = arith.constant 0 : i32
    %dma_start3A_522 = tpu.memref_slice %arg4[%add3A_519, %dma_start3A_520, %dma_start3A_521] : memref<1024x200x64xf32, #tpu.memory_space<hbm>> -> memref<1x200x64xf32, #tpu.memory_space<hbm>>
    %dma_start3A_523 = tpu.memref_squeeze %dma_start3A_522 : memref<1x200x64xf32, #tpu.memory_space<hbm>> -> memref<200x64xf32, #tpu.memory_space<hbm>>
    %dma_start3A_524 = arith.constant 0 : i32
    %dma_start3A_525 = arith.constant 0 : i32
    %dma_start3A_526 = tpu.memref_slice %arg4[%add3A_519, %dma_start3A_524, %dma_start3A_525] : memref<1024x200x64xf32, #tpu.memory_space<hbm>> -> memref<1x200x64xf32, #tpu.memory_space<hbm>>
    %dma_start3A_527 = tpu.memref_squeeze %dma_start3A_526 : memref<1x200x64xf32, #tpu.memory_space<hbm>> -> memref<200x64xf32, #tpu.memory_space<hbm>>
    tpu.enqueue_dma source(%arg6 : memref<200x64xf32, #tpu.memory_space<vmem>>) target(%dma_start3A_527 : memref<200x64xf32, #tpu.memory_space<hbm>>) target_semaphore(%arg14 : memref<!tpu.dma_semaphore, #tpu.memory_space<semaphore_mem>>)
    %dma_wait3A_528 = arith.constant 0 : i32
    %dma_wait3A_529 = arith.constant 0 : i32
    %dma_wait3A_530 = tpu.memref_slice %arg4[%add3A_455, %dma_wait3A_528, %dma_wait3A_529] : memref<1024x200x64xf32, #tpu.memory_space<hbm>> -> memref<1x200x64xf32, #tpu.memory_space<hbm>>
    %dma_wait3A_531 = tpu.memref_squeeze %dma_wait3A_530 : memref<1x200x64xf32, #tpu.memory_space<hbm>> -> memref<200x64xf32, #tpu.memory_space<hbm>>
    %dma_wait3A_532 = arith.constant 0 : i32
    %dma_wait3A_533 = arith.constant 0 : i32
    %dma_wait3A_534 = tpu.memref_slice %arg4[%add3A_455, %dma_wait3A_532, %dma_wait3A_533] : memref<1024x200x64xf32, #tpu.memory_space<hbm>> -> memref<1x200x64xf32, #tpu.memory_space<hbm>>
    %dma_wait3A_535 = tpu.memref_squeeze %dma_wait3A_534 : memref<1x200x64xf32, #tpu.memory_space<hbm>> -> memref<200x64xf32, #tpu.memory_space<hbm>>
    tpu.wait_dma2 semaphore(%arg16 : memref<!tpu.dma_semaphore, #tpu.memory_space<semaphore_mem>>) src(%arg8 : memref<200x64xf32, #tpu.memory_space<vmem>>) dst(%dma_wait3A_535 : memref<200x64xf32, #tpu.memory_space<hbm>>)
    %dma_start3A_536 = arith.constant 18 : i32
    %dma_start3A_537 = arith.constant 0 : i32
    %dma_start3A_538 = tpu.memref_slice %arg5[%dma_start3A_536, %dma_start3A_537] : memref<32x200xi32, #tpu.memory_space<vmem>> -> memref<1x200xi32, #tpu.memory_space<vmem>>
    %dma_start3A_539 = tpu.memref_squeeze %dma_start3A_538 : memref<1x200xi32, #tpu.memory_space<vmem>> -> memref<200xi32, #tpu.memory_space<vmem>>
    %dma_start3A_540 = arith.constant 0 : i32
    %dma_start3A_541 = arith.constant 0 : i32
    %dma_start3A_542 = tpu.memref_slice %arg3[%dma_start3A_540, %dma_start3A_541] : memref<1000000x64xf32, #tpu.memory_space<hbm>> -> memref<1000000x64xf32, #tpu.memory_space<hbm>>
    tpu.enqueue_indirect_dma source(%dma_start3A_542 : memref<1000000x64xf32, #tpu.memory_space<hbm>>) target(%arg8 : memref<200x64xf32, #tpu.memory_space<vmem>>) offsets(%dma_start3A_539 : memref<200xi32, #tpu.memory_space<vmem>>) semaphore(%arg12 : memref<!tpu.dma_semaphore, #tpu.memory_space<semaphore_mem>>)
    %dma_wait3A_543 = arith.constant 17 : i32
    %dma_wait3A_544 = arith.constant 0 : i32
    %dma_wait3A_545 = tpu.memref_slice %arg5[%dma_wait3A_543, %dma_wait3A_544] : memref<32x200xi32, #tpu.memory_space<vmem>> -> memref<1x200xi32, #tpu.memory_space<vmem>>
    %dma_wait3A_546 = tpu.memref_squeeze %dma_wait3A_545 : memref<1x200xi32, #tpu.memory_space<vmem>> -> memref<200xi32, #tpu.memory_space<vmem>>
    %dma_wait3A_547 = arith.constant 0 : i32
    %dma_wait3A_548 = arith.constant 0 : i32
    %dma_wait3A_549 = tpu.memref_slice %arg3[%dma_wait3A_547, %dma_wait3A_548] : memref<1000000x64xf32, #tpu.memory_space<hbm>> -> memref<1000000x64xf32, #tpu.memory_space<hbm>>
    tpu.wait_indirect_dma semaphore(%arg11 : memref<!tpu.dma_semaphore, #tpu.memory_space<semaphore_mem>>) src(%dma_wait3A_549 : memref<1000000x64xf32, #tpu.memory_space<hbm>>) dst(%arg7 : memref<200x64xf32, #tpu.memory_space<vmem>>)
    %add3A_550 = arith.constant 17 : i32
    %add3A_551 = arith.addi %mul3A_2, %add3A_550 : i32
    %dma_start3A_552 = arith.constant 0 : i32
    %dma_start3A_553 = arith.constant 0 : i32
    %dma_start3A_554 = tpu.memref_slice %arg4[%add3A_551, %dma_start3A_552, %dma_start3A_553] : memref<1024x200x64xf32, #tpu.memory_space<hbm>> -> memref<1x200x64xf32, #tpu.memory_space<hbm>>
    %dma_start3A_555 = tpu.memref_squeeze %dma_start3A_554 : memref<1x200x64xf32, #tpu.memory_space<hbm>> -> memref<200x64xf32, #tpu.memory_space<hbm>>
    %dma_start3A_556 = arith.constant 0 : i32
    %dma_start3A_557 = arith.constant 0 : i32
    %dma_start3A_558 = tpu.memref_slice %arg4[%add3A_551, %dma_start3A_556, %dma_start3A_557] : memref<1024x200x64xf32, #tpu.memory_space<hbm>> -> memref<1x200x64xf32, #tpu.memory_space<hbm>>
    %dma_start3A_559 = tpu.memref_squeeze %dma_start3A_558 : memref<1x200x64xf32, #tpu.memory_space<hbm>> -> memref<200x64xf32, #tpu.memory_space<hbm>>
    tpu.enqueue_dma source(%arg7 : memref<200x64xf32, #tpu.memory_space<vmem>>) target(%dma_start3A_559 : memref<200x64xf32, #tpu.memory_space<hbm>>) target_semaphore(%arg15 : memref<!tpu.dma_semaphore, #tpu.memory_space<semaphore_mem>>)
    %dma_wait3A_560 = arith.constant 0 : i32
    %dma_wait3A_561 = arith.constant 0 : i32
    %dma_wait3A_562 = tpu.memref_slice %arg4[%add3A_487, %dma_wait3A_560, %dma_wait3A_561] : memref<1024x200x64xf32, #tpu.memory_space<hbm>> -> memref<1x200x64xf32, #tpu.memory_space<hbm>>
    %dma_wait3A_563 = tpu.memref_squeeze %dma_wait3A_562 : memref<1x200x64xf32, #tpu.memory_space<hbm>> -> memref<200x64xf32, #tpu.memory_space<hbm>>
    %dma_wait3A_564 = arith.constant 0 : i32
    %dma_wait3A_565 = arith.constant 0 : i32
    %dma_wait3A_566 = tpu.memref_slice %arg4[%add3A_487, %dma_wait3A_564, %dma_wait3A_565] : memref<1024x200x64xf32, #tpu.memory_space<hbm>> -> memref<1x200x64xf32, #tpu.memory_space<hbm>>
    %dma_wait3A_567 = tpu.memref_squeeze %dma_wait3A_566 : memref<1x200x64xf32, #tpu.memory_space<hbm>> -> memref<200x64xf32, #tpu.memory_space<hbm>>
    tpu.wait_dma2 semaphore(%arg17 : memref<!tpu.dma_semaphore, #tpu.memory_space<semaphore_mem>>) src(%arg9 : memref<200x64xf32, #tpu.memory_space<vmem>>) dst(%dma_wait3A_567 : memref<200x64xf32, #tpu.memory_space<hbm>>)
    %dma_start3A_568 = arith.constant 19 : i32
    %dma_start3A_569 = arith.constant 0 : i32
    %dma_start3A_570 = tpu.memref_slice %arg5[%dma_start3A_568, %dma_start3A_569] : memref<32x200xi32, #tpu.memory_space<vmem>> -> memref<1x200xi32, #tpu.memory_space<vmem>>
    %dma_start3A_571 = tpu.memref_squeeze %dma_start3A_570 : memref<1x200xi32, #tpu.memory_space<vmem>> -> memref<200xi32, #tpu.memory_space<vmem>>
    %dma_start3A_572 = arith.constant 0 : i32
    %dma_start3A_573 = arith.constant 0 : i32
    %dma_start3A_574 = tpu.memref_slice %arg3[%dma_start3A_572, %dma_start3A_573] : memref<1000000x64xf32, #tpu.memory_space<hbm>> -> memref<1000000x64xf32, #tpu.memory_space<hbm>>
    tpu.enqueue_indirect_dma source(%dma_start3A_574 : memref<1000000x64xf32, #tpu.memory_space<hbm>>) target(%arg9 : memref<200x64xf32, #tpu.memory_space<vmem>>) offsets(%dma_start3A_571 : memref<200xi32, #tpu.memory_space<vmem>>) semaphore(%arg13 : memref<!tpu.dma_semaphore, #tpu.memory_space<semaphore_mem>>)
    %dma_wait3A_575 = arith.constant 18 : i32
    %dma_wait3A_576 = arith.constant 0 : i32
    %dma_wait3A_577 = tpu.memref_slice %arg5[%dma_wait3A_575, %dma_wait3A_576] : memref<32x200xi32, #tpu.memory_space<vmem>> -> memref<1x200xi32, #tpu.memory_space<vmem>>
    %dma_wait3A_578 = tpu.memref_squeeze %dma_wait3A_577 : memref<1x200xi32, #tpu.memory_space<vmem>> -> memref<200xi32, #tpu.memory_space<vmem>>
    %dma_wait3A_579 = arith.constant 0 : i32
    %dma_wait3A_580 = arith.constant 0 : i32
    %dma_wait3A_581 = tpu.memref_slice %arg3[%dma_wait3A_579, %dma_wait3A_580] : memref<1000000x64xf32, #tpu.memory_space<hbm>> -> memref<1000000x64xf32, #tpu.memory_space<hbm>>
    tpu.wait_indirect_dma semaphore(%arg12 : memref<!tpu.dma_semaphore, #tpu.memory_space<semaphore_mem>>) src(%dma_wait3A_581 : memref<1000000x64xf32, #tpu.memory_space<hbm>>) dst(%arg8 : memref<200x64xf32, #tpu.memory_space<vmem>>)
    %add3A_582 = arith.constant 18 : i32
    %add3A_583 = arith.addi %mul3A_2, %add3A_582 : i32
    %dma_start3A_584 = arith.constant 0 : i32
    %dma_start3A_585 = arith.constant 0 : i32
    %dma_start3A_586 = tpu.memref_slice %arg4[%add3A_583, %dma_start3A_584, %dma_start3A_585] : memref<1024x200x64xf32, #tpu.memory_space<hbm>> -> memref<1x200x64xf32, #tpu.memory_space<hbm>>
    %dma_start3A_587 = tpu.memref_squeeze %dma_start3A_586 : memref<1x200x64xf32, #tpu.memory_space<hbm>> -> memref<200x64xf32, #tpu.memory_space<hbm>>
    %dma_start3A_588 = arith.constant 0 : i32
    %dma_start3A_589 = arith.constant 0 : i32
    %dma_start3A_590 = tpu.memref_slice %arg4[%add3A_583, %dma_start3A_588, %dma_start3A_589] : memref<1024x200x64xf32, #tpu.memory_space<hbm>> -> memref<1x200x64xf32, #tpu.memory_space<hbm>>
    %dma_start3A_591 = tpu.memref_squeeze %dma_start3A_590 : memref<1x200x64xf32, #tpu.memory_space<hbm>> -> memref<200x64xf32, #tpu.memory_space<hbm>>
    tpu.enqueue_dma source(%arg8 : memref<200x64xf32, #tpu.memory_space<vmem>>) target(%dma_start3A_591 : memref<200x64xf32, #tpu.memory_space<hbm>>) target_semaphore(%arg16 : memref<!tpu.dma_semaphore, #tpu.memory_space<semaphore_mem>>)
    %dma_wait3A_592 = arith.constant 0 : i32
    %dma_wait3A_593 = arith.constant 0 : i32
    %dma_wait3A_594 = tpu.memref_slice %arg4[%add3A_519, %dma_wait3A_592, %dma_wait3A_593] : memref<1024x200x64xf32, #tpu.memory_space<hbm>> -> memref<1x200x64xf32, #tpu.memory_space<hbm>>
    %dma_wait3A_595 = tpu.memref_squeeze %dma_wait3A_594 : memref<1x200x64xf32, #tpu.memory_space<hbm>> -> memref<200x64xf32, #tpu.memory_space<hbm>>
    %dma_wait3A_596 = arith.constant 0 : i32
    %dma_wait3A_597 = arith.constant 0 : i32
    %dma_wait3A_598 = tpu.memref_slice %arg4[%add3A_519, %dma_wait3A_596, %dma_wait3A_597] : memref<1024x200x64xf32, #tpu.memory_space<hbm>> -> memref<1x200x64xf32, #tpu.memory_space<hbm>>
    %dma_wait3A_599 = tpu.memref_squeeze %dma_wait3A_598 : memref<1x200x64xf32, #tpu.memory_space<hbm>> -> memref<200x64xf32, #tpu.memory_space<hbm>>
    tpu.wait_dma2 semaphore(%arg14 : memref<!tpu.dma_semaphore, #tpu.memory_space<semaphore_mem>>) src(%arg6 : memref<200x64xf32, #tpu.memory_space<vmem>>) dst(%dma_wait3A_599 : memref<200x64xf32, #tpu.memory_space<hbm>>)
    %dma_start3A_600 = arith.constant 20 : i32
    %dma_start3A_601 = arith.constant 0 : i32
    %dma_start3A_602 = tpu.memref_slice %arg5[%dma_start3A_600, %dma_start3A_601] : memref<32x200xi32, #tpu.memory_space<vmem>> -> memref<1x200xi32, #tpu.memory_space<vmem>>
    %dma_start3A_603 = tpu.memref_squeeze %dma_start3A_602 : memref<1x200xi32, #tpu.memory_space<vmem>> -> memref<200xi32, #tpu.memory_space<vmem>>
    %dma_start3A_604 = arith.constant 0 : i32
    %dma_start3A_605 = arith.constant 0 : i32
    %dma_start3A_606 = tpu.memref_slice %arg3[%dma_start3A_604, %dma_start3A_605] : memref<1000000x64xf32, #tpu.memory_space<hbm>> -> memref<1000000x64xf32, #tpu.memory_space<hbm>>
    tpu.enqueue_indirect_dma source(%dma_start3A_606 : memref<1000000x64xf32, #tpu.memory_space<hbm>>) target(%arg6 : memref<200x64xf32, #tpu.memory_space<vmem>>) offsets(%dma_start3A_603 : memref<200xi32, #tpu.memory_space<vmem>>) semaphore(%arg10 : memref<!tpu.dma_semaphore, #tpu.memory_space<semaphore_mem>>)
    %dma_wait3A_607 = arith.constant 19 : i32
    %dma_wait3A_608 = arith.constant 0 : i32
    %dma_wait3A_609 = tpu.memref_slice %arg5[%dma_wait3A_607, %dma_wait3A_608] : memref<32x200xi32, #tpu.memory_space<vmem>> -> memref<1x200xi32, #tpu.memory_space<vmem>>
    %dma_wait3A_610 = tpu.memref_squeeze %dma_wait3A_609 : memref<1x200xi32, #tpu.memory_space<vmem>> -> memref<200xi32, #tpu.memory_space<vmem>>
    %dma_wait3A_611 = arith.constant 0 : i32
    %dma_wait3A_612 = arith.constant 0 : i32
    %dma_wait3A_613 = tpu.memref_slice %arg3[%dma_wait3A_611, %dma_wait3A_612] : memref<1000000x64xf32, #tpu.memory_space<hbm>> -> memref<1000000x64xf32, #tpu.memory_space<hbm>>
    tpu.wait_indirect_dma semaphore(%arg13 : memref<!tpu.dma_semaphore, #tpu.memory_space<semaphore_mem>>) src(%dma_wait3A_613 : memref<1000000x64xf32, #tpu.memory_space<hbm>>) dst(%arg9 : memref<200x64xf32, #tpu.memory_space<vmem>>)
    %add3A_614 = arith.constant 19 : i32
    %add3A_615 = arith.addi %mul3A_2, %add3A_614 : i32
    %dma_start3A_616 = arith.constant 0 : i32
    %dma_start3A_617 = arith.constant 0 : i32
    %dma_start3A_618 = tpu.memref_slice %arg4[%add3A_615, %dma_start3A_616, %dma_start3A_617] : memref<1024x200x64xf32, #tpu.memory_space<hbm>> -> memref<1x200x64xf32, #tpu.memory_space<hbm>>
    %dma_start3A_619 = tpu.memref_squeeze %dma_start3A_618 : memref<1x200x64xf32, #tpu.memory_space<hbm>> -> memref<200x64xf32, #tpu.memory_space<hbm>>
    %dma_start3A_620 = arith.constant 0 : i32
    %dma_start3A_621 = arith.constant 0 : i32
    %dma_start3A_622 = tpu.memref_slice %arg4[%add3A_615, %dma_start3A_620, %dma_start3A_621] : memref<1024x200x64xf32, #tpu.memory_space<hbm>> -> memref<1x200x64xf32, #tpu.memory_space<hbm>>
    %dma_start3A_623 = tpu.memref_squeeze %dma_start3A_622 : memref<1x200x64xf32, #tpu.memory_space<hbm>> -> memref<200x64xf32, #tpu.memory_space<hbm>>
    tpu.enqueue_dma source(%arg9 : memref<200x64xf32, #tpu.memory_space<vmem>>) target(%dma_start3A_623 : memref<200x64xf32, #tpu.memory_space<hbm>>) target_semaphore(%arg17 : memref<!tpu.dma_semaphore, #tpu.memory_space<semaphore_mem>>)
    %dma_wait3A_624 = arith.constant 0 : i32
    %dma_wait3A_625 = arith.constant 0 : i32
    %dma_wait3A_626 = tpu.memref_slice %arg4[%add3A_551, %dma_wait3A_624, %dma_wait3A_625] : memref<1024x200x64xf32, #tpu.memory_space<hbm>> -> memref<1x200x64xf32, #tpu.memory_space<hbm>>
    %dma_wait3A_627 = tpu.memref_squeeze %dma_wait3A_626 : memref<1x200x64xf32, #tpu.memory_space<hbm>> -> memref<200x64xf32, #tpu.memory_space<hbm>>
    %dma_wait3A_628 = arith.constant 0 : i32
    %dma_wait3A_629 = arith.constant 0 : i32
    %dma_wait3A_630 = tpu.memref_slice %arg4[%add3A_551, %dma_wait3A_628, %dma_wait3A_629] : memref<1024x200x64xf32, #tpu.memory_space<hbm>> -> memref<1x200x64xf32, #tpu.memory_space<hbm>>
    %dma_wait3A_631 = tpu.memref_squeeze %dma_wait3A_630 : memref<1x200x64xf32, #tpu.memory_space<hbm>> -> memref<200x64xf32, #tpu.memory_space<hbm>>
    tpu.wait_dma2 semaphore(%arg15 : memref<!tpu.dma_semaphore, #tpu.memory_space<semaphore_mem>>) src(%arg7 : memref<200x64xf32, #tpu.memory_space<vmem>>) dst(%dma_wait3A_631 : memref<200x64xf32, #tpu.memory_space<hbm>>)
    %dma_start3A_632 = arith.constant 21 : i32
    %dma_start3A_633 = arith.constant 0 : i32
    %dma_start3A_634 = tpu.memref_slice %arg5[%dma_start3A_632, %dma_start3A_633] : memref<32x200xi32, #tpu.memory_space<vmem>> -> memref<1x200xi32, #tpu.memory_space<vmem>>
    %dma_start3A_635 = tpu.memref_squeeze %dma_start3A_634 : memref<1x200xi32, #tpu.memory_space<vmem>> -> memref<200xi32, #tpu.memory_space<vmem>>
    %dma_start3A_636 = arith.constant 0 : i32
    %dma_start3A_637 = arith.constant 0 : i32
    %dma_start3A_638 = tpu.memref_slice %arg3[%dma_start3A_636, %dma_start3A_637] : memref<1000000x64xf32, #tpu.memory_space<hbm>> -> memref<1000000x64xf32, #tpu.memory_space<hbm>>
    tpu.enqueue_indirect_dma source(%dma_start3A_638 : memref<1000000x64xf32, #tpu.memory_space<hbm>>) target(%arg7 : memref<200x64xf32, #tpu.memory_space<vmem>>) offsets(%dma_start3A_635 : memref<200xi32, #tpu.memory_space<vmem>>) semaphore(%arg11 : memref<!tpu.dma_semaphore, #tpu.memory_space<semaphore_mem>>)
    %dma_wait3A_639 = arith.constant 20 : i32
    %dma_wait3A_640 = arith.constant 0 : i32
    %dma_wait3A_641 = tpu.memref_slice %arg5[%dma_wait3A_639, %dma_wait3A_640] : memref<32x200xi32, #tpu.memory_space<vmem>> -> memref<1x200xi32, #tpu.memory_space<vmem>>
    %dma_wait3A_642 = tpu.memref_squeeze %dma_wait3A_641 : memref<1x200xi32, #tpu.memory_space<vmem>> -> memref<200xi32, #tpu.memory_space<vmem>>
    %dma_wait3A_643 = arith.constant 0 : i32
    %dma_wait3A_644 = arith.constant 0 : i32
    %dma_wait3A_645 = tpu.memref_slice %arg3[%dma_wait3A_643, %dma_wait3A_644] : memref<1000000x64xf32, #tpu.memory_space<hbm>> -> memref<1000000x64xf32, #tpu.memory_space<hbm>>
    tpu.wait_indirect_dma semaphore(%arg10 : memref<!tpu.dma_semaphore, #tpu.memory_space<semaphore_mem>>) src(%dma_wait3A_645 : memref<1000000x64xf32, #tpu.memory_space<hbm>>) dst(%arg6 : memref<200x64xf32, #tpu.memory_space<vmem>>)
    %add3A_646 = arith.constant 20 : i32
    %add3A_647 = arith.addi %mul3A_2, %add3A_646 : i32
    %dma_start3A_648 = arith.constant 0 : i32
    %dma_start3A_649 = arith.constant 0 : i32
    %dma_start3A_650 = tpu.memref_slice %arg4[%add3A_647, %dma_start3A_648, %dma_start3A_649] : memref<1024x200x64xf32, #tpu.memory_space<hbm>> -> memref<1x200x64xf32, #tpu.memory_space<hbm>>
    %dma_start3A_651 = tpu.memref_squeeze %dma_start3A_650 : memref<1x200x64xf32, #tpu.memory_space<hbm>> -> memref<200x64xf32, #tpu.memory_space<hbm>>
    %dma_start3A_652 = arith.constant 0 : i32
    %dma_start3A_653 = arith.constant 0 : i32
    %dma_start3A_654 = tpu.memref_slice %arg4[%add3A_647, %dma_start3A_652, %dma_start3A_653] : memref<1024x200x64xf32, #tpu.memory_space<hbm>> -> memref<1x200x64xf32, #tpu.memory_space<hbm>>
    %dma_start3A_655 = tpu.memref_squeeze %dma_start3A_654 : memref<1x200x64xf32, #tpu.memory_space<hbm>> -> memref<200x64xf32, #tpu.memory_space<hbm>>
    tpu.enqueue_dma source(%arg6 : memref<200x64xf32, #tpu.memory_space<vmem>>) target(%dma_start3A_655 : memref<200x64xf32, #tpu.memory_space<hbm>>) target_semaphore(%arg14 : memref<!tpu.dma_semaphore, #tpu.memory_space<semaphore_mem>>)
    %dma_wait3A_656 = arith.constant 0 : i32
    %dma_wait3A_657 = arith.constant 0 : i32
    %dma_wait3A_658 = tpu.memref_slice %arg4[%add3A_583, %dma_wait3A_656, %dma_wait3A_657] : memref<1024x200x64xf32, #tpu.memory_space<hbm>> -> memref<1x200x64xf32, #tpu.memory_space<hbm>>
    %dma_wait3A_659 = tpu.memref_squeeze %dma_wait3A_658 : memref<1x200x64xf32, #tpu.memory_space<hbm>> -> memref<200x64xf32, #tpu.memory_space<hbm>>
    %dma_wait3A_660 = arith.constant 0 : i32
    %dma_wait3A_661 = arith.constant 0 : i32
    %dma_wait3A_662 = tpu.memref_slice %arg4[%add3A_583, %dma_wait3A_660, %dma_wait3A_661] : memref<1024x200x64xf32, #tpu.memory_space<hbm>> -> memref<1x200x64xf32, #tpu.memory_space<hbm>>
    %dma_wait3A_663 = tpu.memref_squeeze %dma_wait3A_662 : memref<1x200x64xf32, #tpu.memory_space<hbm>> -> memref<200x64xf32, #tpu.memory_space<hbm>>
    tpu.wait_dma2 semaphore(%arg16 : memref<!tpu.dma_semaphore, #tpu.memory_space<semaphore_mem>>) src(%arg8 : memref<200x64xf32, #tpu.memory_space<vmem>>) dst(%dma_wait3A_663 : memref<200x64xf32, #tpu.memory_space<hbm>>)
    %dma_start3A_664 = arith.constant 22 : i32
    %dma_start3A_665 = arith.constant 0 : i32
    %dma_start3A_666 = tpu.memref_slice %arg5[%dma_start3A_664, %dma_start3A_665] : memref<32x200xi32, #tpu.memory_space<vmem>> -> memref<1x200xi32, #tpu.memory_space<vmem>>
    %dma_start3A_667 = tpu.memref_squeeze %dma_start3A_666 : memref<1x200xi32, #tpu.memory_space<vmem>> -> memref<200xi32, #tpu.memory_space<vmem>>
    %dma_start3A_668 = arith.constant 0 : i32
    %dma_start3A_669 = arith.constant 0 : i32
    %dma_start3A_670 = tpu.memref_slice %arg3[%dma_start3A_668, %dma_start3A_669] : memref<1000000x64xf32, #tpu.memory_space<hbm>> -> memref<1000000x64xf32, #tpu.memory_space<hbm>>
    tpu.enqueue_indirect_dma source(%dma_start3A_670 : memref<1000000x64xf32, #tpu.memory_space<hbm>>) target(%arg8 : memref<200x64xf32, #tpu.memory_space<vmem>>) offsets(%dma_start3A_667 : memref<200xi32, #tpu.memory_space<vmem>>) semaphore(%arg12 : memref<!tpu.dma_semaphore, #tpu.memory_space<semaphore_mem>>)
    %dma_wait3A_671 = arith.constant 21 : i32
    %dma_wait3A_672 = arith.constant 0 : i32
    %dma_wait3A_673 = tpu.memref_slice %arg5[%dma_wait3A_671, %dma_wait3A_672] : memref<32x200xi32, #tpu.memory_space<vmem>> -> memref<1x200xi32, #tpu.memory_space<vmem>>
    %dma_wait3A_674 = tpu.memref_squeeze %dma_wait3A_673 : memref<1x200xi32, #tpu.memory_space<vmem>> -> memref<200xi32, #tpu.memory_space<vmem>>
    %dma_wait3A_675 = arith.constant 0 : i32
    %dma_wait3A_676 = arith.constant 0 : i32
    %dma_wait3A_677 = tpu.memref_slice %arg3[%dma_wait3A_675, %dma_wait3A_676] : memref<1000000x64xf32, #tpu.memory_space<hbm>> -> memref<1000000x64xf32, #tpu.memory_space<hbm>>
    tpu.wait_indirect_dma semaphore(%arg11 : memref<!tpu.dma_semaphore, #tpu.memory_space<semaphore_mem>>) src(%dma_wait3A_677 : memref<1000000x64xf32, #tpu.memory_space<hbm>>) dst(%arg7 : memref<200x64xf32, #tpu.memory_space<vmem>>)
    %add3A_678 = arith.constant 21 : i32
    %add3A_679 = arith.addi %mul3A_2, %add3A_678 : i32
    %dma_start3A_680 = arith.constant 0 : i32
    %dma_start3A_681 = arith.constant 0 : i32
    %dma_start3A_682 = tpu.memref_slice %arg4[%add3A_679, %dma_start3A_680, %dma_start3A_681] : memref<1024x200x64xf32, #tpu.memory_space<hbm>> -> memref<1x200x64xf32, #tpu.memory_space<hbm>>
    %dma_start3A_683 = tpu.memref_squeeze %dma_start3A_682 : memref<1x200x64xf32, #tpu.memory_space<hbm>> -> memref<200x64xf32, #tpu.memory_space<hbm>>
    %dma_start3A_684 = arith.constant 0 : i32
    %dma_start3A_685 = arith.constant 0 : i32
    %dma_start3A_686 = tpu.memref_slice %arg4[%add3A_679, %dma_start3A_684, %dma_start3A_685] : memref<1024x200x64xf32, #tpu.memory_space<hbm>> -> memref<1x200x64xf32, #tpu.memory_space<hbm>>
    %dma_start3A_687 = tpu.memref_squeeze %dma_start3A_686 : memref<1x200x64xf32, #tpu.memory_space<hbm>> -> memref<200x64xf32, #tpu.memory_space<hbm>>
    tpu.enqueue_dma source(%arg7 : memref<200x64xf32, #tpu.memory_space<vmem>>) target(%dma_start3A_687 : memref<200x64xf32, #tpu.memory_space<hbm>>) target_semaphore(%arg15 : memref<!tpu.dma_semaphore, #tpu.memory_space<semaphore_mem>>)
    %dma_wait3A_688 = arith.constant 0 : i32
    %dma_wait3A_689 = arith.constant 0 : i32
    %dma_wait3A_690 = tpu.memref_slice %arg4[%add3A_615, %dma_wait3A_688, %dma_wait3A_689] : memref<1024x200x64xf32, #tpu.memory_space<hbm>> -> memref<1x200x64xf32, #tpu.memory_space<hbm>>
    %dma_wait3A_691 = tpu.memref_squeeze %dma_wait3A_690 : memref<1x200x64xf32, #tpu.memory_space<hbm>> -> memref<200x64xf32, #tpu.memory_space<hbm>>
    %dma_wait3A_692 = arith.constant 0 : i32
    %dma_wait3A_693 = arith.constant 0 : i32
    %dma_wait3A_694 = tpu.memref_slice %arg4[%add3A_615, %dma_wait3A_692, %dma_wait3A_693] : memref<1024x200x64xf32, #tpu.memory_space<hbm>> -> memref<1x200x64xf32, #tpu.memory_space<hbm>>
    %dma_wait3A_695 = tpu.memref_squeeze %dma_wait3A_694 : memref<1x200x64xf32, #tpu.memory_space<hbm>> -> memref<200x64xf32, #tpu.memory_space<hbm>>
    tpu.wait_dma2 semaphore(%arg17 : memref<!tpu.dma_semaphore, #tpu.memory_space<semaphore_mem>>) src(%arg9 : memref<200x64xf32, #tpu.memory_space<vmem>>) dst(%dma_wait3A_695 : memref<200x64xf32, #tpu.memory_space<hbm>>)
    %dma_start3A_696 = arith.constant 23 : i32
    %dma_start3A_697 = arith.constant 0 : i32
    %dma_start3A_698 = tpu.memref_slice %arg5[%dma_start3A_696, %dma_start3A_697] : memref<32x200xi32, #tpu.memory_space<vmem>> -> memref<1x200xi32, #tpu.memory_space<vmem>>
    %dma_start3A_699 = tpu.memref_squeeze %dma_start3A_698 : memref<1x200xi32, #tpu.memory_space<vmem>> -> memref<200xi32, #tpu.memory_space<vmem>>
    %dma_start3A_700 = arith.constant 0 : i32
    %dma_start3A_701 = arith.constant 0 : i32
    %dma_start3A_702 = tpu.memref_slice %arg3[%dma_start3A_700, %dma_start3A_701] : memref<1000000x64xf32, #tpu.memory_space<hbm>> -> memref<1000000x64xf32, #tpu.memory_space<hbm>>
    tpu.enqueue_indirect_dma source(%dma_start3A_702 : memref<1000000x64xf32, #tpu.memory_space<hbm>>) target(%arg9 : memref<200x64xf32, #tpu.memory_space<vmem>>) offsets(%dma_start3A_699 : memref<200xi32, #tpu.memory_space<vmem>>) semaphore(%arg13 : memref<!tpu.dma_semaphore, #tpu.memory_space<semaphore_mem>>)
    %dma_wait3A_703 = arith.constant 22 : i32
    %dma_wait3A_704 = arith.constant 0 : i32
    %dma_wait3A_705 = tpu.memref_slice %arg5[%dma_wait3A_703, %dma_wait3A_704] : memref<32x200xi32, #tpu.memory_space<vmem>> -> memref<1x200xi32, #tpu.memory_space<vmem>>
    %dma_wait3A_706 = tpu.memref_squeeze %dma_wait3A_705 : memref<1x200xi32, #tpu.memory_space<vmem>> -> memref<200xi32, #tpu.memory_space<vmem>>
    %dma_wait3A_707 = arith.constant 0 : i32
    %dma_wait3A_708 = arith.constant 0 : i32
    %dma_wait3A_709 = tpu.memref_slice %arg3[%dma_wait3A_707, %dma_wait3A_708] : memref<1000000x64xf32, #tpu.memory_space<hbm>> -> memref<1000000x64xf32, #tpu.memory_space<hbm>>
    tpu.wait_indirect_dma semaphore(%arg12 : memref<!tpu.dma_semaphore, #tpu.memory_space<semaphore_mem>>) src(%dma_wait3A_709 : memref<1000000x64xf32, #tpu.memory_space<hbm>>) dst(%arg8 : memref<200x64xf32, #tpu.memory_space<vmem>>)
    %add3A_710 = arith.constant 22 : i32
    %add3A_711 = arith.addi %mul3A_2, %add3A_710 : i32
    %dma_start3A_712 = arith.constant 0 : i32
    %dma_start3A_713 = arith.constant 0 : i32
    %dma_start3A_714 = tpu.memref_slice %arg4[%add3A_711, %dma_start3A_712, %dma_start3A_713] : memref<1024x200x64xf32, #tpu.memory_space<hbm>> -> memref<1x200x64xf32, #tpu.memory_space<hbm>>
    %dma_start3A_715 = tpu.memref_squeeze %dma_start3A_714 : memref<1x200x64xf32, #tpu.memory_space<hbm>> -> memref<200x64xf32, #tpu.memory_space<hbm>>
    %dma_start3A_716 = arith.constant 0 : i32
    %dma_start3A_717 = arith.constant 0 : i32
    %dma_start3A_718 = tpu.memref_slice %arg4[%add3A_711, %dma_start3A_716, %dma_start3A_717] : memref<1024x200x64xf32, #tpu.memory_space<hbm>> -> memref<1x200x64xf32, #tpu.memory_space<hbm>>
    %dma_start3A_719 = tpu.memref_squeeze %dma_start3A_718 : memref<1x200x64xf32, #tpu.memory_space<hbm>> -> memref<200x64xf32, #tpu.memory_space<hbm>>
    tpu.enqueue_dma source(%arg8 : memref<200x64xf32, #tpu.memory_space<vmem>>) target(%dma_start3A_719 : memref<200x64xf32, #tpu.memory_space<hbm>>) target_semaphore(%arg16 : memref<!tpu.dma_semaphore, #tpu.memory_space<semaphore_mem>>)
    %dma_wait3A_720 = arith.constant 0 : i32
    %dma_wait3A_721 = arith.constant 0 : i32
    %dma_wait3A_722 = tpu.memref_slice %arg4[%add3A_647, %dma_wait3A_720, %dma_wait3A_721] : memref<1024x200x64xf32, #tpu.memory_space<hbm>> -> memref<1x200x64xf32, #tpu.memory_space<hbm>>
    %dma_wait3A_723 = tpu.memref_squeeze %dma_wait3A_722 : memref<1x200x64xf32, #tpu.memory_space<hbm>> -> memref<200x64xf32, #tpu.memory_space<hbm>>
    %dma_wait3A_724 = arith.constant 0 : i32
    %dma_wait3A_725 = arith.constant 0 : i32
    %dma_wait3A_726 = tpu.memref_slice %arg4[%add3A_647, %dma_wait3A_724, %dma_wait3A_725] : memref<1024x200x64xf32, #tpu.memory_space<hbm>> -> memref<1x200x64xf32, #tpu.memory_space<hbm>>
    %dma_wait3A_727 = tpu.memref_squeeze %dma_wait3A_726 : memref<1x200x64xf32, #tpu.memory_space<hbm>> -> memref<200x64xf32, #tpu.memory_space<hbm>>
    tpu.wait_dma2 semaphore(%arg14 : memref<!tpu.dma_semaphore, #tpu.memory_space<semaphore_mem>>) src(%arg6 : memref<200x64xf32, #tpu.memory_space<vmem>>) dst(%dma_wait3A_727 : memref<200x64xf32, #tpu.memory_space<hbm>>)
    %dma_start3A_728 = arith.constant 24 : i32
    %dma_start3A_729 = arith.constant 0 : i32
    %dma_start3A_730 = tpu.memref_slice %arg5[%dma_start3A_728, %dma_start3A_729] : memref<32x200xi32, #tpu.memory_space<vmem>> -> memref<1x200xi32, #tpu.memory_space<vmem>>
    %dma_start3A_731 = tpu.memref_squeeze %dma_start3A_730 : memref<1x200xi32, #tpu.memory_space<vmem>> -> memref<200xi32, #tpu.memory_space<vmem>>
    %dma_start3A_732 = arith.constant 0 : i32
    %dma_start3A_733 = arith.constant 0 : i32
    %dma_start3A_734 = tpu.memref_slice %arg3[%dma_start3A_732, %dma_start3A_733] : memref<1000000x64xf32, #tpu.memory_space<hbm>> -> memref<1000000x64xf32, #tpu.memory_space<hbm>>
    tpu.enqueue_indirect_dma source(%dma_start3A_734 : memref<1000000x64xf32, #tpu.memory_space<hbm>>) target(%arg6 : memref<200x64xf32, #tpu.memory_space<vmem>>) offsets(%dma_start3A_731 : memref<200xi32, #tpu.memory_space<vmem>>) semaphore(%arg10 : memref<!tpu.dma_semaphore, #tpu.memory_space<semaphore_mem>>)
    %dma_wait3A_735 = arith.constant 23 : i32
    %dma_wait3A_736 = arith.constant 0 : i32
    %dma_wait3A_737 = tpu.memref_slice %arg5[%dma_wait3A_735, %dma_wait3A_736] : memref<32x200xi32, #tpu.memory_space<vmem>> -> memref<1x200xi32, #tpu.memory_space<vmem>>
    %dma_wait3A_738 = tpu.memref_squeeze %dma_wait3A_737 : memref<1x200xi32, #tpu.memory_space<vmem>> -> memref<200xi32, #tpu.memory_space<vmem>>
    %dma_wait3A_739 = arith.constant 0 : i32
    %dma_wait3A_740 = arith.constant 0 : i32
    %dma_wait3A_741 = tpu.memref_slice %arg3[%dma_wait3A_739, %dma_wait3A_740] : memref<1000000x64xf32, #tpu.memory_space<hbm>> -> memref<1000000x64xf32, #tpu.memory_space<hbm>>
    tpu.wait_indirect_dma semaphore(%arg13 : memref<!tpu.dma_semaphore, #tpu.memory_space<semaphore_mem>>) src(%dma_wait3A_741 : memref<1000000x64xf32, #tpu.memory_space<hbm>>) dst(%arg9 : memref<200x64xf32, #tpu.memory_space<vmem>>)
    %add3A_742 = arith.constant 23 : i32
    %add3A_743 = arith.addi %mul3A_2, %add3A_742 : i32
    %dma_start3A_744 = arith.constant 0 : i32
    %dma_start3A_745 = arith.constant 0 : i32
    %dma_start3A_746 = tpu.memref_slice %arg4[%add3A_743, %dma_start3A_744, %dma_start3A_745] : memref<1024x200x64xf32, #tpu.memory_space<hbm>> -> memref<1x200x64xf32, #tpu.memory_space<hbm>>
    %dma_start3A_747 = tpu.memref_squeeze %dma_start3A_746 : memref<1x200x64xf32, #tpu.memory_space<hbm>> -> memref<200x64xf32, #tpu.memory_space<hbm>>
    %dma_start3A_748 = arith.constant 0 : i32
    %dma_start3A_749 = arith.constant 0 : i32
    %dma_start3A_750 = tpu.memref_slice %arg4[%add3A_743, %dma_start3A_748, %dma_start3A_749] : memref<1024x200x64xf32, #tpu.memory_space<hbm>> -> memref<1x200x64xf32, #tpu.memory_space<hbm>>
    %dma_start3A_751 = tpu.memref_squeeze %dma_start3A_750 : memref<1x200x64xf32, #tpu.memory_space<hbm>> -> memref<200x64xf32, #tpu.memory_space<hbm>>
    tpu.enqueue_dma source(%arg9 : memref<200x64xf32, #tpu.memory_space<vmem>>) target(%dma_start3A_751 : memref<200x64xf32, #tpu.memory_space<hbm>>) target_semaphore(%arg17 : memref<!tpu.dma_semaphore, #tpu.memory_space<semaphore_mem>>)
    %dma_wait3A_752 = arith.constant 0 : i32
    %dma_wait3A_753 = arith.constant 0 : i32
    %dma_wait3A_754 = tpu.memref_slice %arg4[%add3A_679, %dma_wait3A_752, %dma_wait3A_753] : memref<1024x200x64xf32, #tpu.memory_space<hbm>> -> memref<1x200x64xf32, #tpu.memory_space<hbm>>
    %dma_wait3A_755 = tpu.memref_squeeze %dma_wait3A_754 : memref<1x200x64xf32, #tpu.memory_space<hbm>> -> memref<200x64xf32, #tpu.memory_space<hbm>>
    %dma_wait3A_756 = arith.constant 0 : i32
    %dma_wait3A_757 = arith.constant 0 : i32
    %dma_wait3A_758 = tpu.memref_slice %arg4[%add3A_679, %dma_wait3A_756, %dma_wait3A_757] : memref<1024x200x64xf32, #tpu.memory_space<hbm>> -> memref<1x200x64xf32, #tpu.memory_space<hbm>>
    %dma_wait3A_759 = tpu.memref_squeeze %dma_wait3A_758 : memref<1x200x64xf32, #tpu.memory_space<hbm>> -> memref<200x64xf32, #tpu.memory_space<hbm>>
    tpu.wait_dma2 semaphore(%arg15 : memref<!tpu.dma_semaphore, #tpu.memory_space<semaphore_mem>>) src(%arg7 : memref<200x64xf32, #tpu.memory_space<vmem>>) dst(%dma_wait3A_759 : memref<200x64xf32, #tpu.memory_space<hbm>>)
    %dma_start3A_760 = arith.constant 25 : i32
    %dma_start3A_761 = arith.constant 0 : i32
    %dma_start3A_762 = tpu.memref_slice %arg5[%dma_start3A_760, %dma_start3A_761] : memref<32x200xi32, #tpu.memory_space<vmem>> -> memref<1x200xi32, #tpu.memory_space<vmem>>
    %dma_start3A_763 = tpu.memref_squeeze %dma_start3A_762 : memref<1x200xi32, #tpu.memory_space<vmem>> -> memref<200xi32, #tpu.memory_space<vmem>>
    %dma_start3A_764 = arith.constant 0 : i32
    %dma_start3A_765 = arith.constant 0 : i32
    %dma_start3A_766 = tpu.memref_slice %arg3[%dma_start3A_764, %dma_start3A_765] : memref<1000000x64xf32, #tpu.memory_space<hbm>> -> memref<1000000x64xf32, #tpu.memory_space<hbm>>
    tpu.enqueue_indirect_dma source(%dma_start3A_766 : memref<1000000x64xf32, #tpu.memory_space<hbm>>) target(%arg7 : memref<200x64xf32, #tpu.memory_space<vmem>>) offsets(%dma_start3A_763 : memref<200xi32, #tpu.memory_space<vmem>>) semaphore(%arg11 : memref<!tpu.dma_semaphore, #tpu.memory_space<semaphore_mem>>)
    %dma_wait3A_767 = arith.constant 24 : i32
    %dma_wait3A_768 = arith.constant 0 : i32
    %dma_wait3A_769 = tpu.memref_slice %arg5[%dma_wait3A_767, %dma_wait3A_768] : memref<32x200xi32, #tpu.memory_space<vmem>> -> memref<1x200xi32, #tpu.memory_space<vmem>>
    %dma_wait3A_770 = tpu.memref_squeeze %dma_wait3A_769 : memref<1x200xi32, #tpu.memory_space<vmem>> -> memref<200xi32, #tpu.memory_space<vmem>>
    %dma_wait3A_771 = arith.constant 0 : i32
    %dma_wait3A_772 = arith.constant 0 : i32
    %dma_wait3A_773 = tpu.memref_slice %arg3[%dma_wait3A_771, %dma_wait3A_772] : memref<1000000x64xf32, #tpu.memory_space<hbm>> -> memref<1000000x64xf32, #tpu.memory_space<hbm>>
    tpu.wait_indirect_dma semaphore(%arg10 : memref<!tpu.dma_semaphore, #tpu.memory_space<semaphore_mem>>) src(%dma_wait3A_773 : memref<1000000x64xf32, #tpu.memory_space<hbm>>) dst(%arg6 : memref<200x64xf32, #tpu.memory_space<vmem>>)
    %add3A_774 = arith.constant 24 : i32
    %add3A_775 = arith.addi %mul3A_2, %add3A_774 : i32
    %dma_start3A_776 = arith.constant 0 : i32
    %dma_start3A_777 = arith.constant 0 : i32
    %dma_start3A_778 = tpu.memref_slice %arg4[%add3A_775, %dma_start3A_776, %dma_start3A_777] : memref<1024x200x64xf32, #tpu.memory_space<hbm>> -> memref<1x200x64xf32, #tpu.memory_space<hbm>>
    %dma_start3A_779 = tpu.memref_squeeze %dma_start3A_778 : memref<1x200x64xf32, #tpu.memory_space<hbm>> -> memref<200x64xf32, #tpu.memory_space<hbm>>
    %dma_start3A_780 = arith.constant 0 : i32
    %dma_start3A_781 = arith.constant 0 : i32
    %dma_start3A_782 = tpu.memref_slice %arg4[%add3A_775, %dma_start3A_780, %dma_start3A_781] : memref<1024x200x64xf32, #tpu.memory_space<hbm>> -> memref<1x200x64xf32, #tpu.memory_space<hbm>>
    %dma_start3A_783 = tpu.memref_squeeze %dma_start3A_782 : memref<1x200x64xf32, #tpu.memory_space<hbm>> -> memref<200x64xf32, #tpu.memory_space<hbm>>
    tpu.enqueue_dma source(%arg6 : memref<200x64xf32, #tpu.memory_space<vmem>>) target(%dma_start3A_783 : memref<200x64xf32, #tpu.memory_space<hbm>>) target_semaphore(%arg14 : memref<!tpu.dma_semaphore, #tpu.memory_space<semaphore_mem>>)
    %dma_wait3A_784 = arith.constant 0 : i32
    %dma_wait3A_785 = arith.constant 0 : i32
    %dma_wait3A_786 = tpu.memref_slice %arg4[%add3A_711, %dma_wait3A_784, %dma_wait3A_785] : memref<1024x200x64xf32, #tpu.memory_space<hbm>> -> memref<1x200x64xf32, #tpu.memory_space<hbm>>
    %dma_wait3A_787 = tpu.memref_squeeze %dma_wait3A_786 : memref<1x200x64xf32, #tpu.memory_space<hbm>> -> memref<200x64xf32, #tpu.memory_space<hbm>>
    %dma_wait3A_788 = arith.constant 0 : i32
    %dma_wait3A_789 = arith.constant 0 : i32
    %dma_wait3A_790 = tpu.memref_slice %arg4[%add3A_711, %dma_wait3A_788, %dma_wait3A_789] : memref<1024x200x64xf32, #tpu.memory_space<hbm>> -> memref<1x200x64xf32, #tpu.memory_space<hbm>>
    %dma_wait3A_791 = tpu.memref_squeeze %dma_wait3A_790 : memref<1x200x64xf32, #tpu.memory_space<hbm>> -> memref<200x64xf32, #tpu.memory_space<hbm>>
    tpu.wait_dma2 semaphore(%arg16 : memref<!tpu.dma_semaphore, #tpu.memory_space<semaphore_mem>>) src(%arg8 : memref<200x64xf32, #tpu.memory_space<vmem>>) dst(%dma_wait3A_791 : memref<200x64xf32, #tpu.memory_space<hbm>>)
    %dma_start3A_792 = arith.constant 26 : i32
    %dma_start3A_793 = arith.constant 0 : i32
    %dma_start3A_794 = tpu.memref_slice %arg5[%dma_start3A_792, %dma_start3A_793] : memref<32x200xi32, #tpu.memory_space<vmem>> -> memref<1x200xi32, #tpu.memory_space<vmem>>
    %dma_start3A_795 = tpu.memref_squeeze %dma_start3A_794 : memref<1x200xi32, #tpu.memory_space<vmem>> -> memref<200xi32, #tpu.memory_space<vmem>>
    %dma_start3A_796 = arith.constant 0 : i32
    %dma_start3A_797 = arith.constant 0 : i32
    %dma_start3A_798 = tpu.memref_slice %arg3[%dma_start3A_796, %dma_start3A_797] : memref<1000000x64xf32, #tpu.memory_space<hbm>> -> memref<1000000x64xf32, #tpu.memory_space<hbm>>
    tpu.enqueue_indirect_dma source(%dma_start3A_798 : memref<1000000x64xf32, #tpu.memory_space<hbm>>) target(%arg8 : memref<200x64xf32, #tpu.memory_space<vmem>>) offsets(%dma_start3A_795 : memref<200xi32, #tpu.memory_space<vmem>>) semaphore(%arg12 : memref<!tpu.dma_semaphore, #tpu.memory_space<semaphore_mem>>)
    %dma_wait3A_799 = arith.constant 25 : i32
    %dma_wait3A_800 = arith.constant 0 : i32
    %dma_wait3A_801 = tpu.memref_slice %arg5[%dma_wait3A_799, %dma_wait3A_800] : memref<32x200xi32, #tpu.memory_space<vmem>> -> memref<1x200xi32, #tpu.memory_space<vmem>>
    %dma_wait3A_802 = tpu.memref_squeeze %dma_wait3A_801 : memref<1x200xi32, #tpu.memory_space<vmem>> -> memref<200xi32, #tpu.memory_space<vmem>>
    %dma_wait3A_803 = arith.constant 0 : i32
    %dma_wait3A_804 = arith.constant 0 : i32
    %dma_wait3A_805 = tpu.memref_slice %arg3[%dma_wait3A_803, %dma_wait3A_804] : memref<1000000x64xf32, #tpu.memory_space<hbm>> -> memref<1000000x64xf32, #tpu.memory_space<hbm>>
    tpu.wait_indirect_dma semaphore(%arg11 : memref<!tpu.dma_semaphore, #tpu.memory_space<semaphore_mem>>) src(%dma_wait3A_805 : memref<1000000x64xf32, #tpu.memory_space<hbm>>) dst(%arg7 : memref<200x64xf32, #tpu.memory_space<vmem>>)
    %add3A_806 = arith.constant 25 : i32
    %add3A_807 = arith.addi %mul3A_2, %add3A_806 : i32
    %dma_start3A_808 = arith.constant 0 : i32
    %dma_start3A_809 = arith.constant 0 : i32
    %dma_start3A_810 = tpu.memref_slice %arg4[%add3A_807, %dma_start3A_808, %dma_start3A_809] : memref<1024x200x64xf32, #tpu.memory_space<hbm>> -> memref<1x200x64xf32, #tpu.memory_space<hbm>>
    %dma_start3A_811 = tpu.memref_squeeze %dma_start3A_810 : memref<1x200x64xf32, #tpu.memory_space<hbm>> -> memref<200x64xf32, #tpu.memory_space<hbm>>
    %dma_start3A_812 = arith.constant 0 : i32
    %dma_start3A_813 = arith.constant 0 : i32
    %dma_start3A_814 = tpu.memref_slice %arg4[%add3A_807, %dma_start3A_812, %dma_start3A_813] : memref<1024x200x64xf32, #tpu.memory_space<hbm>> -> memref<1x200x64xf32, #tpu.memory_space<hbm>>
    %dma_start3A_815 = tpu.memref_squeeze %dma_start3A_814 : memref<1x200x64xf32, #tpu.memory_space<hbm>> -> memref<200x64xf32, #tpu.memory_space<hbm>>
    tpu.enqueue_dma source(%arg7 : memref<200x64xf32, #tpu.memory_space<vmem>>) target(%dma_start3A_815 : memref<200x64xf32, #tpu.memory_space<hbm>>) target_semaphore(%arg15 : memref<!tpu.dma_semaphore, #tpu.memory_space<semaphore_mem>>)
    %dma_wait3A_816 = arith.constant 0 : i32
    %dma_wait3A_817 = arith.constant 0 : i32
    %dma_wait3A_818 = tpu.memref_slice %arg4[%add3A_743, %dma_wait3A_816, %dma_wait3A_817] : memref<1024x200x64xf32, #tpu.memory_space<hbm>> -> memref<1x200x64xf32, #tpu.memory_space<hbm>>
    %dma_wait3A_819 = tpu.memref_squeeze %dma_wait3A_818 : memref<1x200x64xf32, #tpu.memory_space<hbm>> -> memref<200x64xf32, #tpu.memory_space<hbm>>
    %dma_wait3A_820 = arith.constant 0 : i32
    %dma_wait3A_821 = arith.constant 0 : i32
    %dma_wait3A_822 = tpu.memref_slice %arg4[%add3A_743, %dma_wait3A_820, %dma_wait3A_821] : memref<1024x200x64xf32, #tpu.memory_space<hbm>> -> memref<1x200x64xf32, #tpu.memory_space<hbm>>
    %dma_wait3A_823 = tpu.memref_squeeze %dma_wait3A_822 : memref<1x200x64xf32, #tpu.memory_space<hbm>> -> memref<200x64xf32, #tpu.memory_space<hbm>>
    tpu.wait_dma2 semaphore(%arg17 : memref<!tpu.dma_semaphore, #tpu.memory_space<semaphore_mem>>) src(%arg9 : memref<200x64xf32, #tpu.memory_space<vmem>>) dst(%dma_wait3A_823 : memref<200x64xf32, #tpu.memory_space<hbm>>)
    %dma_start3A_824 = arith.constant 27 : i32
    %dma_start3A_825 = arith.constant 0 : i32
    %dma_start3A_826 = tpu.memref_slice %arg5[%dma_start3A_824, %dma_start3A_825] : memref<32x200xi32, #tpu.memory_space<vmem>> -> memref<1x200xi32, #tpu.memory_space<vmem>>
    %dma_start3A_827 = tpu.memref_squeeze %dma_start3A_826 : memref<1x200xi32, #tpu.memory_space<vmem>> -> memref<200xi32, #tpu.memory_space<vmem>>
    %dma_start3A_828 = arith.constant 0 : i32
    %dma_start3A_829 = arith.constant 0 : i32
    %dma_start3A_830 = tpu.memref_slice %arg3[%dma_start3A_828, %dma_start3A_829] : memref<1000000x64xf32, #tpu.memory_space<hbm>> -> memref<1000000x64xf32, #tpu.memory_space<hbm>>
    tpu.enqueue_indirect_dma source(%dma_start3A_830 : memref<1000000x64xf32, #tpu.memory_space<hbm>>) target(%arg9 : memref<200x64xf32, #tpu.memory_space<vmem>>) offsets(%dma_start3A_827 : memref<200xi32, #tpu.memory_space<vmem>>) semaphore(%arg13 : memref<!tpu.dma_semaphore, #tpu.memory_space<semaphore_mem>>)
    %dma_wait3A_831 = arith.constant 26 : i32
    %dma_wait3A_832 = arith.constant 0 : i32
    %dma_wait3A_833 = tpu.memref_slice %arg5[%dma_wait3A_831, %dma_wait3A_832] : memref<32x200xi32, #tpu.memory_space<vmem>> -> memref<1x200xi32, #tpu.memory_space<vmem>>
    %dma_wait3A_834 = tpu.memref_squeeze %dma_wait3A_833 : memref<1x200xi32, #tpu.memory_space<vmem>> -> memref<200xi32, #tpu.memory_space<vmem>>
    %dma_wait3A_835 = arith.constant 0 : i32
    %dma_wait3A_836 = arith.constant 0 : i32
    %dma_wait3A_837 = tpu.memref_slice %arg3[%dma_wait3A_835, %dma_wait3A_836] : memref<1000000x64xf32, #tpu.memory_space<hbm>> -> memref<1000000x64xf32, #tpu.memory_space<hbm>>
    tpu.wait_indirect_dma semaphore(%arg12 : memref<!tpu.dma_semaphore, #tpu.memory_space<semaphore_mem>>) src(%dma_wait3A_837 : memref<1000000x64xf32, #tpu.memory_space<hbm>>) dst(%arg8 : memref<200x64xf32, #tpu.memory_space<vmem>>)
    %add3A_838 = arith.constant 26 : i32
    %add3A_839 = arith.addi %mul3A_2, %add3A_838 : i32
    %dma_start3A_840 = arith.constant 0 : i32
    %dma_start3A_841 = arith.constant 0 : i32
    %dma_start3A_842 = tpu.memref_slice %arg4[%add3A_839, %dma_start3A_840, %dma_start3A_841] : memref<1024x200x64xf32, #tpu.memory_space<hbm>> -> memref<1x200x64xf32, #tpu.memory_space<hbm>>
    %dma_start3A_843 = tpu.memref_squeeze %dma_start3A_842 : memref<1x200x64xf32, #tpu.memory_space<hbm>> -> memref<200x64xf32, #tpu.memory_space<hbm>>
    %dma_start3A_844 = arith.constant 0 : i32
    %dma_start3A_845 = arith.constant 0 : i32
    %dma_start3A_846 = tpu.memref_slice %arg4[%add3A_839, %dma_start3A_844, %dma_start3A_845] : memref<1024x200x64xf32, #tpu.memory_space<hbm>> -> memref<1x200x64xf32, #tpu.memory_space<hbm>>
    %dma_start3A_847 = tpu.memref_squeeze %dma_start3A_846 : memref<1x200x64xf32, #tpu.memory_space<hbm>> -> memref<200x64xf32, #tpu.memory_space<hbm>>
    tpu.enqueue_dma source(%arg8 : memref<200x64xf32, #tpu.memory_space<vmem>>) target(%dma_start3A_847 : memref<200x64xf32, #tpu.memory_space<hbm>>) target_semaphore(%arg16 : memref<!tpu.dma_semaphore, #tpu.memory_space<semaphore_mem>>)
    %dma_wait3A_848 = arith.constant 0 : i32
    %dma_wait3A_849 = arith.constant 0 : i32
    %dma_wait3A_850 = tpu.memref_slice %arg4[%add3A_775, %dma_wait3A_848, %dma_wait3A_849] : memref<1024x200x64xf32, #tpu.memory_space<hbm>> -> memref<1x200x64xf32, #tpu.memory_space<hbm>>
    %dma_wait3A_851 = tpu.memref_squeeze %dma_wait3A_850 : memref<1x200x64xf32, #tpu.memory_space<hbm>> -> memref<200x64xf32, #tpu.memory_space<hbm>>
    %dma_wait3A_852 = arith.constant 0 : i32
    %dma_wait3A_853 = arith.constant 0 : i32
    %dma_wait3A_854 = tpu.memref_slice %arg4[%add3A_775, %dma_wait3A_852, %dma_wait3A_853] : memref<1024x200x64xf32, #tpu.memory_space<hbm>> -> memref<1x200x64xf32, #tpu.memory_space<hbm>>
    %dma_wait3A_855 = tpu.memref_squeeze %dma_wait3A_854 : memref<1x200x64xf32, #tpu.memory_space<hbm>> -> memref<200x64xf32, #tpu.memory_space<hbm>>
    tpu.wait_dma2 semaphore(%arg14 : memref<!tpu.dma_semaphore, #tpu.memory_space<semaphore_mem>>) src(%arg6 : memref<200x64xf32, #tpu.memory_space<vmem>>) dst(%dma_wait3A_855 : memref<200x64xf32, #tpu.memory_space<hbm>>)
    %dma_start3A_856 = arith.constant 28 : i32
    %dma_start3A_857 = arith.constant 0 : i32
    %dma_start3A_858 = tpu.memref_slice %arg5[%dma_start3A_856, %dma_start3A_857] : memref<32x200xi32, #tpu.memory_space<vmem>> -> memref<1x200xi32, #tpu.memory_space<vmem>>
    %dma_start3A_859 = tpu.memref_squeeze %dma_start3A_858 : memref<1x200xi32, #tpu.memory_space<vmem>> -> memref<200xi32, #tpu.memory_space<vmem>>
    %dma_start3A_860 = arith.constant 0 : i32
    %dma_start3A_861 = arith.constant 0 : i32
    %dma_start3A_862 = tpu.memref_slice %arg3[%dma_start3A_860, %dma_start3A_861] : memref<1000000x64xf32, #tpu.memory_space<hbm>> -> memref<1000000x64xf32, #tpu.memory_space<hbm>>
    tpu.enqueue_indirect_dma source(%dma_start3A_862 : memref<1000000x64xf32, #tpu.memory_space<hbm>>) target(%arg6 : memref<200x64xf32, #tpu.memory_space<vmem>>) offsets(%dma_start3A_859 : memref<200xi32, #tpu.memory_space<vmem>>) semaphore(%arg10 : memref<!tpu.dma_semaphore, #tpu.memory_space<semaphore_mem>>)
    %dma_wait3A_863 = arith.constant 27 : i32
    %dma_wait3A_864 = arith.constant 0 : i32
    %dma_wait3A_865 = tpu.memref_slice %arg5[%dma_wait3A_863, %dma_wait3A_864] : memref<32x200xi32, #tpu.memory_space<vmem>> -> memref<1x200xi32, #tpu.memory_space<vmem>>
    %dma_wait3A_866 = tpu.memref_squeeze %dma_wait3A_865 : memref<1x200xi32, #tpu.memory_space<vmem>> -> memref<200xi32, #tpu.memory_space<vmem>>
    %dma_wait3A_867 = arith.constant 0 : i32
    %dma_wait3A_868 = arith.constant 0 : i32
    %dma_wait3A_869 = tpu.memref_slice %arg3[%dma_wait3A_867, %dma_wait3A_868] : memref<1000000x64xf32, #tpu.memory_space<hbm>> -> memref<1000000x64xf32, #tpu.memory_space<hbm>>
    tpu.wait_indirect_dma semaphore(%arg13 : memref<!tpu.dma_semaphore, #tpu.memory_space<semaphore_mem>>) src(%dma_wait3A_869 : memref<1000000x64xf32, #tpu.memory_space<hbm>>) dst(%arg9 : memref<200x64xf32, #tpu.memory_space<vmem>>)
    %add3A_870 = arith.constant 27 : i32
    %add3A_871 = arith.addi %mul3A_2, %add3A_870 : i32
    %dma_start3A_872 = arith.constant 0 : i32
    %dma_start3A_873 = arith.constant 0 : i32
    %dma_start3A_874 = tpu.memref_slice %arg4[%add3A_871, %dma_start3A_872, %dma_start3A_873] : memref<1024x200x64xf32, #tpu.memory_space<hbm>> -> memref<1x200x64xf32, #tpu.memory_space<hbm>>
    %dma_start3A_875 = tpu.memref_squeeze %dma_start3A_874 : memref<1x200x64xf32, #tpu.memory_space<hbm>> -> memref<200x64xf32, #tpu.memory_space<hbm>>
    %dma_start3A_876 = arith.constant 0 : i32
    %dma_start3A_877 = arith.constant 0 : i32
    %dma_start3A_878 = tpu.memref_slice %arg4[%add3A_871, %dma_start3A_876, %dma_start3A_877] : memref<1024x200x64xf32, #tpu.memory_space<hbm>> -> memref<1x200x64xf32, #tpu.memory_space<hbm>>
    %dma_start3A_879 = tpu.memref_squeeze %dma_start3A_878 : memref<1x200x64xf32, #tpu.memory_space<hbm>> -> memref<200x64xf32, #tpu.memory_space<hbm>>
    tpu.enqueue_dma source(%arg9 : memref<200x64xf32, #tpu.memory_space<vmem>>) target(%dma_start3A_879 : memref<200x64xf32, #tpu.memory_space<hbm>>) target_semaphore(%arg17 : memref<!tpu.dma_semaphore, #tpu.memory_space<semaphore_mem>>)
    %dma_wait3A_880 = arith.constant 0 : i32
    %dma_wait3A_881 = arith.constant 0 : i32
    %dma_wait3A_882 = tpu.memref_slice %arg4[%add3A_807, %dma_wait3A_880, %dma_wait3A_881] : memref<1024x200x64xf32, #tpu.memory_space<hbm>> -> memref<1x200x64xf32, #tpu.memory_space<hbm>>
    %dma_wait3A_883 = tpu.memref_squeeze %dma_wait3A_882 : memref<1x200x64xf32, #tpu.memory_space<hbm>> -> memref<200x64xf32, #tpu.memory_space<hbm>>
    %dma_wait3A_884 = arith.constant 0 : i32
    %dma_wait3A_885 = arith.constant 0 : i32
    %dma_wait3A_886 = tpu.memref_slice %arg4[%add3A_807, %dma_wait3A_884, %dma_wait3A_885] : memref<1024x200x64xf32, #tpu.memory_space<hbm>> -> memref<1x200x64xf32, #tpu.memory_space<hbm>>
    %dma_wait3A_887 = tpu.memref_squeeze %dma_wait3A_886 : memref<1x200x64xf32, #tpu.memory_space<hbm>> -> memref<200x64xf32, #tpu.memory_space<hbm>>
    tpu.wait_dma2 semaphore(%arg15 : memref<!tpu.dma_semaphore, #tpu.memory_space<semaphore_mem>>) src(%arg7 : memref<200x64xf32, #tpu.memory_space<vmem>>) dst(%dma_wait3A_887 : memref<200x64xf32, #tpu.memory_space<hbm>>)
    %dma_start3A_888 = arith.constant 29 : i32
    %dma_start3A_889 = arith.constant 0 : i32
    %dma_start3A_890 = tpu.memref_slice %arg5[%dma_start3A_888, %dma_start3A_889] : memref<32x200xi32, #tpu.memory_space<vmem>> -> memref<1x200xi32, #tpu.memory_space<vmem>>
    %dma_start3A_891 = tpu.memref_squeeze %dma_start3A_890 : memref<1x200xi32, #tpu.memory_space<vmem>> -> memref<200xi32, #tpu.memory_space<vmem>>
    %dma_start3A_892 = arith.constant 0 : i32
    %dma_start3A_893 = arith.constant 0 : i32
    %dma_start3A_894 = tpu.memref_slice %arg3[%dma_start3A_892, %dma_start3A_893] : memref<1000000x64xf32, #tpu.memory_space<hbm>> -> memref<1000000x64xf32, #tpu.memory_space<hbm>>
    tpu.enqueue_indirect_dma source(%dma_start3A_894 : memref<1000000x64xf32, #tpu.memory_space<hbm>>) target(%arg7 : memref<200x64xf32, #tpu.memory_space<vmem>>) offsets(%dma_start3A_891 : memref<200xi32, #tpu.memory_space<vmem>>) semaphore(%arg11 : memref<!tpu.dma_semaphore, #tpu.memory_space<semaphore_mem>>)
    %dma_wait3A_895 = arith.constant 28 : i32
    %dma_wait3A_896 = arith.constant 0 : i32
    %dma_wait3A_897 = tpu.memref_slice %arg5[%dma_wait3A_895, %dma_wait3A_896] : memref<32x200xi32, #tpu.memory_space<vmem>> -> memref<1x200xi32, #tpu.memory_space<vmem>>
    %dma_wait3A_898 = tpu.memref_squeeze %dma_wait3A_897 : memref<1x200xi32, #tpu.memory_space<vmem>> -> memref<200xi32, #tpu.memory_space<vmem>>
    %dma_wait3A_899 = arith.constant 0 : i32
    %dma_wait3A_900 = arith.constant 0 : i32
    %dma_wait3A_901 = tpu.memref_slice %arg3[%dma_wait3A_899, %dma_wait3A_900] : memref<1000000x64xf32, #tpu.memory_space<hbm>> -> memref<1000000x64xf32, #tpu.memory_space<hbm>>
    tpu.wait_indirect_dma semaphore(%arg10 : memref<!tpu.dma_semaphore, #tpu.memory_space<semaphore_mem>>) src(%dma_wait3A_901 : memref<1000000x64xf32, #tpu.memory_space<hbm>>) dst(%arg6 : memref<200x64xf32, #tpu.memory_space<vmem>>)
    %add3A_902 = arith.constant 28 : i32
    %add3A_903 = arith.addi %mul3A_2, %add3A_902 : i32
    %dma_start3A_904 = arith.constant 0 : i32
    %dma_start3A_905 = arith.constant 0 : i32
    %dma_start3A_906 = tpu.memref_slice %arg4[%add3A_903, %dma_start3A_904, %dma_start3A_905] : memref<1024x200x64xf32, #tpu.memory_space<hbm>> -> memref<1x200x64xf32, #tpu.memory_space<hbm>>
    %dma_start3A_907 = tpu.memref_squeeze %dma_start3A_906 : memref<1x200x64xf32, #tpu.memory_space<hbm>> -> memref<200x64xf32, #tpu.memory_space<hbm>>
    %dma_start3A_908 = arith.constant 0 : i32
    %dma_start3A_909 = arith.constant 0 : i32
    %dma_start3A_910 = tpu.memref_slice %arg4[%add3A_903, %dma_start3A_908, %dma_start3A_909] : memref<1024x200x64xf32, #tpu.memory_space<hbm>> -> memref<1x200x64xf32, #tpu.memory_space<hbm>>
    %dma_start3A_911 = tpu.memref_squeeze %dma_start3A_910 : memref<1x200x64xf32, #tpu.memory_space<hbm>> -> memref<200x64xf32, #tpu.memory_space<hbm>>
    tpu.enqueue_dma source(%arg6 : memref<200x64xf32, #tpu.memory_space<vmem>>) target(%dma_start3A_911 : memref<200x64xf32, #tpu.memory_space<hbm>>) target_semaphore(%arg14 : memref<!tpu.dma_semaphore, #tpu.memory_space<semaphore_mem>>)
    %dma_wait3A_912 = arith.constant 0 : i32
    %dma_wait3A_913 = arith.constant 0 : i32
    %dma_wait3A_914 = tpu.memref_slice %arg4[%add3A_839, %dma_wait3A_912, %dma_wait3A_913] : memref<1024x200x64xf32, #tpu.memory_space<hbm>> -> memref<1x200x64xf32, #tpu.memory_space<hbm>>
    %dma_wait3A_915 = tpu.memref_squeeze %dma_wait3A_914 : memref<1x200x64xf32, #tpu.memory_space<hbm>> -> memref<200x64xf32, #tpu.memory_space<hbm>>
    %dma_wait3A_916 = arith.constant 0 : i32
    %dma_wait3A_917 = arith.constant 0 : i32
    %dma_wait3A_918 = tpu.memref_slice %arg4[%add3A_839, %dma_wait3A_916, %dma_wait3A_917] : memref<1024x200x64xf32, #tpu.memory_space<hbm>> -> memref<1x200x64xf32, #tpu.memory_space<hbm>>
    %dma_wait3A_919 = tpu.memref_squeeze %dma_wait3A_918 : memref<1x200x64xf32, #tpu.memory_space<hbm>> -> memref<200x64xf32, #tpu.memory_space<hbm>>
    tpu.wait_dma2 semaphore(%arg16 : memref<!tpu.dma_semaphore, #tpu.memory_space<semaphore_mem>>) src(%arg8 : memref<200x64xf32, #tpu.memory_space<vmem>>) dst(%dma_wait3A_919 : memref<200x64xf32, #tpu.memory_space<hbm>>)
    %dma_start3A_920 = arith.constant 30 : i32
    %dma_start3A_921 = arith.constant 0 : i32
    %dma_start3A_922 = tpu.memref_slice %arg5[%dma_start3A_920, %dma_start3A_921] : memref<32x200xi32, #tpu.memory_space<vmem>> -> memref<1x200xi32, #tpu.memory_space<vmem>>
    %dma_start3A_923 = tpu.memref_squeeze %dma_start3A_922 : memref<1x200xi32, #tpu.memory_space<vmem>> -> memref<200xi32, #tpu.memory_space<vmem>>
    %dma_start3A_924 = arith.constant 0 : i32
    %dma_start3A_925 = arith.constant 0 : i32
    %dma_start3A_926 = tpu.memref_slice %arg3[%dma_start3A_924, %dma_start3A_925] : memref<1000000x64xf32, #tpu.memory_space<hbm>> -> memref<1000000x64xf32, #tpu.memory_space<hbm>>
    tpu.enqueue_indirect_dma source(%dma_start3A_926 : memref<1000000x64xf32, #tpu.memory_space<hbm>>) target(%arg8 : memref<200x64xf32, #tpu.memory_space<vmem>>) offsets(%dma_start3A_923 : memref<200xi32, #tpu.memory_space<vmem>>) semaphore(%arg12 : memref<!tpu.dma_semaphore, #tpu.memory_space<semaphore_mem>>)
    %dma_wait3A_927 = arith.constant 29 : i32
    %dma_wait3A_928 = arith.constant 0 : i32
    %dma_wait3A_929 = tpu.memref_slice %arg5[%dma_wait3A_927, %dma_wait3A_928] : memref<32x200xi32, #tpu.memory_space<vmem>> -> memref<1x200xi32, #tpu.memory_space<vmem>>
    %dma_wait3A_930 = tpu.memref_squeeze %dma_wait3A_929 : memref<1x200xi32, #tpu.memory_space<vmem>> -> memref<200xi32, #tpu.memory_space<vmem>>
    %dma_wait3A_931 = arith.constant 0 : i32
    %dma_wait3A_932 = arith.constant 0 : i32
    %dma_wait3A_933 = tpu.memref_slice %arg3[%dma_wait3A_931, %dma_wait3A_932] : memref<1000000x64xf32, #tpu.memory_space<hbm>> -> memref<1000000x64xf32, #tpu.memory_space<hbm>>
    tpu.wait_indirect_dma semaphore(%arg11 : memref<!tpu.dma_semaphore, #tpu.memory_space<semaphore_mem>>) src(%dma_wait3A_933 : memref<1000000x64xf32, #tpu.memory_space<hbm>>) dst(%arg7 : memref<200x64xf32, #tpu.memory_space<vmem>>)
    %add3A_934 = arith.constant 29 : i32
    %add3A_935 = arith.addi %mul3A_2, %add3A_934 : i32
    %dma_start3A_936 = arith.constant 0 : i32
    %dma_start3A_937 = arith.constant 0 : i32
    %dma_start3A_938 = tpu.memref_slice %arg4[%add3A_935, %dma_start3A_936, %dma_start3A_937] : memref<1024x200x64xf32, #tpu.memory_space<hbm>> -> memref<1x200x64xf32, #tpu.memory_space<hbm>>
    %dma_start3A_939 = tpu.memref_squeeze %dma_start3A_938 : memref<1x200x64xf32, #tpu.memory_space<hbm>> -> memref<200x64xf32, #tpu.memory_space<hbm>>
    %dma_start3A_940 = arith.constant 0 : i32
    %dma_start3A_941 = arith.constant 0 : i32
    %dma_start3A_942 = tpu.memref_slice %arg4[%add3A_935, %dma_start3A_940, %dma_start3A_941] : memref<1024x200x64xf32, #tpu.memory_space<hbm>> -> memref<1x200x64xf32, #tpu.memory_space<hbm>>
    %dma_start3A_943 = tpu.memref_squeeze %dma_start3A_942 : memref<1x200x64xf32, #tpu.memory_space<hbm>> -> memref<200x64xf32, #tpu.memory_space<hbm>>
    tpu.enqueue_dma source(%arg7 : memref<200x64xf32, #tpu.memory_space<vmem>>) target(%dma_start3A_943 : memref<200x64xf32, #tpu.memory_space<hbm>>) target_semaphore(%arg15 : memref<!tpu.dma_semaphore, #tpu.memory_space<semaphore_mem>>)
    %dma_wait3A_944 = arith.constant 0 : i32
    %dma_wait3A_945 = arith.constant 0 : i32
    %dma_wait3A_946 = tpu.memref_slice %arg4[%add3A_871, %dma_wait3A_944, %dma_wait3A_945] : memref<1024x200x64xf32, #tpu.memory_space<hbm>> -> memref<1x200x64xf32, #tpu.memory_space<hbm>>
    %dma_wait3A_947 = tpu.memref_squeeze %dma_wait3A_946 : memref<1x200x64xf32, #tpu.memory_space<hbm>> -> memref<200x64xf32, #tpu.memory_space<hbm>>
    %dma_wait3A_948 = arith.constant 0 : i32
    %dma_wait3A_949 = arith.constant 0 : i32
    %dma_wait3A_950 = tpu.memref_slice %arg4[%add3A_871, %dma_wait3A_948, %dma_wait3A_949] : memref<1024x200x64xf32, #tpu.memory_space<hbm>> -> memref<1x200x64xf32, #tpu.memory_space<hbm>>
    %dma_wait3A_951 = tpu.memref_squeeze %dma_wait3A_950 : memref<1x200x64xf32, #tpu.memory_space<hbm>> -> memref<200x64xf32, #tpu.memory_space<hbm>>
    tpu.wait_dma2 semaphore(%arg17 : memref<!tpu.dma_semaphore, #tpu.memory_space<semaphore_mem>>) src(%arg9 : memref<200x64xf32, #tpu.memory_space<vmem>>) dst(%dma_wait3A_951 : memref<200x64xf32, #tpu.memory_space<hbm>>)
    %dma_start3A_952 = arith.constant 31 : i32
    %dma_start3A_953 = arith.constant 0 : i32
    %dma_start3A_954 = tpu.memref_slice %arg5[%dma_start3A_952, %dma_start3A_953] : memref<32x200xi32, #tpu.memory_space<vmem>> -> memref<1x200xi32, #tpu.memory_space<vmem>>
    %dma_start3A_955 = tpu.memref_squeeze %dma_start3A_954 : memref<1x200xi32, #tpu.memory_space<vmem>> -> memref<200xi32, #tpu.memory_space<vmem>>
    %dma_start3A_956 = arith.constant 0 : i32
    %dma_start3A_957 = arith.constant 0 : i32
    %dma_start3A_958 = tpu.memref_slice %arg3[%dma_start3A_956, %dma_start3A_957] : memref<1000000x64xf32, #tpu.memory_space<hbm>> -> memref<1000000x64xf32, #tpu.memory_space<hbm>>
    tpu.enqueue_indirect_dma source(%dma_start3A_958 : memref<1000000x64xf32, #tpu.memory_space<hbm>>) target(%arg9 : memref<200x64xf32, #tpu.memory_space<vmem>>) offsets(%dma_start3A_955 : memref<200xi32, #tpu.memory_space<vmem>>) semaphore(%arg13 : memref<!tpu.dma_semaphore, #tpu.memory_space<semaphore_mem>>)
    %dma_wait3A_959 = arith.constant 30 : i32
    %dma_wait3A_960 = arith.constant 0 : i32
    %dma_wait3A_961 = tpu.memref_slice %arg5[%dma_wait3A_959, %dma_wait3A_960] : memref<32x200xi32, #tpu.memory_space<vmem>> -> memref<1x200xi32, #tpu.memory_space<vmem>>
    %dma_wait3A_962 = tpu.memref_squeeze %dma_wait3A_961 : memref<1x200xi32, #tpu.memory_space<vmem>> -> memref<200xi32, #tpu.memory_space<vmem>>
    %dma_wait3A_963 = arith.constant 0 : i32
    %dma_wait3A_964 = arith.constant 0 : i32
    %dma_wait3A_965 = tpu.memref_slice %arg3[%dma_wait3A_963, %dma_wait3A_964] : memref<1000000x64xf32, #tpu.memory_space<hbm>> -> memref<1000000x64xf32, #tpu.memory_space<hbm>>
    tpu.wait_indirect_dma semaphore(%arg12 : memref<!tpu.dma_semaphore, #tpu.memory_space<semaphore_mem>>) src(%dma_wait3A_965 : memref<1000000x64xf32, #tpu.memory_space<hbm>>) dst(%arg8 : memref<200x64xf32, #tpu.memory_space<vmem>>)
    %add3A_966 = arith.constant 30 : i32
    %add3A_967 = arith.addi %mul3A_2, %add3A_966 : i32
    %dma_start3A_968 = arith.constant 0 : i32
    %dma_start3A_969 = arith.constant 0 : i32
    %dma_start3A_970 = tpu.memref_slice %arg4[%add3A_967, %dma_start3A_968, %dma_start3A_969] : memref<1024x200x64xf32, #tpu.memory_space<hbm>> -> memref<1x200x64xf32, #tpu.memory_space<hbm>>
    %dma_start3A_971 = tpu.memref_squeeze %dma_start3A_970 : memref<1x200x64xf32, #tpu.memory_space<hbm>> -> memref<200x64xf32, #tpu.memory_space<hbm>>
    %dma_start3A_972 = arith.constant 0 : i32
    %dma_start3A_973 = arith.constant 0 : i32
    %dma_start3A_974 = tpu.memref_slice %arg4[%add3A_967, %dma_start3A_972, %dma_start3A_973] : memref<1024x200x64xf32, #tpu.memory_space<hbm>> -> memref<1x200x64xf32, #tpu.memory_space<hbm>>
    %dma_start3A_975 = tpu.memref_squeeze %dma_start3A_974 : memref<1x200x64xf32, #tpu.memory_space<hbm>> -> memref<200x64xf32, #tpu.memory_space<hbm>>
    tpu.enqueue_dma source(%arg8 : memref<200x64xf32, #tpu.memory_space<vmem>>) target(%dma_start3A_975 : memref<200x64xf32, #tpu.memory_space<hbm>>) target_semaphore(%arg16 : memref<!tpu.dma_semaphore, #tpu.memory_space<semaphore_mem>>)
    %dma_wait3A_976 = arith.constant 31 : i32
    %dma_wait3A_977 = arith.constant 0 : i32
    %dma_wait3A_978 = tpu.memref_slice %arg5[%dma_wait3A_976, %dma_wait3A_977] : memref<32x200xi32, #tpu.memory_space<vmem>> -> memref<1x200xi32, #tpu.memory_space<vmem>>
    %dma_wait3A_979 = tpu.memref_squeeze %dma_wait3A_978 : memref<1x200xi32, #tpu.memory_space<vmem>> -> memref<200xi32, #tpu.memory_space<vmem>>
    %dma_wait3A_980 = arith.constant 0 : i32
    %dma_wait3A_981 = arith.constant 0 : i32
    %dma_wait3A_982 = tpu.memref_slice %arg3[%dma_wait3A_980, %dma_wait3A_981] : memref<1000000x64xf32, #tpu.memory_space<hbm>> -> memref<1000000x64xf32, #tpu.memory_space<hbm>>
    tpu.wait_indirect_dma semaphore(%arg13 : memref<!tpu.dma_semaphore, #tpu.memory_space<semaphore_mem>>) src(%dma_wait3A_982 : memref<1000000x64xf32, #tpu.memory_space<hbm>>) dst(%arg9 : memref<200x64xf32, #tpu.memory_space<vmem>>)
    %add3A_983 = arith.constant 31 : i32
    %add3A_984 = arith.addi %mul3A_2, %add3A_983 : i32
    %dma_start3A_985 = arith.constant 0 : i32
    %dma_start3A_986 = arith.constant 0 : i32
    %dma_start3A_987 = tpu.memref_slice %arg4[%add3A_984, %dma_start3A_985, %dma_start3A_986] : memref<1024x200x64xf32, #tpu.memory_space<hbm>> -> memref<1x200x64xf32, #tpu.memory_space<hbm>>
    %dma_start3A_988 = tpu.memref_squeeze %dma_start3A_987 : memref<1x200x64xf32, #tpu.memory_space<hbm>> -> memref<200x64xf32, #tpu.memory_space<hbm>>
    %dma_start3A_989 = arith.constant 0 : i32
    %dma_start3A_990 = arith.constant 0 : i32
    %dma_start3A_991 = tpu.memref_slice %arg4[%add3A_984, %dma_start3A_989, %dma_start3A_990] : memref<1024x200x64xf32, #tpu.memory_space<hbm>> -> memref<1x200x64xf32, #tpu.memory_space<hbm>>
    %dma_start3A_992 = tpu.memref_squeeze %dma_start3A_991 : memref<1x200x64xf32, #tpu.memory_space<hbm>> -> memref<200x64xf32, #tpu.memory_space<hbm>>
    tpu.enqueue_dma source(%arg9 : memref<200x64xf32, #tpu.memory_space<vmem>>) target(%dma_start3A_992 : memref<200x64xf32, #tpu.memory_space<hbm>>) target_semaphore(%arg17 : memref<!tpu.dma_semaphore, #tpu.memory_space<semaphore_mem>>)
    %dma_wait3A_993 = arith.constant 0 : i32
    %dma_wait3A_994 = arith.constant 0 : i32
    %dma_wait3A_995 = tpu.memref_slice %arg4[%add3A_903, %dma_wait3A_993, %dma_wait3A_994] : memref<1024x200x64xf32, #tpu.memory_space<hbm>> -> memref<1x200x64xf32, #tpu.memory_space<hbm>>
    %dma_wait3A_996 = tpu.memref_squeeze %dma_wait3A_995 : memref<1x200x64xf32, #tpu.memory_space<hbm>> -> memref<200x64xf32, #tpu.memory_space<hbm>>
    %dma_wait3A_997 = arith.constant 0 : i32
    %dma_wait3A_998 = arith.constant 0 : i32
    %dma_wait3A_999 = tpu.memref_slice %arg4[%add3A_903, %dma_wait3A_997, %dma_wait3A_998] : memref<1024x200x64xf32, #tpu.memory_space<hbm>> -> memref<1x200x64xf32, #tpu.memory_space<hbm>>
    %dma_wait3A_1000 = tpu.memref_squeeze %dma_wait3A_999 : memref<1x200x64xf32, #tpu.memory_space<hbm>> -> memref<200x64xf32, #tpu.memory_space<hbm>>
    tpu.wait_dma2 semaphore(%arg14 : memref<!tpu.dma_semaphore, #tpu.memory_space<semaphore_mem>>) src(%arg6 : memref<200x64xf32, #tpu.memory_space<vmem>>) dst(%dma_wait3A_1000 : memref<200x64xf32, #tpu.memory_space<hbm>>)
    %dma_wait3A_1001 = arith.constant 0 : i32
    %dma_wait3A_1002 = arith.constant 0 : i32
    %dma_wait3A_1003 = tpu.memref_slice %arg4[%add3A_935, %dma_wait3A_1001, %dma_wait3A_1002] : memref<1024x200x64xf32, #tpu.memory_space<hbm>> -> memref<1x200x64xf32, #tpu.memory_space<hbm>>
    %dma_wait3A_1004 = tpu.memref_squeeze %dma_wait3A_1003 : memref<1x200x64xf32, #tpu.memory_space<hbm>> -> memref<200x64xf32, #tpu.memory_space<hbm>>
    %dma_wait3A_1005 = arith.constant 0 : i32
    %dma_wait3A_1006 = arith.constant 0 : i32
    %dma_wait3A_1007 = tpu.memref_slice %arg4[%add3A_935, %dma_wait3A_1005, %dma_wait3A_1006] : memref<1024x200x64xf32, #tpu.memory_space<hbm>> -> memref<1x200x64xf32, #tpu.memory_space<hbm>>
    %dma_wait3A_1008 = tpu.memref_squeeze %dma_wait3A_1007 : memref<1x200x64xf32, #tpu.memory_space<hbm>> -> memref<200x64xf32, #tpu.memory_space<hbm>>
    tpu.wait_dma2 semaphore(%arg15 : memref<!tpu.dma_semaphore, #tpu.memory_space<semaphore_mem>>) src(%arg7 : memref<200x64xf32, #tpu.memory_space<vmem>>) dst(%dma_wait3A_1008 : memref<200x64xf32, #tpu.memory_space<hbm>>)
    %dma_wait3A_1009 = arith.constant 0 : i32
    %dma_wait3A_1010 = arith.constant 0 : i32
    %dma_wait3A_1011 = tpu.memref_slice %arg4[%add3A_967, %dma_wait3A_1009, %dma_wait3A_1010] : memref<1024x200x64xf32, #tpu.memory_space<hbm>> -> memref<1x200x64xf32, #tpu.memory_space<hbm>>
    %dma_wait3A_1012 = tpu.memref_squeeze %dma_wait3A_1011 : memref<1x200x64xf32, #tpu.memory_space<hbm>> -> memref<200x64xf32, #tpu.memory_space<hbm>>
    %dma_wait3A_1013 = arith.constant 0 : i32
    %dma_wait3A_1014 = arith.constant 0 : i32
    %dma_wait3A_1015 = tpu.memref_slice %arg4[%add3A_967, %dma_wait3A_1013, %dma_wait3A_1014] : memref<1024x200x64xf32, #tpu.memory_space<hbm>> -> memref<1x200x64xf32, #tpu.memory_space<hbm>>
    %dma_wait3A_1016 = tpu.memref_squeeze %dma_wait3A_1015 : memref<1x200x64xf32, #tpu.memory_space<hbm>> -> memref<200x64xf32, #tpu.memory_space<hbm>>
    tpu.wait_dma2 semaphore(%arg16 : memref<!tpu.dma_semaphore, #tpu.memory_space<semaphore_mem>>) src(%arg8 : memref<200x64xf32, #tpu.memory_space<vmem>>) dst(%dma_wait3A_1016 : memref<200x64xf32, #tpu.memory_space<hbm>>)
    %dma_wait3A_1017 = arith.constant 0 : i32
    %dma_wait3A_1018 = arith.constant 0 : i32
    %dma_wait3A_1019 = tpu.memref_slice %arg4[%add3A_984, %dma_wait3A_1017, %dma_wait3A_1018] : memref<1024x200x64xf32, #tpu.memory_space<hbm>> -> memref<1x200x64xf32, #tpu.memory_space<hbm>>
    %dma_wait3A_1020 = tpu.memref_squeeze %dma_wait3A_1019 : memref<1x200x64xf32, #tpu.memory_space<hbm>> -> memref<200x64xf32, #tpu.memory_space<hbm>>
    %dma_wait3A_1021 = arith.constant 0 : i32
    %dma_wait3A_1022 = arith.constant 0 : i32
    %dma_wait3A_1023 = tpu.memref_slice %arg4[%add3A_984, %dma_wait3A_1021, %dma_wait3A_1022] : memref<1024x200x64xf32, #tpu.memory_space<hbm>> -> memref<1x200x64xf32, #tpu.memory_space<hbm>>
    %dma_wait3A_1024 = tpu.memref_squeeze %dma_wait3A_1023 : memref<1x200x64xf32, #tpu.memory_space<hbm>> -> memref<200x64xf32, #tpu.memory_space<hbm>>
    tpu.wait_dma2 semaphore(%arg17 : memref<!tpu.dma_semaphore, #tpu.memory_space<semaphore_mem>>) src(%arg9 : memref<200x64xf32, #tpu.memory_space<vmem>>) dst(%dma_wait3A_1024 : memref<200x64xf32, #tpu.memory_space<hbm>>)
    return
  }
}

</mosaic_0001>

<sc_bundles>
// kernel: kernel.3.cloned.1.call-start
scs
__scs_entry_jumppad:
0x0: {  	(pc) =	sbr.rel $0x88, $3  }
0x1: {  	(tag) =	ssettag $0x0;
	lr =	simm.s32 $0x1  }
0x2: {  	[smem:$0x3F9F] =	sst lr;
	_ =	strace $0xD0000000  }
0x3: {  	_ = 	snop  }
0x4: {  	_ = 	snop  }
0x5: {  	_ = 	snop  }
0x6: {  	_ = 	snop  }
0x7: {  	_ = 	snop  }
__scs_overlays_trampoline_lowered:
0x8: {  	[smem:$0x3FAE] =	sst s0  }
0x9: {  	[smem:$0x3FAF] =	sst s1  }
0xa: {  	[smem:$0x3FB0] =	sst s2  }
0xb: {  	[smem:$0x3FB1] =	sst s3  }
0xc: {  	[smem:$0x3FB2] =	sst s4  }
0xd: {  	[smem:$0x3FB3] =	sst s5  }
0xe: {  	[smem:$0x3FB4] =	sst s6  }
0xf: {  	[smem:$0x3FB5] =	sst s7  }
0x10: {  	[smem:$0x3FB6] =	sst s8  }
0x11: {  	[smem:$0x3FB7] =	sst s9;
	s0 =	simm.s32 @!p0 $0x0  }
0x12: {  	s1 =	sld [smem:$0x3F9D];
	s0 =	simm.s32 @p0 $0x1  }
0x13: {  	[smem:$0x3FB8] =	sst s0;
	s0 =	simm.s32 @!p1 $0x0  }
0x14: {  	s2 =	sld [smem:$0x3F9C];
	s0 =	simm.s32 @p1 $0x1  }
0x15: {  	[smem:$0x3FB9] =	sst s0;
	s0 =	simm.s32 @!p2 $0x0  }
0x16: {  	s3 =	sld [smem:$0x3FDB];
	s0 =	simm.s32 @p2 $0x1  }
0x17: {  	s4 =	simm.s32 $0x1BF5;
	[smem:$0x3FBB] =	sst s0  }
0x18: {  	s0 =	sld [smem:$0x3F9E];
	_ =	swait.ge [sflag:s4], $0x0  }
0x19: {  	s7 =	sld [smem:$0x3F9F]  }
0x1a: {  	s8 =	sadd.s32 $0xFFFFE003, lr  }
0x1b: {  	s9 =	sadd.s32 $0xFFFFFEF7, lr;
	s5 =	simm.s32 $0xFFFFFFFF;
	p2 =	slt.u32 s8, $0xFFFFF086  }
0x1c: {  	p1 =	slt.u32 s9, $0xF7A;
	s5 =	simm.s32 @!p2 $0x0  }
0x1d: {  	s5 =	simm.s32 @p1 $0x1;
	p0 =	seq.s32 s7, s2  }
0x1e: {  	s7 =	smul.u32 @!p0 $0xF7A, s2;
	p2 =	seq.s32 @!p0 s5, $0x0  }
0x1f: {  	s9 =	smul.u32 $0xF7A, s1;
	s8 =	simm.s32 @!p0 $0x1BF5;
	p2 =	por !p2, p0  }
0x20: {  	[sflag:s8] =	ssyncset.s32 @!p0 $0xFFFFF086;
	s6 =	sadd.s32 @!p0 s3, s7;
	s7 =	simm.s32 @!p0 $0x108  }
0x21: {  	s3 =	sadd.s32 s3, s9;
	s6 =	sadd.s32 @!p0 $0x88, s6;
	s7 =	simm.s32 @p2 $0x1082  }
0x22: {  	[simem:s7], [sflag:s8] =	dma.local @!p0 [hbm:s6], $0xF7A  }
0x23: {  	s9 =	sor.u32 $0xD0000000, s2;
	s6 =	simm.s32 $0x108;
	_ =	swait.ge @!p0 [sflag:s8], $0x0  }
0x24: {  	s3 =	sadd.s32 $0x88, s3;
	s6 =	simm.s32 @!p1 $0x1082;
	[sflag:s4] =	ssyncset.s32 $0xFFFFF086  }
0x25: {  	[simem:s6], [sflag:s4] =	dma.local [hbm:s3], $0xF7A  }
0x26: {  	[smem:$0x3F9F] =	sst s1;
	(tag) =	ssettag s2;
	_ =	strace s9  }
0x27: {  	s1 =	sld [smem:$0x3FAF]  }
0x28: {  	s2 =	sld [smem:$0x3FB0]  }
0x29: {  	s4 =	sld [smem:$0x3FB2]  }
0x2a: {  	p0 =	seq.s32 s5, $0x0;
	s5 =	sld [smem:$0x3FB3]  }
0x2b: {  	s6 =	sld [smem:$0x3FB4]  }
0x2c: {  	s7 =	sld [smem:$0x3FB5]  }
0x2d: {  	s3 =	simm.s32 $0x108;
	s8 =	sld [smem:$0x3FB6]  }
0x2e: {  	s3 =	simm.s32 @!p0 $0x1082;
	s9 =	sld [smem:$0x3FB7]  }
0x2f: {  	lr =	sadd.s32 s0, s3;
	s0 =	sld [smem:$0x3FAE]  }
0x30: {  	s3 =	sld [smem:$0x3FB1]  }
0x31: {  	[smem:$0x3FBA] =	sst s10  }
0x32: {  	s10 =	sld [smem:$0x3FB8];
	_ =	sdelay $0x3  }
0x33: {  	p0 =	seq.s32 s10, $0x1;
	s10 =	sld [smem:$0x3FBA];
	_ =	sdelay $0x3  }
0x34: {  	[smem:$0x3FBA] =	sst s10  }
0x35: {  	s10 =	sld [smem:$0x3FB9];
	_ =	sdelay $0x3  }
0x36: {  	p1 =	seq.s32 s10, $0x1;
	s10 =	sld [smem:$0x3FBA];
	_ =	sdelay $0x3  }
0x37: {  	[smem:$0x3FBA] =	sst s10  }
0x38: {  	s10 =	sld [smem:$0x3FBB]  }
0x39: {  	_ = 	snop;
	(pc) =	sbr.ind lr, $3  }
0x3a: {  	_ = 	snop  }
0x3b: {  	_ = 	snop  }
0x3c: {  	p2 =	seq.s32 s10, $0x1;
	s10 =	sld [smem:$0x3FBA]  }
0x3d: {  	_ =	shalt  }
0x3e: {  	_ =	shalt  }
0x3f: {  	_ =	shalt  }
0x40: {  	_ =	shalt  }
0x41: {  	_ =	shalt  }
0x42: {  	_ =	shalt  }
0x43: {  	_ =	shalt  }
0x44: {  	_ =	shalt  }
0x45: {  	_ =	shalt  }
0x46: {  	_ =	shalt  }
0x47: {  	_ =	shalt  }
0x48: {  	_ =	shalt  }
0x49: {  	_ =	shalt  }
0x4a: {  	_ =	shalt  }
0x4b: {  	_ =	shalt  }
0x4c: {  	_ =	shalt  }
0x4d: {  	_ =	shalt  }
0x4e: {  	_ =	shalt  }
0x4f: {  	_ =	shalt  }
0x50: {  	_ =	shalt  }
0x51: {  	_ =	shalt  }
0x52: {  	_ =	shalt  }
0x53: {  	_ =	shalt  }
0x54: {  	_ =	shalt  }
0x55: {  	_ =	shalt  }
0x56: {  	_ =	shalt  }
0x57: {  	_ =	shalt  }
0x58: {  	_ =	shalt  }
0x59: {  	_ =	shalt  }
0x5a: {  	_ =	shalt  }
0x5b: {  	_ =	shalt  }
0x5c: {  	_ =	shalt  }
0x5d: {  	_ =	shalt  }
0x5e: {  	_ =	shalt  }
0x5f: {  	_ =	shalt  }
0x60: {  	_ =	shalt  }
0x61: {  	_ =	shalt  }
0x62: {  	_ =	shalt  }
0x63: {  	_ =	shalt  }
0x64: {  	_ =	shalt  }
0x65: {  	_ =	shalt  }
0x66: {  	_ =	shalt  }
0x67: {  	_ =	shalt  }
0x68: {  	_ =	shalt  }
0x69: {  	_ =	shalt  }
0x6a: {  	_ =	shalt  }
0x6b: {  	_ =	shalt  }
0x6c: {  	_ =	shalt  }
0x6d: {  	_ =	shalt  }
0x6e: {  	_ =	shalt  }
0x6f: {  	_ =	shalt  }
0x70: {  	_ =	shalt  }
0x71: {  	_ =	shalt  }
0x72: {  	_ =	shalt  }
0x73: {  	_ =	shalt  }
0x74: {  	_ =	shalt  }
0x75: {  	_ =	shalt  }
0x76: {  	_ =	shalt  }
0x77: {  	_ =	shalt  }
0x78: {  	_ =	shalt  }
0x79: {  	_ =	shalt  }
0x7a: {  	_ =	shalt  }
0x7b: {  	_ =	shalt  }
0x7c: {  	_ =	shalt  }
0x7d: {  	_ =	shalt  }
0x7e: {  	_ =	shalt  }
0x7f: {  	_ =	shalt  }
0x80: {  	_ =	shalt  }
0x81: {  	_ =	shalt  }
0x82: {  	_ =	shalt  }
0x83: {  	_ =	shalt  }
0x84: {  	_ =	shalt  }
0x85: {  	_ =	shalt  }
0x86: {  	_ =	shalt  }
0x87: {  	_ =	shalt  }
.Lfunc_end0:
.L_simem_size_0:
called_computation.1_lowered:
.L_overlay_start_0:
0x88: {  	s2 =	sld [smem:$0x3FD9]  }
0x89: {  	s3 =	sld [smem:$0x3FFE];
	_ =	sdelay $0x1  }
0x8a: {  	s1 =	srdreg.scid  }
0x8b: {  	s0 =	sand.u32 $0x1, s1  }
0x8c: {  	s17 =	sshll.u32 s0, $0xA;
	s2 =	sadd.s32 s3, s2  }
0x8d: {  	s2 =	sadd.s32 s2, s17  }
0x8e: {  	[smem:$0x3FC6] =	sst s2  }
0x8f: {  	_ = 	snop  }
0x90: {  	s2 =	sld [smem:$0x3FD0];
	(tm) =	ssettm $0x1  }
0x91: {  	s18 =	sld [smem:$0x3FFB];
	_ =	sdelay $0x3  }
0x92: {  	_ =	strace s18  }
0x93: {  	s3 =	sld [smem:$0x3FFC];
	_ =	sdelay $0x3  }
0x94: {  	_ =	strace s3  }
0x95: {  	s3 =	sld [smem:$0x3FFD];
	_ =	sdelay $0x3  }
0x96: {  	_ =	strace s3  }
0x97: {  	_ =	strace $0x8FFFFFFF  }
0x98: {  	s19 =	sld [smem:$0x3FDB];
	_ =	sdelay $0x1  }
0x99: {  	s4 =	simm.s32 $_scs_section_size  }
0x9a: {  	s5 =	simm.s32 $_size__tile_overlayer_lowered;
	s6 =	simm.s32 $_tile_overlayer_lowered  }
0x9b: {  	s22 =	simm.s32 $0x1BFF;
	s21 =	sshll.u32 s6, $0x1;
	s3 =	sadd.s32 s4, s19  }
0x9c: {  	s7 =	simm.s32 $0x0;
	s20 =	sshll.u32 s5, $0x1;
	s5 =	sadd.s32 s21, s3  }
0x9d: {  	[timem:s7], [sflag:s22] =	dma.local [hbm:s5], s20  }
0x9e: {  	_ =	swait.ge [sflag:s22], s20  }
0x9f: {  	s4 =	ssub.s32 $0x0, s20;
	[sflag:s22] =	ssyncset.done $0x0  }
0xa0: {  	[sflag:s22] =	ssyncadd.s32 s4;
	_ =	sdelay $0x1  }
0xa1: {  	s23 =	simm.s32 $0x1B8B  }
0xa2: {  	_ =	swait.ge [sflag:s23], $0x1  }
0xa3: {  	[sflag:s23] =	ssyncset.done $0x0  }
0xa4: {  	s25 =	simm.s32 $0x1B8E;
	s24 =	sld [smem:$0x3FFE];
	[sflag:s23] =	ssyncadd.s32 $0xFFFFFFFF  }
0xa5: {  	s26 =	simm.s32 $execute0_lowered;
	[smem:$0x3FD2] =	sst s25  }
0xa6: {  	s5 =	sshll.u32 s26, $0x1;
	_ =	strace $0x80000046;
	[dreg:$0x1] =	wrdreg $0xFFFFFFFF  }
0xa7: {  	s28 =	simm.s32 $_size_execute0_lowered;
	s3 =	sadd.s32 s3, s5;
	[dreg:$0x0] =	wrdreg $0x0  }
0xa8: {  	s5 =	sshll.u32 s28, $0x1;
	[dreg:$0x2] =	wrdreg s3  }
0xa9: {  	[dreg:$0x3] =	wrdreg s5  }
0xaa: {  	[dreg:$0x4] =	wrdreg $0xC0  }
0xab: {  	_ =	task [dreg:s7], $0x5FFFF  }
0xac: {  	[dreg:$0x1] =	wrdreg $0xFFFFFFFF  }
0xad: {  	[dreg:$0x0] =	wrdreg $0x60  }
0xae: {  	[dreg:$0x2] =	wrdreg s24  }
0xaf: {  	[dreg:$0x3] =	wrdreg s2  }
0xb0: {  	[dreg:$0x4] =	wrdreg $0x9  }
0xb1: {  	_ =	task.clear_ibuf [dreg:s7], $0x5FFFF;
	_ =	strace $0x90000046  }
0xb2: {  	s29 =	simm.s32 $0x9;
	_ =	strace $0x80000048  }
0xb3: {  	_ =	swait.ge [sflag:s29], $0x1  }
0xb4: {  	[sflag:s29] =	ssyncadd.s32 $0xFFFFFFFF  }
0xb5: {  	_ =	strace $0x90000048  }
0xb6: {  	_ =	sfence  }
0xb7: {  	s30 =	sld [smem:$0x0];
	_ =	sdelay $0x2  }
0xb8: {  	s31 =	sshll.u32 s1, $0xD;
	s1 =	sshrl.u32 s1, $0x2  }
0xb9: {  	s3 =	sand.u32 $0x4000, s31;
	s1 =	sadd.s32 s1, s30  }
0xba: {  	s0 =	sor.u32 s3, s0;
	s1 =	sshll.u32 s1, $0x11  }
0xbb: {  	s0 =	sor.u32 s1, s0  }
0xbc: {  	s0 =	sadd.s32 $0x8F2B, s0  }
0xbd: {  	[sflag:s0] =	ssyncadd.remote.s32 $0x1  }
0xbe: {  	_ =	sfence.sel $0xFFFF  }
0xbf: {  	[dreg:$0x0] =	wrdreg $0xFFFFFFFF;
	(pc) =	sbr.abs _section_cstart, $3  }
0xc0: {  	[dreg:$0x1] =	wrdreg $0xFFFFFFFF  }
0xc1: {  	_ =	task.clear_ibuf [dreg:s7], $0x2FFFF;
	_ =	strace $0x9FFFFFFF  }
0xc2: {  	(tm) =	ssettm $0x7FFFFFFF  }
0xc3: {  	_ =	shalt  }
tec
execute0_lowered:
.L_overlay_start_1:
0x0: {  	(tag) =	ssettag $0x1  }
0x1: {  	s0 =	srdreg.scid  }
0x2: {  	s17 =	stileid.u32;
	s1 =	sand.u32 $0x1, s0  }
0x3: {  	s19 =	sshll.u32 s17, $0x6;
	s2 =	sshll.u32 s1, $0x5  }
0x4: {  	s0 =	sor.u32 s2, s19  }
0x5: {  	s5 =	smul.u32 $0x19, s0  }
0x6: {  	s3 =	rddreg [dreg:$0x0];
	s2 =	simm.s32 $0x0;
	s6 =	smul.u32 $0x640, s0  }
0x7: {  	[smem:$0x7FF] =	sst s2;
	s0 =	smul.u32 $0x3200, s0  }
0x8: {  	s4 =	rddreg [dreg:$0x1];
	_ =	strace $0x80000047;
	s5 =	sadd.s32 s5, s3  }
0x9: {  	s30 =	sadd.s32 s4, s6;
	s0 =	sshrl.u32 s0, $0x3;
	s5 =	sadd.s32 $0xA00, s5  }
0xa: {  	s20 =	sadd.s32 $0x640, s30;
	s0 =	sadd.s32 s4, s0;
	[dreg:$0x3] =	wrdreg s5  }
0xb: {  	[dreg:$0x4] =	wrdreg s20;
	s4 =	sadd.s32 $0xC80, s0  }
0xc: {  	s21 =	sadd.s32 $0x12C0, s0;
	[dreg:$0x5] =	wrdreg s4  }
0xd: {  	s22 =	sadd.s32 $0x1900, s0;
	[dreg:$0x6] =	wrdreg s21  }
0xe: {  	s23 =	sadd.s32 $0x1F40, s0;
	[dreg:$0x7] =	wrdreg s22  }
0xf: {  	s24 =	sadd.s32 $0x2580, s0;
	[dreg:$0x8] =	wrdreg s23  }
0x10: {  	s25 =	sadd.s32 $0x2BC0, s0;
	[dreg:$0x9] =	wrdreg s24  }
0x11: {  	s26 =	sadd.s32 $0x3200, s0;
	[dreg:$0xa] =	wrdreg s25  }
0x12: {  	s5 =	sadd.s32 $0x3840, s0;
	[dreg:$0xb] =	wrdreg s26  }
0x13: {  	s6 =	sadd.s32 $0x3E80, s0;
	[dreg:$0xc] =	wrdreg s5  }
0x14: {  	s7 =	sadd.s32 $0x44C0, s0;
	[dreg:$0xd] =	wrdreg s6  }
0x15: {  	s8 =	sadd.s32 $0x4B00, s0;
	[dreg:$0xe] =	wrdreg s7  }
0x16: {  	s9 =	sadd.s32 $0x5140, s0;
	[dreg:$0xf] =	wrdreg s8  }
0x17: {  	s10 =	sadd.s32 $0x5780, s0;
	[dreg:$0x10] =	wrdreg s9  }
0x18: {  	s11 =	sadd.s32 $0x5DC0, s0;
	[dreg:$0x11] =	wrdreg s10  }
0x19: {  	s12 =	sadd.s32 $0x6400, s0;
	[dreg:$0x12] =	wrdreg s11  }
0x1a: {  	s13 =	sadd.s32 $0x6A40, s0;
	[dreg:$0x13] =	wrdreg s12  }
0x1b: {  	s14 =	sadd.s32 $0x7080, s0;
	[dreg:$0x14] =	wrdreg s13  }
0x1c: {  	s15 =	sadd.s32 $0x76C0, s0;
	[dreg:$0x15] =	wrdreg s14  }
0x1d: {  	s16 =	sadd.s32 $0x7D00, s0;
	[dreg:$0x16] =	wrdreg s15  }
0x1e: {  	s18 =	sadd.s32 $0x8340, s0;
	[dreg:$0x17] =	wrdreg s16  }
0x1f: {  	s19 =	sadd.s32 $0x8980, s0;
	[dreg:$0x18] =	wrdreg s18  }
0x20: {  	s20 =	sadd.s32 $0x8FC0, s0;
	[dreg:$0x19] =	wrdreg s19  }
0x21: {  	[dreg:$0x1a] =	wrdreg s20;
	s21 =	sadd.s32 $0x9600, s0  }
0x22: {  	s22 =	sadd.s32 $0x9C40, s0;
	[dreg:$0x1b] =	wrdreg s21  }
0x23: {  	s23 =	sadd.s32 $0xA280, s0;
	[dreg:$0x1c] =	wrdreg s22  }
0x24: {  	s24 =	sadd.s32 $0xA8C0, s0;
	[dreg:$0x1d] =	wrdreg s23  }
0x25: {  	s25 =	sadd.s32 $0xAF00, s0;
	[dreg:$0x1e] =	wrdreg s24  }
0x26: {  	s31 =	simm.s32 $0x9;
	s26 =	sadd.s32 $0xB540, s0;
	[dreg:$0x1f] =	wrdreg s25  }
0x27: {  	s29 =	simm.s32 $0x1068;
	s5 =	sadd.s32 $0xBB80, s0;
	[smem:$0x7E9] =	sst s26  }
0x28: {  	s28 =	simm.s32 $0x1130;
	s0 =	sadd.s32 $0xC1C0, s0;
	[smem:$0x7EA] =	sst s5  }
0x29: {  	p0 =	por $0x0, $0x0;
	s6 =	simm.s32 $0x190;
	[smem:$0x7EB] =	sst s0  }
0x2a: {  	s1 =	ssub.s32 $0x2, s1;
	s7 =	simm.s32 $0x258;
	[smem:$0x7EC] =	sst s6  }
0x2b: {  	s3 =	sadd.s32 $0xF42E00, s3;
	s9 =	simm.s32 $0x320;
	[smem:$0x7ED] =	sst s7  }
0x2c: {  	s8 =	sshrl.u32 s1, $0x1;
	s10 =	simm.s32 $0x3E8;
	[smem:$0x7EE] =	sst s9  }
0x2d: {  	s11 =	simm.s32 $0x4B0;
	s12 =	simm.s32 $0x578;
	[smem:$0x7EF] =	sst s10  }
0x2e: {  	s4 =	simm.s32 $0xC8;
	s13 =	simm.s32 $0x640;
	[smem:$0x7F0] =	sst s11  }
0x2f: {  	s14 =	simm.s32 $0x708;
	s15 =	simm.s32 $0x7D0;
	[smem:$0x7F1] =	sst s12  }
0x30: {  	s16 =	simm.s32 $0x1;
	s18 =	simm.s32 $0x898;
	[smem:$0x7F2] =	sst s13  }
0x31: {  	s19 =	simm.s32 $0x960;
	s20 =	simm.s32 $0xA28;
	[smem:$0x7F3] =	sst s14  }
0x32: {  	s1 =	ssub.s32 s1, s8;
	s12 =	simm.s32 $0x1900;
	[smem:$0x7F4] =	sst s15  }
0x33: {  	s7 =	simm.s32 $0x4B00;
	s5 =	simm.s32 $0x7D00;
	[smem:$0x7F5] =	sst s18  }
0x34: {  	s15 =	simm.s32 $0x2;
	[smem:$0x7F6] =	sst s19;
	s6 =	simm.s32 $0xAF00  }
0x35: {  	[smem:$0x7F7] =	sst s20;
	s21 =	simm.s32 $0xAF0;
	s13 =	simm.s32 $0x3  }
0x36: {  	s22 =	simm.s32 $0xBB8;
	s8 =	simm.s32 $0x5;
	s23 =	simm.s32 $0xC80  }
0x37: {  	s14 =	simm.s32 $0x4;
	s24 =	simm.s32 $0xD48;
	s0 =	rddreg [dreg:$0x3]  }
0x38: {  	s9 =	simm.s32 $0x6;
	s25 =	simm.s32 $0xE10;
	[smem:$0x7F8] =	sst s21  }
0x39: {  	s10 =	simm.s32 $0x7;
	s1 =	smax.u32 s1, $0x1;
	[smem:$0x7F9] =	sst s22  }
0x3a: {  	s26 =	simm.s32 $0xED8;
	[smem:$0x7FA] =	sst s23;
	p1 =	sne.s32 s1, $0x1  }
.Ltmp0:
0x3b: {  	s11 =	simm.s32 $0x8;
	[smem:$0x7FB] =	sst s24;
	(pc) =	sbr.rel @!p1 .LBB2_1-.Ltmp0, $4  }
0x3c: {  	s20 =	simm.s32 $0x16A8;
	s19 =	simm.s32 $0x1770;
	[smem:$0x7FC] =	sst s25  }
0x3d: {  	s18 =	simm.s32 $0x1838;
	[smem:$0x7FD] =	sst s26;
	s26 =	simm.s32 $0x11F8  }
0x3e: {  	s25 =	simm.s32 $0x12C0;
	s24 =	simm.s32 $0x1388;
	s23 =	simm.s32 $0x1450  }
0x3f: {  	s22 =	simm.s32 $0x1518;
	s21 =	simm.s32 $0x15E0;
	s1 =	sadd.s32 $0xFFFFFFFF, s1  }
0x40: {  	[tilespmem:s2], [sflag:$0x9] =	stream.linear.gather [hbm4b:s0+s2], $0x1900, $0x38;
	[tilespmem:$0xE100] =	vst v63  }
0x41: {  	_ =	swait.ge [sflag:s31], $0x1900  }
0x42: {  	[sflag:s31] =	ssyncset.done $0x0  }
0x43: {  	[sflag:s31] =	ssyncadd.s32 $0xFFFFE700  }
0x44: {  	[tilespmem:s12], [sflag:$0x1] =	stream.indirect.gather [hbm4b:s3+s4], $0x40, s2, s4, $0xb8;
	[tilespmem:$0xE100] =	vst v63  }
0x45: {  	_ = 	snop  }
0x46: {  	[tilespmem:s7], [sflag:$0x2] =	stream.indirect.gather [hbm4b:s3+s4], $0x40, s4, s4, $0xb8;
	[tilespmem:$0xE100] =	vst v63  }
0x47: {  	_ =	swait.ge [sflag:s16], $0x3200  }
0x48: {  	[sflag:s16] =	ssyncset.done $0x0  }
0x49: {  	s17 =	sld [smem:$0x7EC];
	[sflag:s16] =	ssyncadd.s32 $0xFFFFCE00  }
0x4a: {  	[hbm4b:s30+s2] =	stream.linear.scatter [tilespmem:s12], [sflag:$0x5], $0x3200, $0x38;
	[tilespmem:$0xE100] =	vst v63  }
0x4b: {  	_ = 	snop  }
0x4c: {  	[tilespmem:s5], [sflag:$0x3] =	stream.indirect.gather [hbm4b:s3+s4], $0x40, s17, s4, $0xb8;
	[tilespmem:$0xE100] =	vst v63  }
0x4d: {  	_ =	swait.ge [sflag:s15], $0x3200  }
0x4e: {  	s0 =	rddreg [dreg:$0x4];
	[sflag:s15] =	ssyncset.done $0x0  }
0x4f: {  	s17 =	smov.u32 s1;
	s1 =	sld [smem:$0x7ED];
	[sflag:s15] =	ssyncadd.s32 $0xFFFFCE00  }
0x50: {  	[hbm4b:s0+s2] =	stream.linear.scatter [tilespmem:s7], [sflag:$0x6], $0x3200, $0x38;
	[tilespmem:$0xE100] =	vst v63  }
0x51: {  	_ = 	snop  }
0x52: {  	[tilespmem:s6], [sflag:$0x4] =	stream.indirect.gather [hbm4b:s3+s4], $0x40, s1, s4, $0xb8;
	[tilespmem:$0xE100] =	vst v63  }
0x53: {  	_ =	swait.ge [sflag:s13], $0x3200  }
0x54: {  	[sflag:s13] =	ssyncset.done $0x0  }
0x55: {  	s1 =	rddreg [dreg:$0x5];
	[sflag:s13] =	ssyncadd.s32 $0xFFFFCE00  }
0x56: {  	[hbm4b:s1+s2] =	stream.linear.scatter [tilespmem:s5], [sflag:$0x7], $0x3200, $0x38;
	[tilespmem:$0xE100] =	vst v63  }
0x57: {  	_ =	swait.ge [sflag:s8], $0x3200  }
0x58: {  	s1 =	sld [smem:$0x7EE]  }
0x59: {  	[sflag:s8] =	ssyncset.done $0x0  }
0x5a: {  	[sflag:s8] =	ssyncadd.s32 $0xFFFFCE00  }
0x5b: {  	[tilespmem:s12], [sflag:$0x1] =	stream.indirect.gather [hbm4b:s3+s4], $0x40, s1, s4, $0xb8;
	[tilespmem:$0xE100] =	vst v63  }
0x5c: {  	_ =	swait.ge [sflag:s14], $0x3200  }
0x5d: {  	[sflag:s14] =	ssyncset.done $0x0  }
0x5e: {  	s1 =	rddreg [dreg:$0x6];
	[sflag:s14] =	ssyncadd.s32 $0xFFFFCE00  }
0x5f: {  	[hbm4b:s1+s2] =	stream.linear.scatter [tilespmem:s6], [sflag:$0x8], $0x3200, $0x38;
	[tilespmem:$0xE100] =	vst v63  }
0x60: {  	_ =	swait.ge [sflag:s9], $0x3200  }
0x61: {  	s1 =	sld [smem:$0x7EF]  }
0x62: {  	[sflag:s9] =	ssyncset.done $0x0  }
0x63: {  	[sflag:s9] =	ssyncadd.s32 $0xFFFFCE00  }
0x64: {  	[tilespmem:s7], [sflag:$0x2] =	stream.indirect.gather [hbm4b:s3+s4], $0x40, s1, s4, $0xb8;
	[tilespmem:$0xE100] =	vst v63  }
0x65: {  	_ =	swait.ge [sflag:s16], $0x3200  }
0x66: {  	[sflag:s16] =	ssyncset.done $0x0  }
0x67: {  	s1 =	rddreg [dreg:$0x7];
	[sflag:s16] =	ssyncadd.s32 $0xFFFFCE00  }
0x68: {  	[hbm4b:s1+s2] =	stream.linear.scatter [tilespmem:s12], [sflag:$0x5], $0x3200, $0x38;
	[tilespmem:$0xE100] =	vst v63  }
0x69: {  	_ =	swait.ge [sflag:s10], $0x3200  }
0x6a: {  	s1 =	sld [smem:$0x7F0]  }
0x6b: {  	[sflag:s10] =	ssyncset.done $0x0  }
0x6c: {  	[sflag:s10] =	ssyncadd.s32 $0xFFFFCE00  }
0x6d: {  	[tilespmem:s5], [sflag:$0x3] =	stream.indirect.gather [hbm4b:s3+s4], $0x40, s1, s4, $0xb8;
	[tilespmem:$0xE100] =	vst v63  }
0x6e: {  	_ =	swait.ge [sflag:s15], $0x3200  }
0x6f: {  	[sflag:s15] =	ssyncset.done $0x0  }
0x70: {  	s1 =	rddreg [dreg:$0x8];
	[sflag:s15] =	ssyncadd.s32 $0xFFFFCE00  }
0x71: {  	[hbm4b:s1+s2] =	stream.linear.scatter [tilespmem:s7], [sflag:$0x6], $0x3200, $0x38;
	[tilespmem:$0xE100] =	vst v63  }
0x72: {  	_ =	swait.ge [sflag:s11], $0x3200  }
0x73: {  	s1 =	sld [smem:$0x7F1]  }
0x74: {  	[sflag:s11] =	ssyncset.done $0x0  }
0x75: {  	[sflag:s11] =	ssyncadd.s32 $0xFFFFCE00  }
0x76: {  	[tilespmem:s6], [sflag:$0x4] =	stream.indirect.gather [hbm4b:s3+s4], $0x40, s1, s4, $0xb8;
	[tilespmem:$0xE100] =	vst v63  }
0x77: {  	_ =	swait.ge [sflag:s13], $0x3200  }
0x78: {  	[sflag:s13] =	ssyncset.done $0x0  }
0x79: {  	s1 =	rddreg [dreg:$0x9];
	[sflag:s13] =	ssyncadd.s32 $0xFFFFCE00  }
0x7a: {  	[hbm4b:s1+s2] =	stream.linear.scatter [tilespmem:s5], [sflag:$0x7], $0x3200, $0x38;
	[tilespmem:$0xE100] =	vst v63  }
0x7b: {  	_ =	swait.ge [sflag:s8], $0x3200  }
0x7c: {  	s1 =	sld [smem:$0x7F2]  }
0x7d: {  	[sflag:s8] =	ssyncset.done $0x0  }
0x7e: {  	[sflag:s8] =	ssyncadd.s32 $0xFFFFCE00  }
0x7f: {  	[tilespmem:s12], [sflag:$0x1] =	stream.indirect.gather [hbm4b:s3+s4], $0x40, s1, s4, $0xb8;
	[tilespmem:$0xE100] =	vst v63  }
0x80: {  	_ =	swait.ge [sflag:s14], $0x3200  }
0x81: {  	[sflag:s14] =	ssyncset.done $0x0  }
0x82: {  	s1 =	rddreg [dreg:$0xa];
	[sflag:s14] =	ssyncadd.s32 $0xFFFFCE00  }
0x83: {  	[hbm4b:s1+s2] =	stream.linear.scatter [tilespmem:s6], [sflag:$0x8], $0x3200, $0x38;
	[tilespmem:$0xE100] =	vst v63  }
0x84: {  	_ =	swait.ge [sflag:s9], $0x3200  }
0x85: {  	s1 =	sld [smem:$0x7F3]  }
0x86: {  	[sflag:s9] =	ssyncset.done $0x0  }
0x87: {  	[sflag:s9] =	ssyncadd.s32 $0xFFFFCE00  }
0x88: {  	[tilespmem:s7], [sflag:$0x2] =	stream.indirect.gather [hbm4b:s3+s4], $0x40, s1, s4, $0xb8;
	[tilespmem:$0xE100] =	vst v63  }
0x89: {  	_ =	swait.ge [sflag:s16], $0x3200  }
0x8a: {  	[sflag:s16] =	ssyncset.done $0x0  }
0x8b: {  	s1 =	rddreg [dreg:$0xb];
	[sflag:s16] =	ssyncadd.s32 $0xFFFFCE00  }
0x8c: {  	[hbm4b:s1+s2] =	stream.linear.scatter [tilespmem:s12], [sflag:$0x5], $0x3200, $0x38;
	[tilespmem:$0xE100] =	vst v63  }
0x8d: {  	_ =	swait.ge [sflag:s10], $0x3200  }
0x8e: {  	s1 =	sld [smem:$0x7F4]  }
0x8f: {  	[sflag:s10] =	ssyncset.done $0x0  }
0x90: {  	[sflag:s10] =	ssyncadd.s32 $0xFFFFCE00  }
0x91: {  	[tilespmem:s5], [sflag:$0x3] =	stream.indirect.gather [hbm4b:s3+s4], $0x40, s1, s4, $0xb8;
	[tilespmem:$0xE100] =	vst v63  }
0x92: {  	_ =	swait.ge [sflag:s15], $0x3200  }
0x93: {  	[sflag:s15] =	ssyncset.done $0x0  }
0x94: {  	s1 =	rddreg [dreg:$0xc];
	[sflag:s15] =	ssyncadd.s32 $0xFFFFCE00  }
0x95: {  	[hbm4b:s1+s2] =	stream.linear.scatter [tilespmem:s7], [sflag:$0x6], $0x3200, $0x38;
	[tilespmem:$0xE100] =	vst v63  }
0x96: {  	_ =	swait.ge [sflag:s11], $0x3200  }
0x97: {  	s1 =	sld [smem:$0x7F5]  }
0x98: {  	[sflag:s11] =	ssyncset.done $0x0  }
0x99: {  	[sflag:s11] =	ssyncadd.s32 $0xFFFFCE00  }
0x9a: {  	[tilespmem:s6], [sflag:$0x4] =	stream.indirect.gather [hbm4b:s3+s4], $0x40, s1, s4, $0xb8;
	[tilespmem:$0xE100] =	vst v63  }
0x9b: {  	_ =	swait.ge [sflag:s13], $0x3200  }
0x9c: {  	[sflag:s13] =	ssyncset.done $0x0  }
0x9d: {  	s1 =	rddreg [dreg:$0xd];
	[sflag:s13] =	ssyncadd.s32 $0xFFFFCE00  }
0x9e: {  	[hbm4b:s1+s2] =	stream.linear.scatter [tilespmem:s5], [sflag:$0x7], $0x3200, $0x38;
	[tilespmem:$0xE100] =	vst v63  }
0x9f: {  	_ =	swait.ge [sflag:s8], $0x3200  }
0xa0: {  	s1 =	sld [smem:$0x7F6]  }
0xa1: {  	[sflag:s8] =	ssyncset.done $0x0  }
0xa2: {  	[sflag:s8] =	ssyncadd.s32 $0xFFFFCE00  }
0xa3: {  	[tilespmem:s12], [sflag:$0x1] =	stream.indirect.gather [hbm4b:s3+s4], $0x40, s1, s4, $0xb8;
	[tilespmem:$0xE100] =	vst v63  }
0xa4: {  	_ =	swait.ge [sflag:s14], $0x3200  }
0xa5: {  	[sflag:s14] =	ssyncset.done $0x0  }
0xa6: {  	s1 =	rddreg [dreg:$0xe];
	[sflag:s14] =	ssyncadd.s32 $0xFFFFCE00  }
0xa7: {  	[hbm4b:s1+s2] =	stream.linear.scatter [tilespmem:s6], [sflag:$0x8], $0x3200, $0x38;
	[tilespmem:$0xE100] =	vst v63  }
0xa8: {  	_ =	swait.ge [sflag:s9], $0x3200  }
0xa9: {  	s1 =	sld [smem:$0x7F7]  }
0xaa: {  	[sflag:s9] =	ssyncset.done $0x0  }
0xab: {  	[sflag:s9] =	ssyncadd.s32 $0xFFFFCE00  }
0xac: {  	[tilespmem:s7], [sflag:$0x2] =	stream.indirect.gather [hbm4b:s3+s4], $0x40, s1, s4, $0xb8;
	[tilespmem:$0xE100] =	vst v63  }
0xad: {  	_ =	swait.ge [sflag:s16], $0x3200  }
0xae: {  	[sflag:s16] =	ssyncset.done $0x0  }
0xaf: {  	s1 =	rddreg [dreg:$0xf];
	[sflag:s16] =	ssyncadd.s32 $0xFFFFCE00  }
0xb0: {  	[hbm4b:s1+s2] =	stream.linear.scatter [tilespmem:s12], [sflag:$0x5], $0x3200, $0x38;
	[tilespmem:$0xE100] =	vst v63  }
0xb1: {  	_ =	swait.ge [sflag:s10], $0x3200  }
0xb2: {  	s1 =	sld [smem:$0x7F8]  }
0xb3: {  	[sflag:s10] =	ssyncset.done $0x0  }
0xb4: {  	[sflag:s10] =	ssyncadd.s32 $0xFFFFCE00  }
0xb5: {  	[tilespmem:s5], [sflag:$0x3] =	stream.indirect.gather [hbm4b:s3+s4], $0x40, s1, s4, $0xb8;
	[tilespmem:$0xE100] =	vst v63  }
0xb6: {  	_ =	swait.ge [sflag:s15], $0x3200  }
0xb7: {  	[sflag:s15] =	ssyncset.done $0x0  }
0xb8: {  	s1 =	rddreg [dreg:$0x10];
	[sflag:s15] =	ssyncadd.s32 $0xFFFFCE00  }
0xb9: {  	[hbm4b:s1+s2] =	stream.linear.scatter [tilespmem:s7], [sflag:$0x6], $0x3200, $0x38;
	[tilespmem:$0xE100] =	vst v63  }
0xba: {  	_ =	swait.ge [sflag:s11], $0x3200  }
0xbb: {  	s1 =	sld [smem:$0x7F9]  }
0xbc: {  	[sflag:s11] =	ssyncset.done $0x0  }
0xbd: {  	[sflag:s11] =	ssyncadd.s32 $0xFFFFCE00  }
0xbe: {  	[tilespmem:s6], [sflag:$0x4] =	stream.indirect.gather [hbm4b:s3+s4], $0x40, s1, s4, $0xb8;
	[tilespmem:$0xE100] =	vst v63  }
0xbf: {  	_ =	swait.ge [sflag:s13], $0x3200  }
0xc0: {  	[sflag:s13] =	ssyncset.done $0x0  }
0xc1: {  	s1 =	rddreg [dreg:$0x11];
	[sflag:s13] =	ssyncadd.s32 $0xFFFFCE00  }
0xc2: {  	[hbm4b:s1+s2] =	stream.linear.scatter [tilespmem:s5], [sflag:$0x7], $0x3200, $0x38;
	[tilespmem:$0xE100] =	vst v63  }
0xc3: {  	_ =	swait.ge [sflag:s8], $0x3200  }
0xc4: {  	s1 =	sld [smem:$0x7FA]  }
0xc5: {  	[sflag:s8] =	ssyncset.done $0x0  }
0xc6: {  	[sflag:s8] =	ssyncadd.s32 $0xFFFFCE00  }
0xc7: {  	[tilespmem:s12], [sflag:$0x1] =	stream.indirect.gather [hbm4b:s3+s4], $0x40, s1, s4, $0xb8;
	[tilespmem:$0xE100] =	vst v63  }
0xc8: {  	_ =	swait.ge [sflag:s14], $0x3200  }
0xc9: {  	[sflag:s14] =	ssyncset.done $0x0  }
0xca: {  	s1 =	rddreg [dreg:$0x12];
	[sflag:s14] =	ssyncadd.s32 $0xFFFFCE00  }
0xcb: {  	[hbm4b:s1+s2] =	stream.linear.scatter [tilespmem:s6], [sflag:$0x8], $0x3200, $0x38;
	[tilespmem:$0xE100] =	vst v63  }
0xcc: {  	_ =	swait.ge [sflag:s9], $0x3200  }
0xcd: {  	s1 =	sld [smem:$0x7FB]  }
0xce: {  	[sflag:s9] =	ssyncset.done $0x0  }
0xcf: {  	[sflag:s9] =	ssyncadd.s32 $0xFFFFCE00  }
0xd0: {  	[tilespmem:s7], [sflag:$0x2] =	stream.indirect.gather [hbm4b:s3+s4], $0x40, s1, s4, $0xb8;
	[tilespmem:$0xE100] =	vst v63  }
0xd1: {  	_ =	swait.ge [sflag:s16], $0x3200  }
0xd2: {  	[sflag:s16] =	ssyncset.done $0x0  }
0xd3: {  	s1 =	rddreg [dreg:$0x13];
	[sflag:s16] =	ssyncadd.s32 $0xFFFFCE00  }
0xd4: {  	[hbm4b:s1+s2] =	stream.linear.scatter [tilespmem:s12], [sflag:$0x5], $0x3200, $0x38;
	[tilespmem:$0xE100] =	vst v63  }
0xd5: {  	_ =	swait.ge [sflag:s10], $0x3200  }
0xd6: {  	s1 =	sld [smem:$0x7FC]  }
0xd7: {  	[sflag:s10] =	ssyncset.done $0x0  }
0xd8: {  	[sflag:s10] =	ssyncadd.s32 $0xFFFFCE00  }
0xd9: {  	[tilespmem:s5], [sflag:$0x3] =	stream.indirect.gather [hbm4b:s3+s4], $0x40, s1, s4, $0xb8;
	[tilespmem:$0xE100] =	vst v63  }
0xda: {  	_ =	swait.ge [sflag:s15], $0x3200  }
0xdb: {  	[sflag:s15] =	ssyncset.done $0x0  }
0xdc: {  	s1 =	rddreg [dreg:$0x14];
	[sflag:s15] =	ssyncadd.s32 $0xFFFFCE00  }
0xdd: {  	[hbm4b:s1+s2] =	stream.linear.scatter [tilespmem:s7], [sflag:$0x6], $0x3200, $0x38;
	[tilespmem:$0xE100] =	vst v63  }
0xde: {  	_ =	swait.ge [sflag:s11], $0x3200  }
0xdf: {  	s1 =	sld [smem:$0x7FD]  }
0xe0: {  	[sflag:s11] =	ssyncset.done $0x0  }
0xe1: {  	[sflag:s11] =	ssyncadd.s32 $0xFFFFCE00  }
0xe2: {  	[tilespmem:s6], [sflag:$0x4] =	stream.indirect.gather [hbm4b:s3+s4], $0x40, s1, s4, $0xb8;
	[tilespmem:$0xE100] =	vst v63  }
0xe3: {  	_ =	swait.ge [sflag:s13], $0x3200  }
0xe4: {  	[sflag:s13] =	ssyncset.done $0x0  }
0xe5: {  	s1 =	rddreg [dreg:$0x15];
	[sflag:s13] =	ssyncadd.s32 $0xFFFFCE00  }
0xe6: {  	[hbm4b:s1+s2] =	stream.linear.scatter [tilespmem:s5], [sflag:$0x7], $0x3200, $0x38;
	[tilespmem:$0xE100] =	vst v63  }
0xe7: {  	_ =	swait.ge [sflag:s8], $0x3200  }
0xe8: {  	[sflag:s8] =	ssyncset.done $0x0  }
0xe9: {  	s1 =	simm.s32 $0xFA0;
	[sflag:s8] =	ssyncadd.s32 $0xFFFFCE00  }
0xea: {  	[tilespmem:s12], [sflag:$0x1] =	stream.indirect.gather [hbm4b:s3+s4], $0x40, s1, s4, $0xb8;
	[tilespmem:$0xE100] =	vst v63  }
0xeb: {  	_ =	swait.ge [sflag:s14], $0x3200  }
0xec: {  	[sflag:s14] =	ssyncset.done $0x0  }
0xed: {  	s1 =	rddreg [dreg:$0x16];
	[sflag:s14] =	ssyncadd.s32 $0xFFFFCE00  }
0xee: {  	[hbm4b:s1+s2] =	stream.linear.scatter [tilespmem:s6], [sflag:$0x8], $0x3200, $0x38;
	[tilespmem:$0xE100] =	vst v63  }
0xef: {  	_ =	swait.ge [sflag:s9], $0x3200  }
0xf0: {  	[sflag:s9] =	ssyncset.done $0x0  }
0xf1: {  	[sflag:s9] =	ssyncadd.s32 $0xFFFFCE00  }
0xf2: {  	[tilespmem:s7], [sflag:$0x2] =	stream.indirect.gather [hbm4b:s3+s4], $0x40, s29, s4, $0xb8;
	[tilespmem:$0xE100] =	vst v63  }
0xf3: {  	_ =	swait.ge [sflag:s16], $0x3200  }
0xf4: {  	[sflag:s16] =	ssyncset.done $0x0  }
0xf5: {  	s1 =	rddreg [dreg:$0x17];
	[sflag:s16] =	ssyncadd.s32 $0xFFFFCE00  }
0xf6: {  	[hbm4b:s1+s2] =	stream.linear.scatter [tilespmem:s12], [sflag:$0x5], $0x3200, $0x38;
	[tilespmem:$0xE100] =	vst v63  }
0xf7: {  	_ =	swait.ge [sflag:s10], $0x3200  }
0xf8: {  	[sflag:s10] =	ssyncset.done $0x0  }
0xf9: {  	[sflag:s10] =	ssyncadd.s32 $0xFFFFCE00  }
0xfa: {  	[tilespmem:s5], [sflag:$0x3] =	stream.indirect.gather [hbm4b:s3+s4], $0x40, s28, s4, $0xb8;
	[tilespmem:$0xE100] =	vst v63  }
0xfb: {  	_ =	swait.ge [sflag:s15], $0x3200  }
0xfc: {  	[sflag:s15] =	ssyncset.done $0x0  }
0xfd: {  	s1 =	rddreg [dreg:$0x18];
	[sflag:s15] =	ssyncadd.s32 $0xFFFFCE00  }
0xfe: {  	[hbm4b:s1+s2] =	stream.linear.scatter [tilespmem:s7], [sflag:$0x6], $0x3200, $0x38;
	[tilespmem:$0xE100] =	vst v63  }
0xff: {  	_ =	swait.ge [sflag:s11], $0x3200  }
0x100: {  	[sflag:s11] =	ssyncset.done $0x0  }
0x101: {  	[sflag:s11] =	ssyncadd.s32 $0xFFFFCE00  }
0x102: {  	[tilespmem:s6], [sflag:$0x4] =	stream.indirect.gather [hbm4b:s3+s4], $0x40, s26, s4, $0xb8;
	[tilespmem:$0xE100] =	vst v63  }
0x103: {  	_ =	swait.ge [sflag:s13], $0x3200  }
0x104: {  	[sflag:s13] =	ssyncset.done $0x0  }
0x105: {  	s1 =	rddreg [dreg:$0x19];
	[sflag:s13] =	ssyncadd.s32 $0xFFFFCE00  }
0x106: {  	[hbm4b:s1+s2] =	stream.linear.scatter [tilespmem:s5], [sflag:$0x7], $0x3200, $0x38;
	[tilespmem:$0xE100] =	vst v63  }
0x107: {  	_ =	swait.ge [sflag:s8], $0x3200  }
0x108: {  	[sflag:s8] =	ssyncset.done $0x0  }
0x109: {  	[sflag:s8] =	ssyncadd.s32 $0xFFFFCE00  }
0x10a: {  	[tilespmem:s12], [sflag:$0x1] =	stream.indirect.gather [hbm4b:s3+s4], $0x40, s25, s4, $0xb8;
	[tilespmem:$0xE100] =	vst v63  }
0x10b: {  	_ =	swait.ge [sflag:s14], $0x3200  }
0x10c: {  	[sflag:s14] =	ssyncset.done $0x0  }
0x10d: {  	s1 =	rddreg [dreg:$0x1a];
	[sflag:s14] =	ssyncadd.s32 $0xFFFFCE00  }
0x10e: {  	[hbm4b:s1+s2] =	stream.linear.scatter [tilespmem:s6], [sflag:$0x8], $0x3200, $0x38;
	[tilespmem:$0xE100] =	vst v63  }
0x10f: {  	_ =	swait.ge [sflag:s9], $0x3200  }
0x110: {  	[sflag:s9] =	ssyncset.done $0x0  }
0x111: {  	[sflag:s9] =	ssyncadd.s32 $0xFFFFCE00  }
0x112: {  	[tilespmem:s7], [sflag:$0x2] =	stream.indirect.gather [hbm4b:s3+s4], $0x40, s24, s4, $0xb8;
	[tilespmem:$0xE100] =	vst v63  }
0x113: {  	_ =	swait.ge [sflag:s16], $0x3200  }
0x114: {  	[sflag:s16] =	ssyncset.done $0x0  }
0x115: {  	s1 =	rddreg [dreg:$0x1b];
	[sflag:s16] =	ssyncadd.s32 $0xFFFFCE00  }
0x116: {  	[hbm4b:s1+s2] =	stream.linear.scatter [tilespmem:s12], [sflag:$0x5], $0x3200, $0x38;
	[tilespmem:$0xE100] =	vst v63  }
0x117: {  	_ =	swait.ge [sflag:s10], $0x3200  }
0x118: {  	[sflag:s10] =	ssyncset.done $0x0  }
0x119: {  	[sflag:s10] =	ssyncadd.s32 $0xFFFFCE00  }
0x11a: {  	[tilespmem:s5], [sflag:$0x3] =	stream.indirect.gather [hbm4b:s3+s4], $0x40, s23, s4, $0xb8;
	[tilespmem:$0xE100] =	vst v63  }
0x11b: {  	_ =	swait.ge [sflag:s15], $0x3200  }
0x11c: {  	[sflag:s15] =	ssyncset.done $0x0  }
0x11d: {  	s1 =	rddreg [dreg:$0x1c];
	[sflag:s15] =	ssyncadd.s32 $0xFFFFCE00  }
0x11e: {  	[hbm4b:s1+s2] =	stream.linear.scatter [tilespmem:s7], [sflag:$0x6], $0x3200, $0x38;
	[tilespmem:$0xE100] =	vst v63  }
0x11f: {  	_ =	swait.ge [sflag:s11], $0x3200  }
0x120: {  	[sflag:s11] =	ssyncset.done $0x0  }
0x121: {  	[sflag:s11] =	ssyncadd.s32 $0xFFFFCE00  }
0x122: {  	[tilespmem:s6], [sflag:$0x4] =	stream.indirect.gather [hbm4b:s3+s4], $0x40, s22, s4, $0xb8;
	[tilespmem:$0xE100] =	vst v63  }
0x123: {  	_ =	swait.ge [sflag:s13], $0x3200  }
0x124: {  	[sflag:s13] =	ssyncset.done $0x0  }
0x125: {  	s1 =	rddreg [dreg:$0x1d];
	[sflag:s13] =	ssyncadd.s32 $0xFFFFCE00  }
0x126: {  	[hbm4b:s1+s2] =	stream.linear.scatter [tilespmem:s5], [sflag:$0x7], $0x3200, $0x38;
	[tilespmem:$0xE100] =	vst v63  }
0x127: {  	_ =	swait.ge [sflag:s8], $0x3200  }
0x128: {  	[sflag:s8] =	ssyncset.done $0x0  }
0x129: {  	[sflag:s8] =	ssyncadd.s32 $0xFFFFCE00  }
0x12a: {  	[tilespmem:s12], [sflag:$0x1] =	stream.indirect.gather [hbm4b:s3+s4], $0x40, s21, s4, $0xb8;
	[tilespmem:$0xE100] =	vst v63  }
0x12b: {  	_ =	swait.ge [sflag:s14], $0x3200  }
0x12c: {  	[sflag:s14] =	ssyncset.done $0x0  }
0x12d: {  	s1 =	rddreg [dreg:$0x1e];
	[sflag:s14] =	ssyncadd.s32 $0xFFFFCE00  }
0x12e: {  	[hbm4b:s1+s2] =	stream.linear.scatter [tilespmem:s6], [sflag:$0x8], $0x3200, $0x38;
	[tilespmem:$0xE100] =	vst v63  }
0x12f: {  	_ =	swait.ge [sflag:s9], $0x3200  }
0x130: {  	[sflag:s9] =	ssyncset.done $0x0  }
0x131: {  	[sflag:s9] =	ssyncadd.s32 $0xFFFFCE00  }
0x132: {  	[tilespmem:s7], [sflag:$0x2] =	stream.indirect.gather [hbm4b:s3+s4], $0x40, s20, s4, $0xb8;
	[tilespmem:$0xE100] =	vst v63  }
0x133: {  	_ =	swait.ge [sflag:s16], $0x3200  }
0x134: {  	[sflag:s16] =	ssyncset.done $0x0  }
0x135: {  	s1 =	rddreg [dreg:$0x1f];
	[sflag:s16] =	ssyncadd.s32 $0xFFFFCE00  }
0x136: {  	[hbm4b:s1+s2] =	stream.linear.scatter [tilespmem:s12], [sflag:$0x5], $0x3200, $0x38;
	[tilespmem:$0xE100] =	vst v63  }
0x137: {  	_ =	swait.ge [sflag:s10], $0x3200  }
0x138: {  	[sflag:s10] =	ssyncset.done $0x0  }
0x139: {  	[sflag:s10] =	ssyncadd.s32 $0xFFFFCE00  }
0x13a: {  	[tilespmem:s5], [sflag:$0x3] =	stream.indirect.gather [hbm4b:s3+s4], $0x40, s19, s4, $0xb8;
	[tilespmem:$0xE100] =	vst v63  }
0x13b: {  	_ =	swait.ge [sflag:s15], $0x3200  }
0x13c: {  	s1 =	sld [smem:$0x7E9]  }
0x13d: {  	[sflag:s15] =	ssyncset.done $0x0  }
0x13e: {  	[sflag:s15] =	ssyncadd.s32 $0xFFFFCE00  }
0x13f: {  	[hbm4b:s1+s2] =	stream.linear.scatter [tilespmem:s7], [sflag:$0x6], $0x3200, $0x38;
	[tilespmem:$0xE100] =	vst v63  }
0x140: {  	_ =	swait.ge [sflag:s11], $0x3200  }
0x141: {  	[sflag:s11] =	ssyncset.done $0x0  }
0x142: {  	[sflag:s11] =	ssyncadd.s32 $0xFFFFCE00  }
0x143: {  	[tilespmem:s6], [sflag:$0x4] =	stream.indirect.gather [hbm4b:s3+s4], $0x40, s18, s4, $0xb8;
	[tilespmem:$0xE100] =	vst v63  }
0x144: {  	_ =	swait.ge [sflag:s13], $0x3200  }
0x145: {  	s1 =	sld [smem:$0x7EA]  }
0x146: {  	[sflag:s13] =	ssyncset.done $0x0  }
0x147: {  	[sflag:s13] =	ssyncadd.s32 $0xFFFFCE00  }
0x148: {  	[hbm4b:s1+s2] =	stream.linear.scatter [tilespmem:s5], [sflag:$0x7], $0x3200, $0x38;
	[tilespmem:$0xE100] =	vst v63  }
0x149: {  	_ =	swait.ge [sflag:s14], $0x3200  }
0x14a: {  	s1 =	sld [smem:$0x7EB]  }
0x14b: {  	[sflag:s14] =	ssyncset.done $0x0  }
0x14c: {  	[sflag:s14] =	ssyncadd.s32 $0xFFFFCE00  }
0x14d: {  	[hbm4b:s1+s2] =	stream.linear.scatter [tilespmem:s6], [sflag:$0x8], $0x3200, $0x38;
	[tilespmem:$0xE100] =	vst v63  }
0x14e: {  	_ =	swait.ge [sflag:s8], $0x3200  }
0x14f: {  	[sflag:s8] =	ssyncset.done $0x0  }
0x150: {  	[sflag:s8] =	ssyncadd.s32 $0xFFFFCE00  }
0x151: {  	_ =	swait.ge [sflag:s9], $0x3200  }
0x152: {  	[sflag:s9] =	ssyncset.done $0x0  }
0x153: {  	p1 =	sne.s32 s17, $0x1;
	[sflag:s9] =	ssyncadd.s32 $0xFFFFCE00  }
.Ltmp1:
0x154: {  	_ =	swait.ge [sflag:s10], $0x3200;
	(pc) =	sbr.rel @!p1 .LBB2_3-.Ltmp1, $4  }
0x155: {  	[sflag:s10] =	ssyncset.done $0x0  }
0x156: {  	[sflag:s10] =	ssyncadd.s32 $0xFFFFCE00  }
0x157: {  	p0 =	por $0x1, $0x1;
	_ =	swait.ge [sflag:s11], $0x3200  }
0x158: {  	s1 =	sadd.s32 $0xFFFFFFFF, s17;
	s0 =	rddreg [dreg:$0x3];
	[sflag:s11] =	ssyncset.done $0x0  }
.LBB2_4:
0x159: {  	[sflag:s11] =	ssyncadd.s32 $0xFFFFCE00  }
0x15a: {  	[tilespmem:s2], [sflag:$0x9] =	stream.linear.gather [hbm4b:s0+s2], $0x1900, $0x38;
	[tilespmem:$0xE100] =	vst v63  }
0x15b: {  	_ =	swait.ge [sflag:s31], $0x1900  }
0x15c: {  	[sflag:s31] =	ssyncset.done $0x0  }
0x15d: {  	[sflag:s31] =	ssyncadd.s32 $0xFFFFE700  }
0x15e: {  	[tilespmem:s12], [sflag:$0x1] =	stream.indirect.gather [hbm4b:s3+s4], $0x40, s2, s4, $0xb8;
	[tilespmem:$0xE100] =	vst v63  }
0x15f: {  	_ = 	snop  }
0x160: {  	[tilespmem:s7], [sflag:$0x2] =	stream.indirect.gather [hbm4b:s3+s4], $0x40, s4, s4, $0xb8;
	[tilespmem:$0xE100] =	vst v63  }
0x161: {  	_ =	swait.ge [sflag:s16], $0x3200  }
0x162: {  	[sflag:s16] =	ssyncset.done $0x0  }
0x163: {  	s17 =	sld [smem:$0x7EC];
	[sflag:s16] =	ssyncadd.s32 $0xFFFFCE00  }
0x164: {  	[hbm4b:s30+s2] =	stream.linear.scatter [tilespmem:s12], [sflag:$0x5], $0x3200, $0x38;
	[tilespmem:$0xE100] =	vst v63  }
0x165: {  	_ = 	snop  }
0x166: {  	[tilespmem:s5], [sflag:$0x3] =	stream.indirect.gather [hbm4b:s3+s4], $0x40, s17, s4, $0xb8;
	[tilespmem:$0xE100] =	vst v63  }
0x167: {  	_ =	swait.ge [sflag:s15], $0x3200  }
0x168: {  	s0 =	rddreg [dreg:$0x4];
	[sflag:s15] =	ssyncset.done $0x0  }
0x169: {  	s17 =	sld [smem:$0x7ED];
	[sflag:s15] =	ssyncadd.s32 $0xFFFFCE00  }
0x16a: {  	[hbm4b:s0+s2] =	stream.linear.scatter [tilespmem:s7], [sflag:$0x6], $0x3200, $0x38;
	[tilespmem:$0xE100] =	vst v63  }
0x16b: {  	_ = 	snop  }
0x16c: {  	[tilespmem:s6], [sflag:$0x4] =	stream.indirect.gather [hbm4b:s3+s4], $0x40, s17, s4, $0xb8;
	[tilespmem:$0xE100] =	vst v63  }
0x16d: {  	_ =	swait.ge [sflag:s13], $0x3200  }
0x16e: {  	[sflag:s13] =	ssyncset.done $0x0  }
0x16f: {  	s17 =	rddreg [dreg:$0x5];
	[sflag:s13] =	ssyncadd.s32 $0xFFFFCE00  }
0x170: {  	[hbm4b:s17+s2] =	stream.linear.scatter [tilespmem:s5], [sflag:$0x7], $0x3200, $0x38;
	[tilespmem:$0xE100] =	vst v63  }
0x171: {  	_ =	swait.ge [sflag:s8], $0x3200  }
0x172: {  	s17 =	sld [smem:$0x7EE]  }
0x173: {  	[sflag:s8] =	ssyncset.done $0x0  }
0x174: {  	[sflag:s8] =	ssyncadd.s32 $0xFFFFCE00  }
0x175: {  	[tilespmem:s12], [sflag:$0x1] =	stream.indirect.gather [hbm4b:s3+s4], $0x40, s17, s4, $0xb8;
	[tilespmem:$0xE100] =	vst v63  }
0x176: {  	_ =	swait.ge [sflag:s14], $0x3200  }
0x177: {  	[sflag:s14] =	ssyncset.done $0x0  }
0x178: {  	s17 =	rddreg [dreg:$0x6];
	[sflag:s14] =	ssyncadd.s32 $0xFFFFCE00  }
0x179: {  	[hbm4b:s17+s2] =	stream.linear.scatter [tilespmem:s6], [sflag:$0x8], $0x3200, $0x38;
	[tilespmem:$0xE100] =	vst v63  }
0x17a: {  	_ =	swait.ge [sflag:s9], $0x3200  }
0x17b: {  	s17 =	sld [smem:$0x7EF]  }
0x17c: {  	[sflag:s9] =	ssyncset.done $0x0  }
0x17d: {  	[sflag:s9] =	ssyncadd.s32 $0xFFFFCE00  }
0x17e: {  	[tilespmem:s7], [sflag:$0x2] =	stream.indirect.gather [hbm4b:s3+s4], $0x40, s17, s4, $0xb8;
	[tilespmem:$0xE100] =	vst v63  }
0x17f: {  	_ =	swait.ge [sflag:s16], $0x3200  }
0x180: {  	[sflag:s16] =	ssyncset.done $0x0  }
0x181: {  	s17 =	rddreg [dreg:$0x7];
	[sflag:s16] =	ssyncadd.s32 $0xFFFFCE00  }
0x182: {  	[hbm4b:s17+s2] =	stream.linear.scatter [tilespmem:s12], [sflag:$0x5], $0x3200, $0x38;
	[tilespmem:$0xE100] =	vst v63  }
0x183: {  	_ =	swait.ge [sflag:s10], $0x3200  }
0x184: {  	s17 =	sld [smem:$0x7F0]  }
0x185: {  	[sflag:s10] =	ssyncset.done $0x0  }
0x186: {  	[sflag:s10] =	ssyncadd.s32 $0xFFFFCE00  }
0x187: {  	[tilespmem:s5], [sflag:$0x3] =	stream.indirect.gather [hbm4b:s3+s4], $0x40, s17, s4, $0xb8;
	[tilespmem:$0xE100] =	vst v63  }
0x188: {  	_ =	swait.ge [sflag:s15], $0x3200  }
0x189: {  	[sflag:s15] =	ssyncset.done $0x0  }
0x18a: {  	s17 =	rddreg [dreg:$0x8];
	[sflag:s15] =	ssyncadd.s32 $0xFFFFCE00  }
0x18b: {  	[hbm4b:s17+s2] =	stream.linear.scatter [tilespmem:s7], [sflag:$0x6], $0x3200, $0x38;
	[tilespmem:$0xE100] =	vst v63  }
0x18c: {  	_ =	swait.ge [sflag:s11], $0x3200  }
0x18d: {  	s17 =	sld [smem:$0x7F1]  }
0x18e: {  	[sflag:s11] =	ssyncset.done $0x0  }
0x18f: {  	[sflag:s11] =	ssyncadd.s32 $0xFFFFCE00  }
0x190: {  	[tilespmem:s6], [sflag:$0x4] =	stream.indirect.gather [hbm4b:s3+s4], $0x40, s17, s4, $0xb8;
	[tilespmem:$0xE100] =	vst v63  }
0x191: {  	_ =	swait.ge [sflag:s13], $0x3200  }
0x192: {  	[sflag:s13] =	ssyncset.done $0x0  }
0x193: {  	s17 =	rddreg [dreg:$0x9];
	[sflag:s13] =	ssyncadd.s32 $0xFFFFCE00  }
0x194: {  	[hbm4b:s17+s2] =	stream.linear.scatter [tilespmem:s5], [sflag:$0x7], $0x3200, $0x38;
	[tilespmem:$0xE100] =	vst v63  }
0x195: {  	_ =	swait.ge [sflag:s8], $0x3200  }
0x196: {  	s17 =	sld [smem:$0x7F2]  }
0x197: {  	[sflag:s8] =	ssyncset.done $0x0  }
0x198: {  	[sflag:s8] =	ssyncadd.s32 $0xFFFFCE00  }
0x199: {  	[tilespmem:s12], [sflag:$0x1] =	stream.indirect.gather [hbm4b:s3+s4], $0x40, s17, s4, $0xb8;
	[tilespmem:$0xE100] =	vst v63  }
0x19a: {  	_ =	swait.ge [sflag:s14], $0x3200  }
0x19b: {  	[sflag:s14] =	ssyncset.done $0x0  }
0x19c: {  	s17 =	rddreg [dreg:$0xa];
	[sflag:s14] =	ssyncadd.s32 $0xFFFFCE00  }
0x19d: {  	[hbm4b:s17+s2] =	stream.linear.scatter [tilespmem:s6], [sflag:$0x8], $0x3200, $0x38;
	[tilespmem:$0xE100] =	vst v63  }
0x19e: {  	_ =	swait.ge [sflag:s9], $0x3200  }
0x19f: {  	s17 =	sld [smem:$0x7F3]  }
0x1a0: {  	[sflag:s9] =	ssyncset.done $0x0  }
0x1a1: {  	[sflag:s9] =	ssyncadd.s32 $0xFFFFCE00  }
0x1a2: {  	[tilespmem:s7], [sflag:$0x2] =	stream.indirect.gather [hbm4b:s3+s4], $0x40, s17, s4, $0xb8;
	[tilespmem:$0xE100] =	vst v63  }
0x1a3: {  	_ =	swait.ge [sflag:s16], $0x3200  }
0x1a4: {  	[sflag:s16] =	ssyncset.done $0x0  }
0x1a5: {  	s17 =	rddreg [dreg:$0xb];
	[sflag:s16] =	ssyncadd.s32 $0xFFFFCE00  }
0x1a6: {  	[hbm4b:s17+s2] =	stream.linear.scatter [tilespmem:s12], [sflag:$0x5], $0x3200, $0x38;
	[tilespmem:$0xE100] =	vst v63  }
0x1a7: {  	_ =	swait.ge [sflag:s10], $0x3200  }
0x1a8: {  	s17 =	sld [smem:$0x7F4]  }
0x1a9: {  	[sflag:s10] =	ssyncset.done $0x0  }
0x1aa: {  	[sflag:s10] =	ssyncadd.s32 $0xFFFFCE00  }
0x1ab: {  	[tilespmem:s5], [sflag:$0x3] =	stream.indirect.gather [hbm4b:s3+s4], $0x40, s17, s4, $0xb8;
	[tilespmem:$0xE100] =	vst v63  }
0x1ac: {  	_ =	swait.ge [sflag:s15], $0x3200  }
0x1ad: {  	[sflag:s15] =	ssyncset.done $0x0  }
0x1ae: {  	s17 =	rddreg [dreg:$0xc];
	[sflag:s15] =	ssyncadd.s32 $0xFFFFCE00  }
0x1af: {  	[hbm4b:s17+s2] =	stream.linear.scatter [tilespmem:s7], [sflag:$0x6], $0x3200, $0x38;
	[tilespmem:$0xE100] =	vst v63  }
0x1b0: {  	_ =	swait.ge [sflag:s11], $0x3200  }
0x1b1: {  	s17 =	sld [smem:$0x7F5]  }
0x1b2: {  	[sflag:s11] =	ssyncset.done $0x0  }
0x1b3: {  	[sflag:s11] =	ssyncadd.s32 $0xFFFFCE00  }
0x1b4: {  	[tilespmem:s6], [sflag:$0x4] =	stream.indirect.gather [hbm4b:s3+s4], $0x40, s17, s4, $0xb8;
	[tilespmem:$0xE100] =	vst v63  }
0x1b5: {  	_ =	swait.ge [sflag:s13], $0x3200  }
0x1b6: {  	[sflag:s13] =	ssyncset.done $0x0  }
0x1b7: {  	s17 =	rddreg [dreg:$0xd];
	[sflag:s13] =	ssyncadd.s32 $0xFFFFCE00  }
0x1b8: {  	[hbm4b:s17+s2] =	stream.linear.scatter [tilespmem:s5], [sflag:$0x7], $0x3200, $0x38;
	[tilespmem:$0xE100] =	vst v63  }
0x1b9: {  	_ =	swait.ge [sflag:s8], $0x3200  }
0x1ba: {  	s17 =	sld [smem:$0x7F6]  }
0x1bb: {  	[sflag:s8] =	ssyncset.done $0x0  }
0x1bc: {  	[sflag:s8] =	ssyncadd.s32 $0xFFFFCE00  }
0x1bd: {  	[tilespmem:s12], [sflag:$0x1] =	stream.indirect.gather [hbm4b:s3+s4], $0x40, s17, s4, $0xb8;
	[tilespmem:$0xE100] =	vst v63  }
0x1be: {  	_ =	swait.ge [sflag:s14], $0x3200  }
0x1bf: {  	[sflag:s14] =	ssyncset.done $0x0  }
0x1c0: {  	s17 =	rddreg [dreg:$0xe];
	[sflag:s14] =	ssyncadd.s32 $0xFFFFCE00  }
0x1c1: {  	[hbm4b:s17+s2] =	stream.linear.scatter [tilespmem:s6], [sflag:$0x8], $0x3200, $0x38;
	[tilespmem:$0xE100] =	vst v63  }
0x1c2: {  	_ =	swait.ge [sflag:s9], $0x3200  }
0x1c3: {  	s17 =	sld [smem:$0x7F7]  }
0x1c4: {  	[sflag:s9] =	ssyncset.done $0x0  }
0x1c5: {  	[sflag:s9] =	ssyncadd.s32 $0xFFFFCE00  }
0x1c6: {  	[tilespmem:s7], [sflag:$0x2] =	stream.indirect.gather [hbm4b:s3+s4], $0x40, s17, s4, $0xb8;
	[tilespmem:$0xE100] =	vst v63  }
0x1c7: {  	_ =	swait.ge [sflag:s16], $0x3200  }
0x1c8: {  	[sflag:s16] =	ssyncset.done $0x0  }
0x1c9: {  	s17 =	rddreg [dreg:$0xf];
	[sflag:s16] =	ssyncadd.s32 $0xFFFFCE00  }
0x1ca: {  	[hbm4b:s17+s2] =	stream.linear.scatter [tilespmem:s12], [sflag:$0x5], $0x3200, $0x38;
	[tilespmem:$0xE100] =	vst v63  }
0x1cb: {  	_ =	swait.ge [sflag:s10], $0x3200  }
0x1cc: {  	s17 =	sld [smem:$0x7F8]  }
0x1cd: {  	[sflag:s10] =	ssyncset.done $0x0  }
0x1ce: {  	[sflag:s10] =	ssyncadd.s32 $0xFFFFCE00  }
0x1cf: {  	[tilespmem:s5], [sflag:$0x3] =	stream.indirect.gather [hbm4b:s3+s4], $0x40, s17, s4, $0xb8;
	[tilespmem:$0xE100] =	vst v63  }
0x1d0: {  	_ =	swait.ge [sflag:s15], $0x3200  }
0x1d1: {  	[sflag:s15] =	ssyncset.done $0x0  }
0x1d2: {  	s17 =	rddreg [dreg:$0x10];
	[sflag:s15] =	ssyncadd.s32 $0xFFFFCE00  }
0x1d3: {  	[hbm4b:s17+s2] =	stream.linear.scatter [tilespmem:s7], [sflag:$0x6], $0x3200, $0x38;
	[tilespmem:$0xE100] =	vst v63  }
0x1d4: {  	_ =	swait.ge [sflag:s11], $0x3200  }
0x1d5: {  	s17 =	sld [smem:$0x7F9]  }
0x1d6: {  	[sflag:s11] =	ssyncset.done $0x0  }
0x1d7: {  	[sflag:s11] =	ssyncadd.s32 $0xFFFFCE00  }
0x1d8: {  	[tilespmem:s6], [sflag:$0x4] =	stream.indirect.gather [hbm4b:s3+s4], $0x40, s17, s4, $0xb8;
	[tilespmem:$0xE100] =	vst v63  }
0x1d9: {  	_ =	swait.ge [sflag:s13], $0x3200  }
0x1da: {  	[sflag:s13] =	ssyncset.done $0x0  }
0x1db: {  	s17 =	rddreg [dreg:$0x11];
	[sflag:s13] =	ssyncadd.s32 $0xFFFFCE00  }
0x1dc: {  	[hbm4b:s17+s2] =	stream.linear.scatter [tilespmem:s5], [sflag:$0x7], $0x3200, $0x38;
	[tilespmem:$0xE100] =	vst v63  }
0x1dd: {  	_ =	swait.ge [sflag:s8], $0x3200  }
0x1de: {  	s17 =	sld [smem:$0x7FA]  }
0x1df: {  	[sflag:s8] =	ssyncset.done $0x0  }
0x1e0: {  	[sflag:s8] =	ssyncadd.s32 $0xFFFFCE00  }
0x1e1: {  	[tilespmem:s12], [sflag:$0x1] =	stream.indirect.gather [hbm4b:s3+s4], $0x40, s17, s4, $0xb8;
	[tilespmem:$0xE100] =	vst v63  }
0x1e2: {  	_ =	swait.ge [sflag:s14], $0x3200  }
0x1e3: {  	[sflag:s14] =	ssyncset.done $0x0  }
0x1e4: {  	s17 =	rddreg [dreg:$0x12];
	[sflag:s14] =	ssyncadd.s32 $0xFFFFCE00  }
0x1e5: {  	[hbm4b:s17+s2] =	stream.linear.scatter [tilespmem:s6], [sflag:$0x8], $0x3200, $0x38;
	[tilespmem:$0xE100] =	vst v63  }
0x1e6: {  	_ =	swait.ge [sflag:s9], $0x3200  }
0x1e7: {  	s17 =	sld [smem:$0x7FB]  }
0x1e8: {  	[sflag:s9] =	ssyncset.done $0x0  }
0x1e9: {  	[sflag:s9] =	ssyncadd.s32 $0xFFFFCE00  }
0x1ea: {  	[tilespmem:s7], [sflag:$0x2] =	stream.indirect.gather [hbm4b:s3+s4], $0x40, s17, s4, $0xb8;
	[tilespmem:$0xE100] =	vst v63  }
0x1eb: {  	_ =	swait.ge [sflag:s16], $0x3200  }
0x1ec: {  	[sflag:s16] =	ssyncset.done $0x0  }
0x1ed: {  	s17 =	rddreg [dreg:$0x13];
	[sflag:s16] =	ssyncadd.s32 $0xFFFFCE00  }
0x1ee: {  	[hbm4b:s17+s2] =	stream.linear.scatter [tilespmem:s12], [sflag:$0x5], $0x3200, $0x38;
	[tilespmem:$0xE100] =	vst v63  }
0x1ef: {  	_ =	swait.ge [sflag:s10], $0x3200  }
0x1f0: {  	s17 =	sld [smem:$0x7FC]  }
0x1f1: {  	[sflag:s10] =	ssyncset.done $0x0  }
0x1f2: {  	[sflag:s10] =	ssyncadd.s32 $0xFFFFCE00  }
0x1f3: {  	[tilespmem:s5], [sflag:$0x3] =	stream.indirect.gather [hbm4b:s3+s4], $0x40, s17, s4, $0xb8;
	[tilespmem:$0xE100] =	vst v63  }
0x1f4: {  	_ =	swait.ge [sflag:s15], $0x3200  }
0x1f5: {  	[sflag:s15] =	ssyncset.done $0x0  }
0x1f6: {  	s17 =	rddreg [dreg:$0x14];
	[sflag:s15] =	ssyncadd.s32 $0xFFFFCE00  }
0x1f7: {  	[hbm4b:s17+s2] =	stream.linear.scatter [tilespmem:s7], [sflag:$0x6], $0x3200, $0x38;
	[tilespmem:$0xE100] =	vst v63  }
0x1f8: {  	_ =	swait.ge [sflag:s11], $0x3200  }
0x1f9: {  	s17 =	sld [smem:$0x7FD]  }
0x1fa: {  	[sflag:s11] =	ssyncset.done $0x0  }
0x1fb: {  	[sflag:s11] =	ssyncadd.s32 $0xFFFFCE00  }
0x1fc: {  	[tilespmem:s6], [sflag:$0x4] =	stream.indirect.gather [hbm4b:s3+s4], $0x40, s17, s4, $0xb8;
	[tilespmem:$0xE100] =	vst v63  }
0x1fd: {  	_ =	swait.ge [sflag:s13], $0x3200  }
0x1fe: {  	[sflag:s13] =	ssyncset.done $0x0  }
0x1ff: {  	s17 =	rddreg [dreg:$0x15];
	[sflag:s13] =	ssyncadd.s32 $0xFFFFCE00  }
0x200: {  	[hbm4b:s17+s2] =	stream.linear.scatter [tilespmem:s5], [sflag:$0x7], $0x3200, $0x38;
	[tilespmem:$0xE100] =	vst v63  }
0x201: {  	_ =	swait.ge [sflag:s8], $0x3200  }
0x202: {  	[sflag:s8] =	ssyncset.done $0x0  }
0x203: {  	s17 =	simm.s32 $0xFA0;
	[sflag:s8] =	ssyncadd.s32 $0xFFFFCE00  }
0x204: {  	[tilespmem:s12], [sflag:$0x1] =	stream.indirect.gather [hbm4b:s3+s4], $0x40, s17, s4, $0xb8;
	[tilespmem:$0xE100] =	vst v63  }
0x205: {  	_ =	swait.ge [sflag:s14], $0x3200  }
0x206: {  	[sflag:s14] =	ssyncset.done $0x0  }
0x207: {  	s17 =	rddreg [dreg:$0x16];
	[sflag:s14] =	ssyncadd.s32 $0xFFFFCE00  }
0x208: {  	[hbm4b:s17+s2] =	stream.linear.scatter [tilespmem:s6], [sflag:$0x8], $0x3200, $0x38;
	[tilespmem:$0xE100] =	vst v63  }
0x209: {  	_ =	swait.ge [sflag:s9], $0x3200  }
0x20a: {  	[sflag:s9] =	ssyncset.done $0x0  }
0x20b: {  	[sflag:s9] =	ssyncadd.s32 $0xFFFFCE00  }
0x20c: {  	[tilespmem:s7], [sflag:$0x2] =	stream.indirect.gather [hbm4b:s3+s4], $0x40, s29, s4, $0xb8;
	[tilespmem:$0xE100] =	vst v63  }
0x20d: {  	_ =	swait.ge [sflag:s16], $0x3200  }
0x20e: {  	[sflag:s16] =	ssyncset.done $0x0  }
0x20f: {  	s17 =	rddreg [dreg:$0x17];
	[sflag:s16] =	ssyncadd.s32 $0xFFFFCE00  }
0x210: {  	[hbm4b:s17+s2] =	stream.linear.scatter [tilespmem:s12], [sflag:$0x5], $0x3200, $0x38;
	[tilespmem:$0xE100] =	vst v63  }
0x211: {  	_ =	swait.ge [sflag:s10], $0x3200  }
0x212: {  	[sflag:s10] =	ssyncset.done $0x0  }
0x213: {  	[sflag:s10] =	ssyncadd.s32 $0xFFFFCE00  }
0x214: {  	[tilespmem:s5], [sflag:$0x3] =	stream.indirect.gather [hbm4b:s3+s4], $0x40, s28, s4, $0xb8;
	[tilespmem:$0xE100] =	vst v63  }
0x215: {  	_ =	swait.ge [sflag:s15], $0x3200  }
0x216: {  	[sflag:s15] =	ssyncset.done $0x0  }
0x217: {  	s17 =	rddreg [dreg:$0x18];
	[sflag:s15] =	ssyncadd.s32 $0xFFFFCE00  }
0x218: {  	[hbm4b:s17+s2] =	stream.linear.scatter [tilespmem:s7], [sflag:$0x6], $0x3200, $0x38;
	[tilespmem:$0xE100] =	vst v63  }
0x219: {  	_ =	swait.ge [sflag:s11], $0x3200  }
0x21a: {  	[sflag:s11] =	ssyncset.done $0x0  }
0x21b: {  	[sflag:s11] =	ssyncadd.s32 $0xFFFFCE00  }
0x21c: {  	[tilespmem:s6], [sflag:$0x4] =	stream.indirect.gather [hbm4b:s3+s4], $0x40, s26, s4, $0xb8;
	[tilespmem:$0xE100] =	vst v63  }
0x21d: {  	_ =	swait.ge [sflag:s13], $0x3200  }
0x21e: {  	[sflag:s13] =	ssyncset.done $0x0  }
0x21f: {  	s17 =	rddreg [dreg:$0x19];
	[sflag:s13] =	ssyncadd.s32 $0xFFFFCE00  }
0x220: {  	[hbm4b:s17+s2] =	stream.linear.scatter [tilespmem:s5], [sflag:$0x7], $0x3200, $0x38;
	[tilespmem:$0xE100] =	vst v63  }
0x221: {  	_ =	swait.ge [sflag:s8], $0x3200  }
0x222: {  	[sflag:s8] =	ssyncset.done $0x0  }
0x223: {  	[sflag:s8] =	ssyncadd.s32 $0xFFFFCE00  }
0x224: {  	[tilespmem:s12], [sflag:$0x1] =	stream.indirect.gather [hbm4b:s3+s4], $0x40, s25, s4, $0xb8;
	[tilespmem:$0xE100] =	vst v63  }
0x225: {  	_ =	swait.ge [sflag:s14], $0x3200  }
0x226: {  	[sflag:s14] =	ssyncset.done $0x0  }
0x227: {  	s17 =	rddreg [dreg:$0x1a];
	[sflag:s14] =	ssyncadd.s32 $0xFFFFCE00  }
0x228: {  	[hbm4b:s17+s2] =	stream.linear.scatter [tilespmem:s6], [sflag:$0x8], $0x3200, $0x38;
	[tilespmem:$0xE100] =	vst v63  }
0x229: {  	_ =	swait.ge [sflag:s9], $0x3200  }
0x22a: {  	[sflag:s9] =	ssyncset.done $0x0  }
0x22b: {  	[sflag:s9] =	ssyncadd.s32 $0xFFFFCE00  }
0x22c: {  	[tilespmem:s7], [sflag:$0x2] =	stream.indirect.gather [hbm4b:s3+s4], $0x40, s24, s4, $0xb8;
	[tilespmem:$0xE100] =	vst v63  }
0x22d: {  	_ =	swait.ge [sflag:s16], $0x3200  }
0x22e: {  	[sflag:s16] =	ssyncset.done $0x0  }
0x22f: {  	s17 =	rddreg [dreg:$0x1b];
	[sflag:s16] =	ssyncadd.s32 $0xFFFFCE00  }
0x230: {  	[hbm4b:s17+s2] =	stream.linear.scatter [tilespmem:s12], [sflag:$0x5], $0x3200, $0x38;
	[tilespmem:$0xE100] =	vst v63  }
0x231: {  	_ =	swait.ge [sflag:s10], $0x3200  }
0x232: {  	[sflag:s10] =	ssyncset.done $0x0  }
0x233: {  	[sflag:s10] =	ssyncadd.s32 $0xFFFFCE00  }
0x234: {  	[tilespmem:s5], [sflag:$0x3] =	stream.indirect.gather [hbm4b:s3+s4], $0x40, s23, s4, $0xb8;
	[tilespmem:$0xE100] =	vst v63  }
0x235: {  	_ =	swait.ge [sflag:s15], $0x3200  }
0x236: {  	[sflag:s15] =	ssyncset.done $0x0  }
0x237: {  	s17 =	rddreg [dreg:$0x1c];
	[sflag:s15] =	ssyncadd.s32 $0xFFFFCE00  }
0x238: {  	[hbm4b:s17+s2] =	stream.linear.scatter [tilespmem:s7], [sflag:$0x6], $0x3200, $0x38;
	[tilespmem:$0xE100] =	vst v63  }
0x239: {  	_ =	swait.ge [sflag:s11], $0x3200  }
0x23a: {  	[sflag:s11] =	ssyncset.done $0x0  }
0x23b: {  	[sflag:s11] =	ssyncadd.s32 $0xFFFFCE00  }
0x23c: {  	[tilespmem:s6], [sflag:$0x4] =	stream.indirect.gather [hbm4b:s3+s4], $0x40, s22, s4, $0xb8;
	[tilespmem:$0xE100] =	vst v63  }
0x23d: {  	_ =	swait.ge [sflag:s13], $0x3200  }
0x23e: {  	[sflag:s13] =	ssyncset.done $0x0  }
0x23f: {  	s17 =	rddreg [dreg:$0x1d];
	[sflag:s13] =	ssyncadd.s32 $0xFFFFCE00  }
0x240: {  	[hbm4b:s17+s2] =	stream.linear.scatter [tilespmem:s5], [sflag:$0x7], $0x3200, $0x38;
	[tilespmem:$0xE100] =	vst v63  }
0x241: {  	_ =	swait.ge [sflag:s8], $0x3200  }
0x242: {  	[sflag:s8] =	ssyncset.done $0x0  }
0x243: {  	[sflag:s8] =	ssyncadd.s32 $0xFFFFCE00  }
0x244: {  	[tilespmem:s12], [sflag:$0x1] =	stream.indirect.gather [hbm4b:s3+s4], $0x40, s21, s4, $0xb8;
	[tilespmem:$0xE100] =	vst v63  }
0x245: {  	_ =	swait.ge [sflag:s14], $0x3200  }
0x246: {  	[sflag:s14] =	ssyncset.done $0x0  }
0x247: {  	s17 =	rddreg [dreg:$0x1e];
	[sflag:s14] =	ssyncadd.s32 $0xFFFFCE00  }
0x248: {  	[hbm4b:s17+s2] =	stream.linear.scatter [tilespmem:s6], [sflag:$0x8], $0x3200, $0x38;
	[tilespmem:$0xE100] =	vst v63  }
0x249: {  	_ =	swait.ge [sflag:s9], $0x3200  }
0x24a: {  	[sflag:s9] =	ssyncset.done $0x0  }
0x24b: {  	[sflag:s9] =	ssyncadd.s32 $0xFFFFCE00  }
0x24c: {  	[tilespmem:s7], [sflag:$0x2] =	stream.indirect.gather [hbm4b:s3+s4], $0x40, s20, s4, $0xb8;
	[tilespmem:$0xE100] =	vst v63  }
0x24d: {  	_ =	swait.ge [sflag:s16], $0x3200  }
0x24e: {  	[sflag:s16] =	ssyncset.done $0x0  }
0x24f: {  	s17 =	rddreg [dreg:$0x1f];
	[sflag:s16] =	ssyncadd.s32 $0xFFFFCE00  }
0x250: {  	[hbm4b:s17+s2] =	stream.linear.scatter [tilespmem:s12], [sflag:$0x5], $0x3200, $0x38;
	[tilespmem:$0xE100] =	vst v63  }
0x251: {  	_ =	swait.ge [sflag:s10], $0x3200  }
0x252: {  	[sflag:s10] =	ssyncset.done $0x0  }
0x253: {  	[sflag:s10] =	ssyncadd.s32 $0xFFFFCE00  }
0x254: {  	[tilespmem:s5], [sflag:$0x3] =	stream.indirect.gather [hbm4b:s3+s4], $0x40, s19, s4, $0xb8;
	[tilespmem:$0xE100] =	vst v63  }
0x255: {  	_ =	swait.ge [sflag:s15], $0x3200  }
0x256: {  	s17 =	sld [smem:$0x7E9]  }
0x257: {  	[sflag:s15] =	ssyncset.done $0x0  }
0x258: {  	[sflag:s15] =	ssyncadd.s32 $0xFFFFCE00  }
0x259: {  	[hbm4b:s17+s2] =	stream.linear.scatter [tilespmem:s7], [sflag:$0x6], $0x3200, $0x38;
	[tilespmem:$0xE100] =	vst v63  }
0x25a: {  	_ =	swait.ge [sflag:s11], $0x3200  }
0x25b: {  	[sflag:s11] =	ssyncset.done $0x0  }
0x25c: {  	[sflag:s11] =	ssyncadd.s32 $0xFFFFCE00  }
0x25d: {  	[tilespmem:s6], [sflag:$0x4] =	stream.indirect.gather [hbm4b:s3+s4], $0x40, s18, s4, $0xb8;
	[tilespmem:$0xE100] =	vst v63  }
0x25e: {  	_ =	swait.ge [sflag:s13], $0x3200  }
0x25f: {  	s17 =	sld [smem:$0x7EA]  }
0x260: {  	[sflag:s13] =	ssyncset.done $0x0  }
0x261: {  	[sflag:s13] =	ssyncadd.s32 $0xFFFFCE00  }
0x262: {  	[hbm4b:s17+s2] =	stream.linear.scatter [tilespmem:s5], [sflag:$0x7], $0x3200, $0x38;
	[tilespmem:$0xE100] =	vst v63  }
0x263: {  	_ =	swait.ge [sflag:s14], $0x3200  }
0x264: {  	s17 =	sld [smem:$0x7EB]  }
0x265: {  	[sflag:s14] =	ssyncset.done $0x0  }
0x266: {  	[sflag:s14] =	ssyncadd.s32 $0xFFFFCE00  }
0x267: {  	[hbm4b:s17+s2] =	stream.linear.scatter [tilespmem:s6], [sflag:$0x8], $0x3200, $0x38;
	[tilespmem:$0xE100] =	vst v63  }
0x268: {  	_ =	swait.ge [sflag:s8], $0x3200  }
0x269: {  	[sflag:s8] =	ssyncset.done $0x0  }
0x26a: {  	[sflag:s8] =	ssyncadd.s32 $0xFFFFCE00  }
0x26b: {  	_ =	swait.ge [sflag:s9], $0x3200  }
0x26c: {  	[sflag:s9] =	ssyncset.done $0x0  }
0x26d: {  	p1 =	sne.s32 s1, $0x1;
	[sflag:s9] =	ssyncadd.s32 $0xFFFFCE00  }
.Ltmp2:
0x26e: {  	_ =	swait.ge [sflag:s10], $0x3200;
	(pc) =	sbr.rel @p1 .LBB2_4-.Ltmp2, $4  }
0x26f: {  	[sflag:s10] =	ssyncset.done $0x0  }
0x270: {  	[sflag:s10] =	ssyncadd.s32 $0xFFFFCE00  }
0x271: {  	_ =	swait.ge [sflag:s11], $0x3200  }
0x272: {  	s1 =	sadd.s32 $0xFFFFFFFF, s1;
	s0 =	rddreg [dreg:$0x3];
	[sflag:s11] =	ssyncset.done $0x0  }
0x273: {  	s18 =	simm.s32 $0xFA0;
	s29 =	simm.s32 $0x1068;
	s28 =	simm.s32 $0x1130  }
0x274: {  	s26 =	simm.s32 $0x11F8;
	s25 =	simm.s32 $0x12C0;
	s24 =	simm.s32 $0x1388  }
0x275: {  	s23 =	simm.s32 $0x1450;
	s22 =	simm.s32 $0x1518;
	s21 =	simm.s32 $0x15E0  }
0x276: {  	s20 =	simm.s32 $0x16A8;
	s19 =	simm.s32 $0x1770;
	s17 =	stileid.u32  }
.LBB2_6:
0x277: {  	[sflag:s11] =	ssyncadd.s32 @p0 $0xFFFFCE00  }
0x278: {  	[tilespmem:s2], [sflag:$0x9] =	stream.linear.gather [hbm4b:s0+s2], $0x1900, $0x38;
	[tilespmem:$0xE100] =	vst v63  }
0x279: {  	_ =	swait.ge [sflag:s31], $0x1900  }
0x27a: {  	[sflag:s31] =	ssyncset.done $0x0  }
0x27b: {  	[sflag:s31] =	ssyncadd.s32 $0xFFFFE700  }
0x27c: {  	[tilespmem:s12], [sflag:$0x1] =	stream.indirect.gather [hbm4b:s3+s4], $0x40, s2, s4, $0xb8;
	[tilespmem:$0xE100] =	vst v63  }
0x27d: {  	_ = 	snop  }
0x27e: {  	[tilespmem:s7], [sflag:$0x2] =	stream.indirect.gather [hbm4b:s3+s4], $0x40, s4, s4, $0xb8;
	[tilespmem:$0xE100] =	vst v63  }
0x27f: {  	_ =	swait.ge [sflag:s16], $0x3200  }
0x280: {  	[sflag:s16] =	ssyncset.done $0x0  }
0x281: {  	s1 =	sld [smem:$0x7EC];
	[sflag:s16] =	ssyncadd.s32 $0xFFFFCE00  }
0x282: {  	[hbm4b:s30+s2] =	stream.linear.scatter [tilespmem:s12], [sflag:$0x5], $0x3200, $0x38;
	[tilespmem:$0xE100] =	vst v63  }
0x283: {  	_ = 	snop  }
0x284: {  	[tilespmem:s5], [sflag:$0x3] =	stream.indirect.gather [hbm4b:s3+s4], $0x40, s1, s4, $0xb8;
	[tilespmem:$0xE100] =	vst v63  }
0x285: {  	_ =	swait.ge [sflag:s15], $0x3200  }
0x286: {  	s31 =	rddreg [dreg:$0x4];
	[sflag:s15] =	ssyncset.done $0x0  }
0x287: {  	s1 =	sld [smem:$0x7ED];
	[sflag:s15] =	ssyncadd.s32 $0xFFFFCE00  }
0x288: {  	[hbm4b:s31+s2] =	stream.linear.scatter [tilespmem:s7], [sflag:$0x6], $0x3200, $0x38;
	[tilespmem:$0xE100] =	vst v63  }
0x289: {  	_ = 	snop  }
0x28a: {  	[tilespmem:s6], [sflag:$0x4] =	stream.indirect.gather [hbm4b:s3+s4], $0x40, s1, s4, $0xb8;
	[tilespmem:$0xE100] =	vst v63  }
0x28b: {  	_ =	swait.ge [sflag:s13], $0x3200  }
0x28c: {  	[sflag:s13] =	ssyncset.done $0x0  }
0x28d: {  	s30 =	rddreg [dreg:$0x5];
	[sflag:s13] =	ssyncadd.s32 $0xFFFFCE00  }
0x28e: {  	[hbm4b:s30+s2] =	stream.linear.scatter [tilespmem:s5], [sflag:$0x7], $0x3200, $0x38;
	[tilespmem:$0xE100] =	vst v63  }
0x28f: {  	_ =	swait.ge [sflag:s8], $0x3200  }
0x290: {  	s31 =	sld [smem:$0x7EE]  }
0x291: {  	[sflag:s8] =	ssyncset.done $0x0  }
0x292: {  	[sflag:s8] =	ssyncadd.s32 $0xFFFFCE00  }
0x293: {  	[tilespmem:s12], [sflag:$0x1] =	stream.indirect.gather [hbm4b:s3+s4], $0x40, s31, s4, $0xb8;
	[tilespmem:$0xE100] =	vst v63  }
0x294: {  	_ =	swait.ge [sflag:s14], $0x3200  }
0x295: {  	[sflag:s14] =	ssyncset.done $0x0  }
0x296: {  	s1 =	rddreg [dreg:$0x6];
	[sflag:s14] =	ssyncadd.s32 $0xFFFFCE00  }
0x297: {  	[hbm4b:s1+s2] =	stream.linear.scatter [tilespmem:s6], [sflag:$0x8], $0x3200, $0x38;
	[tilespmem:$0xE100] =	vst v63  }
0x298: {  	_ =	swait.ge [sflag:s9], $0x3200  }
0x299: {  	s30 =	sld [smem:$0x7EF]  }
0x29a: {  	[sflag:s9] =	ssyncset.done $0x0  }
0x29b: {  	[sflag:s9] =	ssyncadd.s32 $0xFFFFCE00  }
0x29c: {  	[tilespmem:s7], [sflag:$0x2] =	stream.indirect.gather [hbm4b:s3+s4], $0x40, s30, s4, $0xb8;
	[tilespmem:$0xE100] =	vst v63  }
0x29d: {  	_ =	swait.ge [sflag:s16], $0x3200  }
0x29e: {  	[sflag:s16] =	ssyncset.done $0x0  }
0x29f: {  	s31 =	rddreg [dreg:$0x7];
	[sflag:s16] =	ssyncadd.s32 $0xFFFFCE00  }
0x2a0: {  	[hbm4b:s31+s2] =	stream.linear.scatter [tilespmem:s12], [sflag:$0x5], $0x3200, $0x38;
	[tilespmem:$0xE100] =	vst v63  }
0x2a1: {  	_ =	swait.ge [sflag:s10], $0x3200  }
0x2a2: {  	s1 =	sld [smem:$0x7F0]  }
0x2a3: {  	[sflag:s10] =	ssyncset.done $0x0  }
0x2a4: {  	[sflag:s10] =	ssyncadd.s32 $0xFFFFCE00  }
0x2a5: {  	[tilespmem:s5], [sflag:$0x3] =	stream.indirect.gather [hbm4b:s3+s4], $0x40, s1, s4, $0xb8;
	[tilespmem:$0xE100] =	vst v63  }
0x2a6: {  	_ =	swait.ge [sflag:s15], $0x3200  }
0x2a7: {  	[sflag:s15] =	ssyncset.done $0x0  }
0x2a8: {  	s30 =	rddreg [dreg:$0x8];
	[sflag:s15] =	ssyncadd.s32 $0xFFFFCE00  }
0x2a9: {  	[hbm4b:s30+s2] =	stream.linear.scatter [tilespmem:s7], [sflag:$0x6], $0x3200, $0x38;
	[tilespmem:$0xE100] =	vst v63  }
0x2aa: {  	_ =	swait.ge [sflag:s11], $0x3200  }
0x2ab: {  	s31 =	sld [smem:$0x7F1]  }
0x2ac: {  	[sflag:s11] =	ssyncset.done $0x0  }
0x2ad: {  	[sflag:s11] =	ssyncadd.s32 $0xFFFFCE00  }
0x2ae: {  	[tilespmem:s6], [sflag:$0x4] =	stream.indirect.gather [hbm4b:s3+s4], $0x40, s31, s4, $0xb8;
	[tilespmem:$0xE100] =	vst v63  }
0x2af: {  	_ =	swait.ge [sflag:s13], $0x3200  }
0x2b0: {  	[sflag:s13] =	ssyncset.done $0x0  }
0x2b1: {  	s1 =	rddreg [dreg:$0x9];
	[sflag:s13] =	ssyncadd.s32 $0xFFFFCE00  }
0x2b2: {  	[hbm4b:s1+s2] =	stream.linear.scatter [tilespmem:s5], [sflag:$0x7], $0x3200, $0x38;
	[tilespmem:$0xE100] =	vst v63  }
0x2b3: {  	_ =	swait.ge [sflag:s8], $0x3200  }
0x2b4: {  	s30 =	sld [smem:$0x7F2]  }
0x2b5: {  	[sflag:s8] =	ssyncset.done $0x0  }
0x2b6: {  	[sflag:s8] =	ssyncadd.s32 $0xFFFFCE00  }
0x2b7: {  	[tilespmem:s12], [sflag:$0x1] =	stream.indirect.gather [hbm4b:s3+s4], $0x40, s30, s4, $0xb8;
	[tilespmem:$0xE100] =	vst v63  }
0x2b8: {  	_ =	swait.ge [sflag:s14], $0x3200  }
0x2b9: {  	[sflag:s14] =	ssyncset.done $0x0  }
0x2ba: {  	s31 =	rddreg [dreg:$0xa];
	[sflag:s14] =	ssyncadd.s32 $0xFFFFCE00  }
0x2bb: {  	[hbm4b:s31+s2] =	stream.linear.scatter [tilespmem:s6], [sflag:$0x8], $0x3200, $0x38;
	[tilespmem:$0xE100] =	vst v63  }
0x2bc: {  	_ =	swait.ge [sflag:s9], $0x3200  }
0x2bd: {  	s1 =	sld [smem:$0x7F3]  }
0x2be: {  	[sflag:s9] =	ssyncset.done $0x0  }
0x2bf: {  	[sflag:s9] =	ssyncadd.s32 $0xFFFFCE00  }
0x2c0: {  	[tilespmem:s7], [sflag:$0x2] =	stream.indirect.gather [hbm4b:s3+s4], $0x40, s1, s4, $0xb8;
	[tilespmem:$0xE100] =	vst v63  }
0x2c1: {  	_ =	swait.ge [sflag:s16], $0x3200  }
0x2c2: {  	[sflag:s16] =	ssyncset.done $0x0  }
0x2c3: {  	s30 =	rddreg [dreg:$0xb];
	[sflag:s16] =	ssyncadd.s32 $0xFFFFCE00  }
0x2c4: {  	[hbm4b:s30+s2] =	stream.linear.scatter [tilespmem:s12], [sflag:$0x5], $0x3200, $0x38;
	[tilespmem:$0xE100] =	vst v63  }
0x2c5: {  	_ =	swait.ge [sflag:s10], $0x3200  }
0x2c6: {  	s31 =	sld [smem:$0x7F4]  }
0x2c7: {  	[sflag:s10] =	ssyncset.done $0x0  }
0x2c8: {  	[sflag:s10] =	ssyncadd.s32 $0xFFFFCE00  }
0x2c9: {  	[tilespmem:s5], [sflag:$0x3] =	stream.indirect.gather [hbm4b:s3+s4], $0x40, s31, s4, $0xb8;
	[tilespmem:$0xE100] =	vst v63  }
0x2ca: {  	_ =	swait.ge [sflag:s15], $0x3200  }
0x2cb: {  	[sflag:s15] =	ssyncset.done $0x0  }
0x2cc: {  	s1 =	rddreg [dreg:$0xc];
	[sflag:s15] =	ssyncadd.s32 $0xFFFFCE00  }
0x2cd: {  	[hbm4b:s1+s2] =	stream.linear.scatter [tilespmem:s7], [sflag:$0x6], $0x3200, $0x38;
	[tilespmem:$0xE100] =	vst v63  }
0x2ce: {  	_ =	swait.ge [sflag:s11], $0x3200  }
0x2cf: {  	s30 =	sld [smem:$0x7F5]  }
0x2d0: {  	[sflag:s11] =	ssyncset.done $0x0  }
0x2d1: {  	[sflag:s11] =	ssyncadd.s32 $0xFFFFCE00  }
0x2d2: {  	[tilespmem:s6], [sflag:$0x4] =	stream.indirect.gather [hbm4b:s3+s4], $0x40, s30, s4, $0xb8;
	[tilespmem:$0xE100] =	vst v63  }
0x2d3: {  	_ =	swait.ge [sflag:s13], $0x3200  }
0x2d4: {  	[sflag:s13] =	ssyncset.done $0x0  }
0x2d5: {  	s31 =	rddreg [dreg:$0xd];
	[sflag:s13] =	ssyncadd.s32 $0xFFFFCE00  }
0x2d6: {  	[hbm4b:s31+s2] =	stream.linear.scatter [tilespmem:s5], [sflag:$0x7], $0x3200, $0x38;
	[tilespmem:$0xE100] =	vst v63  }
0x2d7: {  	_ =	swait.ge [sflag:s8], $0x3200  }
0x2d8: {  	s1 =	sld [smem:$0x7F6]  }
0x2d9: {  	[sflag:s8] =	ssyncset.done $0x0  }
0x2da: {  	[sflag:s8] =	ssyncadd.s32 $0xFFFFCE00  }
0x2db: {  	[tilespmem:s12], [sflag:$0x1] =	stream.indirect.gather [hbm4b:s3+s4], $0x40, s1, s4, $0xb8;
	[tilespmem:$0xE100] =	vst v63  }
0x2dc: {  	_ =	swait.ge [sflag:s14], $0x3200  }
0x2dd: {  	[sflag:s14] =	ssyncset.done $0x0  }
0x2de: {  	s30 =	rddreg [dreg:$0xe];
	[sflag:s14] =	ssyncadd.s32 $0xFFFFCE00  }
0x2df: {  	[hbm4b:s30+s2] =	stream.linear.scatter [tilespmem:s6], [sflag:$0x8], $0x3200, $0x38;
	[tilespmem:$0xE100] =	vst v63  }
0x2e0: {  	_ =	swait.ge [sflag:s9], $0x3200  }
0x2e1: {  	s31 =	sld [smem:$0x7F7]  }
0x2e2: {  	[sflag:s9] =	ssyncset.done $0x0  }
0x2e3: {  	[sflag:s9] =	ssyncadd.s32 $0xFFFFCE00  }
0x2e4: {  	[tilespmem:s7], [sflag:$0x2] =	stream.indirect.gather [hbm4b:s3+s4], $0x40, s31, s4, $0xb8;
	[tilespmem:$0xE100] =	vst v63  }
0x2e5: {  	_ =	swait.ge [sflag:s16], $0x3200  }
0x2e6: {  	[sflag:s16] =	ssyncset.done $0x0  }
0x2e7: {  	s1 =	rddreg [dreg:$0xf];
	[sflag:s16] =	ssyncadd.s32 $0xFFFFCE00  }
0x2e8: {  	[hbm4b:s1+s2] =	stream.linear.scatter [tilespmem:s12], [sflag:$0x5], $0x3200, $0x38;
	[tilespmem:$0xE100] =	vst v63  }
0x2e9: {  	_ =	swait.ge [sflag:s10], $0x3200  }
0x2ea: {  	s30 =	sld [smem:$0x7F8]  }
0x2eb: {  	[sflag:s10] =	ssyncset.done $0x0  }
0x2ec: {  	[sflag:s10] =	ssyncadd.s32 $0xFFFFCE00  }
0x2ed: {  	[tilespmem:s5], [sflag:$0x3] =	stream.indirect.gather [hbm4b:s3+s4], $0x40, s30, s4, $0xb8;
	[tilespmem:$0xE100] =	vst v63  }
0x2ee: {  	_ =	swait.ge [sflag:s15], $0x3200  }
0x2ef: {  	[sflag:s15] =	ssyncset.done $0x0  }
0x2f0: {  	s31 =	rddreg [dreg:$0x10];
	[sflag:s15] =	ssyncadd.s32 $0xFFFFCE00  }
0x2f1: {  	[hbm4b:s31+s2] =	stream.linear.scatter [tilespmem:s7], [sflag:$0x6], $0x3200, $0x38;
	[tilespmem:$0xE100] =	vst v63  }
0x2f2: {  	_ =	swait.ge [sflag:s11], $0x3200  }
0x2f3: {  	s1 =	sld [smem:$0x7F9]  }
0x2f4: {  	[sflag:s11] =	ssyncset.done $0x0  }
0x2f5: {  	[sflag:s11] =	ssyncadd.s32 $0xFFFFCE00  }
0x2f6: {  	[tilespmem:s6], [sflag:$0x4] =	stream.indirect.gather [hbm4b:s3+s4], $0x40, s1, s4, $0xb8;
	[tilespmem:$0xE100] =	vst v63  }
0x2f7: {  	_ =	swait.ge [sflag:s13], $0x3200  }
0x2f8: {  	[sflag:s13] =	ssyncset.done $0x0  }
0x2f9: {  	s30 =	rddreg [dreg:$0x11];
	[sflag:s13] =	ssyncadd.s32 $0xFFFFCE00  }
0x2fa: {  	[hbm4b:s30+s2] =	stream.linear.scatter [tilespmem:s5], [sflag:$0x7], $0x3200, $0x38;
	[tilespmem:$0xE100] =	vst v63  }
0x2fb: {  	_ =	swait.ge [sflag:s8], $0x3200  }
0x2fc: {  	s31 =	sld [smem:$0x7FA]  }
0x2fd: {  	[sflag:s8] =	ssyncset.done $0x0  }
0x2fe: {  	[sflag:s8] =	ssyncadd.s32 $0xFFFFCE00  }
0x2ff: {  	[tilespmem:s12], [sflag:$0x1] =	stream.indirect.gather [hbm4b:s3+s4], $0x40, s31, s4, $0xb8;
	[tilespmem:$0xE100] =	vst v63  }
0x300: {  	_ =	swait.ge [sflag:s14], $0x3200  }
0x301: {  	[sflag:s14] =	ssyncset.done $0x0  }
0x302: {  	s1 =	rddreg [dreg:$0x12];
	[sflag:s14] =	ssyncadd.s32 $0xFFFFCE00  }
0x303: {  	[hbm4b:s1+s2] =	stream.linear.scatter [tilespmem:s6], [sflag:$0x8], $0x3200, $0x38;
	[tilespmem:$0xE100] =	vst v63  }
0x304: {  	_ =	swait.ge [sflag:s9], $0x3200  }
0x305: {  	s30 =	sld [smem:$0x7FB]  }
0x306: {  	[sflag:s9] =	ssyncset.done $0x0  }
0x307: {  	[sflag:s9] =	ssyncadd.s32 $0xFFFFCE00  }
0x308: {  	[tilespmem:s7], [sflag:$0x2] =	stream.indirect.gather [hbm4b:s3+s4], $0x40, s30, s4, $0xb8;
	[tilespmem:$0xE100] =	vst v63  }
0x309: {  	_ =	swait.ge [sflag:s16], $0x3200  }
0x30a: {  	[sflag:s16] =	ssyncset.done $0x0  }
0x30b: {  	s31 =	rddreg [dreg:$0x13];
	[sflag:s16] =	ssyncadd.s32 $0xFFFFCE00  }
0x30c: {  	[hbm4b:s31+s2] =	stream.linear.scatter [tilespmem:s12], [sflag:$0x5], $0x3200, $0x38;
	[tilespmem:$0xE100] =	vst v63  }
0x30d: {  	_ =	swait.ge [sflag:s10], $0x3200  }
0x30e: {  	s1 =	sld [smem:$0x7FC]  }
0x30f: {  	[sflag:s10] =	ssyncset.done $0x0  }
0x310: {  	[sflag:s10] =	ssyncadd.s32 $0xFFFFCE00  }
0x311: {  	[tilespmem:s5], [sflag:$0x3] =	stream.indirect.gather [hbm4b:s3+s4], $0x40, s1, s4, $0xb8;
	[tilespmem:$0xE100] =	vst v63  }
0x312: {  	_ =	swait.ge [sflag:s15], $0x3200  }
0x313: {  	[sflag:s15] =	ssyncset.done $0x0  }
0x314: {  	s30 =	rddreg [dreg:$0x14];
	[sflag:s15] =	ssyncadd.s32 $0xFFFFCE00  }
0x315: {  	[hbm4b:s30+s2] =	stream.linear.scatter [tilespmem:s7], [sflag:$0x6], $0x3200, $0x38;
	[tilespmem:$0xE100] =	vst v63  }
0x316: {  	_ =	swait.ge [sflag:s11], $0x3200  }
0x317: {  	s31 =	sld [smem:$0x7FD]  }
0x318: {  	[sflag:s11] =	ssyncset.done $0x0  }
0x319: {  	[sflag:s11] =	ssyncadd.s32 $0xFFFFCE00  }
0x31a: {  	[tilespmem:s6], [sflag:$0x4] =	stream.indirect.gather [hbm4b:s3+s4], $0x40, s31, s4, $0xb8;
	[tilespmem:$0xE100] =	vst v63  }
0x31b: {  	_ =	swait.ge [sflag:s13], $0x3200  }
0x31c: {  	[sflag:s13] =	ssyncset.done $0x0  }
0x31d: {  	s1 =	rddreg [dreg:$0x15];
	[sflag:s13] =	ssyncadd.s32 $0xFFFFCE00  }
0x31e: {  	[hbm4b:s1+s2] =	stream.linear.scatter [tilespmem:s5], [sflag:$0x7], $0x3200, $0x38;
	[tilespmem:$0xE100] =	vst v63  }
0x31f: {  	_ =	swait.ge [sflag:s8], $0x3200  }
0x320: {  	[sflag:s8] =	ssyncset.done $0x0  }
0x321: {  	[sflag:s8] =	ssyncadd.s32 $0xFFFFCE00  }
0x322: {  	[tilespmem:s12], [sflag:$0x1] =	stream.indirect.gather [hbm4b:s3+s4], $0x40, s18, s4, $0xb8;
	[tilespmem:$0xE100] =	vst v63  }
0x323: {  	_ =	swait.ge [sflag:s14], $0x3200  }
0x324: {  	[sflag:s14] =	ssyncset.done $0x0  }
0x325: {  	s18 =	rddreg [dreg:$0x16];
	[sflag:s14] =	ssyncadd.s32 $0xFFFFCE00  }
0x326: {  	[hbm4b:s18+s2] =	stream.linear.scatter [tilespmem:s6], [sflag:$0x8], $0x3200, $0x38;
	[tilespmem:$0xE100] =	vst v63  }
0x327: {  	_ =	swait.ge [sflag:s9], $0x3200  }
0x328: {  	[sflag:s9] =	ssyncset.done $0x0  }
0x329: {  	[sflag:s9] =	ssyncadd.s32 $0xFFFFCE00  }
0x32a: {  	[tilespmem:s7], [sflag:$0x2] =	stream.indirect.gather [hbm4b:s3+s4], $0x40, s29, s4, $0xb8;
	[tilespmem:$0xE100] =	vst v63  }
0x32b: {  	_ =	swait.ge [sflag:s16], $0x3200  }
0x32c: {  	[sflag:s16] =	ssyncset.done $0x0  }
0x32d: {  	s29 =	rddreg [dreg:$0x17];
	[sflag:s16] =	ssyncadd.s32 $0xFFFFCE00  }
0x32e: {  	[hbm4b:s29+s2] =	stream.linear.scatter [tilespmem:s12], [sflag:$0x5], $0x3200, $0x38;
	[tilespmem:$0xE100] =	vst v63  }
0x32f: {  	_ =	swait.ge [sflag:s10], $0x3200  }
0x330: {  	[sflag:s10] =	ssyncset.done $0x0  }
0x331: {  	[sflag:s10] =	ssyncadd.s32 $0xFFFFCE00  }
0x332: {  	[tilespmem:s5], [sflag:$0x3] =	stream.indirect.gather [hbm4b:s3+s4], $0x40, s28, s4, $0xb8;
	[tilespmem:$0xE100] =	vst v63  }
0x333: {  	_ =	swait.ge [sflag:s15], $0x3200  }
0x334: {  	[sflag:s15] =	ssyncset.done $0x0  }
0x335: {  	s30 =	rddreg [dreg:$0x18];
	[sflag:s15] =	ssyncadd.s32 $0xFFFFCE00  }
0x336: {  	[hbm4b:s30+s2] =	stream.linear.scatter [tilespmem:s7], [sflag:$0x6], $0x3200, $0x38;
	[tilespmem:$0xE100] =	vst v63  }
0x337: {  	_ =	swait.ge [sflag:s11], $0x3200  }
0x338: {  	[sflag:s11] =	ssyncset.done $0x0  }
0x339: {  	[sflag:s11] =	ssyncadd.s32 $0xFFFFCE00  }
0x33a: {  	[tilespmem:s6], [sflag:$0x4] =	stream.indirect.gather [hbm4b:s3+s4], $0x40, s26, s4, $0xb8;
	[tilespmem:$0xE100] =	vst v63  }
0x33b: {  	_ =	swait.ge [sflag:s13], $0x3200  }
0x33c: {  	[sflag:s13] =	ssyncset.done $0x0  }
0x33d: {  	s31 =	rddreg [dreg:$0x19];
	[sflag:s13] =	ssyncadd.s32 $0xFFFFCE00  }
0x33e: {  	[hbm4b:s31+s2] =	stream.linear.scatter [tilespmem:s5], [sflag:$0x7], $0x3200, $0x38;
	[tilespmem:$0xE100] =	vst v63  }
0x33f: {  	_ =	swait.ge [sflag:s8], $0x3200  }
0x340: {  	[sflag:s8] =	ssyncset.done $0x0  }
0x341: {  	[sflag:s8] =	ssyncadd.s32 $0xFFFFCE00  }
0x342: {  	[tilespmem:s12], [sflag:$0x1] =	stream.indirect.gather [hbm4b:s3+s4], $0x40, s25, s4, $0xb8;
	[tilespmem:$0xE100] =	vst v63  }
0x343: {  	_ =	swait.ge [sflag:s14], $0x3200  }
0x344: {  	[sflag:s14] =	ssyncset.done $0x0  }
0x345: {  	s1 =	rddreg [dreg:$0x1a];
	[sflag:s14] =	ssyncadd.s32 $0xFFFFCE00  }
0x346: {  	[hbm4b:s1+s2] =	stream.linear.scatter [tilespmem:s6], [sflag:$0x8], $0x3200, $0x38;
	[tilespmem:$0xE100] =	vst v63  }
0x347: {  	_ =	swait.ge [sflag:s9], $0x3200  }
0x348: {  	[sflag:s9] =	ssyncset.done $0x0  }
0x349: {  	[sflag:s9] =	ssyncadd.s32 $0xFFFFCE00  }
0x34a: {  	[tilespmem:s7], [sflag:$0x2] =	stream.indirect.gather [hbm4b:s3+s4], $0x40, s24, s4, $0xb8;
	[tilespmem:$0xE100] =	vst v63  }
0x34b: {  	_ =	swait.ge [sflag:s16], $0x3200  }
0x34c: {  	[sflag:s16] =	ssyncset.done $0x0  }
0x34d: {  	s18 =	rddreg [dreg:$0x1b];
	[sflag:s16] =	ssyncadd.s32 $0xFFFFCE00  }
0x34e: {  	[hbm4b:s18+s2] =	stream.linear.scatter [tilespmem:s12], [sflag:$0x5], $0x3200, $0x38;
	[tilespmem:$0xE100] =	vst v63  }
0x34f: {  	_ =	swait.ge [sflag:s10], $0x3200  }
0x350: {  	[sflag:s10] =	ssyncset.done $0x0  }
0x351: {  	[sflag:s10] =	ssyncadd.s32 $0xFFFFCE00  }
0x352: {  	[tilespmem:s5], [sflag:$0x3] =	stream.indirect.gather [hbm4b:s3+s4], $0x40, s23, s4, $0xb8;
	[tilespmem:$0xE100] =	vst v63  }
0x353: {  	_ =	swait.ge [sflag:s15], $0x3200  }
0x354: {  	[sflag:s15] =	ssyncset.done $0x0  }
0x355: {  	s23 =	rddreg [dreg:$0x1c];
	[sflag:s15] =	ssyncadd.s32 $0xFFFFCE00  }
0x356: {  	[hbm4b:s23+s2] =	stream.linear.scatter [tilespmem:s7], [sflag:$0x6], $0x3200, $0x38;
	[tilespmem:$0xE100] =	vst v63  }
0x357: {  	_ =	swait.ge [sflag:s11], $0x3200  }
0x358: {  	[sflag:s11] =	ssyncset.done $0x0  }
0x359: {  	[sflag:s11] =	ssyncadd.s32 $0xFFFFCE00  }
0x35a: {  	[tilespmem:s6], [sflag:$0x4] =	stream.indirect.gather [hbm4b:s3+s4], $0x40, s22, s4, $0xb8;
	[tilespmem:$0xE100] =	vst v63  }
0x35b: {  	_ =	swait.ge [sflag:s13], $0x3200  }
0x35c: {  	[sflag:s13] =	ssyncset.done $0x0  }
0x35d: {  	s24 =	rddreg [dreg:$0x1d];
	[sflag:s13] =	ssyncadd.s32 $0xFFFFCE00  }
0x35e: {  	[hbm4b:s24+s2] =	stream.linear.scatter [tilespmem:s5], [sflag:$0x7], $0x3200, $0x38;
	[tilespmem:$0xE100] =	vst v63  }
0x35f: {  	_ =	swait.ge [sflag:s8], $0x3200  }
0x360: {  	[sflag:s8] =	ssyncset.done $0x0  }
0x361: {  	[sflag:s8] =	ssyncadd.s32 $0xFFFFCE00  }
0x362: {  	[tilespmem:s12], [sflag:$0x1] =	stream.indirect.gather [hbm4b:s3+s4], $0x40, s21, s4, $0xb8;
	[tilespmem:$0xE100] =	vst v63  }
0x363: {  	_ =	swait.ge [sflag:s14], $0x3200  }
0x364: {  	[sflag:s14] =	ssyncset.done $0x0  }
0x365: {  	s25 =	rddreg [dreg:$0x1e];
	[sflag:s14] =	ssyncadd.s32 $0xFFFFCE00  }
0x366: {  	[hbm4b:s25+s2] =	stream.linear.scatter [tilespmem:s6], [sflag:$0x8], $0x3200, $0x38;
	[tilespmem:$0xE100] =	vst v63  }
0x367: {  	_ =	swait.ge [sflag:s9], $0x3200  }
0x368: {  	[sflag:s9] =	ssyncset.done $0x0  }
0x369: {  	[sflag:s9] =	ssyncadd.s32 $0xFFFFCE00  }
0x36a: {  	[tilespmem:s7], [sflag:$0x2] =	stream.indirect.gather [hbm4b:s3+s4], $0x40, s20, s4, $0xb8;
	[tilespmem:$0xE100] =	vst v63  }
0x36b: {  	_ =	swait.ge [sflag:s16], $0x3200  }
0x36c: {  	[sflag:s16] =	ssyncset.done $0x0  }
0x36d: {  	s26 =	rddreg [dreg:$0x1f];
	[sflag:s16] =	ssyncadd.s32 $0xFFFFCE00  }
0x36e: {  	[hbm4b:s26+s2] =	stream.linear.scatter [tilespmem:s12], [sflag:$0x5], $0x3200, $0x38;
	[tilespmem:$0xE100] =	vst v63  }
0x36f: {  	_ =	swait.ge [sflag:s10], $0x3200  }
0x370: {  	[sflag:s10] =	ssyncset.done $0x0  }
0x371: {  	[sflag:s10] =	ssyncadd.s32 $0xFFFFCE00  }
0x372: {  	[tilespmem:s5], [sflag:$0x3] =	stream.indirect.gather [hbm4b:s3+s4], $0x40, s19, s4, $0xb8;
	[tilespmem:$0xE100] =	vst v63  }
0x373: {  	_ =	swait.ge [sflag:s15], $0x3200  }
0x374: {  	s28 =	sld [smem:$0x7E9]  }
0x375: {  	[sflag:s15] =	ssyncset.done $0x0  }
0x376: {  	[sflag:s15] =	ssyncadd.s32 $0xFFFFCE00  }
0x377: {  	[hbm4b:s28+s2] =	stream.linear.scatter [tilespmem:s7], [sflag:$0x6], $0x3200, $0x38;
	[tilespmem:$0xE100] =	vst v63  }
0x378: {  	_ =	swait.ge [sflag:s11], $0x3200  }
0x379: {  	[sflag:s11] =	ssyncset.done $0x0  }
0x37a: {  	s29 =	simm.s32 $0x1838;
	[sflag:s11] =	ssyncadd.s32 $0xFFFFCE00  }
0x37b: {  	[tilespmem:s6], [sflag:$0x4] =	stream.indirect.gather [hbm4b:s3+s4], $0x40, s29, s4, $0xb8;
	[tilespmem:$0xE100] =	vst v63  }
0x37c: {  	_ =	swait.ge [sflag:s13], $0x3200  }
0x37d: {  	s30 =	sld [smem:$0x7EA]  }
0x37e: {  	[sflag:s13] =	ssyncset.done $0x0  }
0x37f: {  	[sflag:s13] =	ssyncadd.s32 $0xFFFFCE00  }
0x380: {  	[hbm4b:s30+s2] =	stream.linear.scatter [tilespmem:s5], [sflag:$0x7], $0x3200, $0x38;
	[tilespmem:$0xE100] =	vst v63  }
0x381: {  	_ =	swait.ge [sflag:s14], $0x3200  }
0x382: {  	s31 =	sld [smem:$0x7EB]  }
0x383: {  	[sflag:s14] =	ssyncset.done $0x0  }
0x384: {  	[sflag:s14] =	ssyncadd.s32 $0xFFFFCE00  }
0x385: {  	[hbm4b:s31+s2] =	stream.linear.scatter [tilespmem:s6], [sflag:$0x8], $0x3200, $0x38;
	[tilespmem:$0xE100] =	vst v63  }
0x386: {  	_ =	swait.ge [sflag:s8], $0x3200  }
0x387: {  	[sflag:s8] =	ssyncset.done $0x0  }
0x388: {  	[sflag:s8] =	ssyncadd.s32 $0xFFFFCE00  }
0x389: {  	_ =	swait.ge [sflag:s9], $0x3200  }
0x38a: {  	[sflag:s9] =	ssyncset.done $0x0  }
0x38b: {  	[sflag:s9] =	ssyncadd.s32 $0xFFFFCE00  }
0x38c: {  	_ =	swait.ge [sflag:s10], $0x3200  }
0x38d: {  	[sflag:s10] =	ssyncset.done $0x0  }
0x38e: {  	[sflag:s10] =	ssyncadd.s32 $0xFFFFCE00  }
0x38f: {  	_ =	swait.ge [sflag:s11], $0x3200  }
0x390: {  	[sflag:s11] =	ssyncset.done $0x0  }
0x391: {  	[sflag:s11] =	ssyncadd.s32 $0xFFFFCE00  }
0x392: {  	_ =	sfence.sel $0x180000  }
0x393: {  	[bflag:$0x0] =	sbarrier.arrive $0xFFFF  }
0x394: {  	_ =	strace $0x90000047  }
0x395: {  	[bflag:$0x2] =	sbarrier.arrive $0xFFFF  }
0x396: {  	p0 =	sne.s32 s17, $0x0;
	s0 =	rddreg [dreg:$0x2]  }
0x397: {  	s0 =	sadd.s32 @!p0 $0x100000, s0  }
0x398: {  	[sflag:s0] =	ssyncadd.tile.s32 @!p0 $0x1;
	_ =	shalt  }
.LBB2_1:
.Ltmp3:
0x399: {  	(pc) =	sbr.rel .LBB2_6-.Ltmp3, $4  }
0x39a: {  	s18 =	simm.s32 $0xFA0;
	s29 =	simm.s32 $0x1068  }
0x39b: {  	s28 =	simm.s32 $0x1130;
	s26 =	simm.s32 $0x11F8;
	s25 =	simm.s32 $0x12C0  }
0x39c: {  	s24 =	simm.s32 $0x1388;
	s23 =	simm.s32 $0x1450;
	s22 =	simm.s32 $0x1518  }
0x39d: {  	s21 =	simm.s32 $0x15E0;
	s20 =	simm.s32 $0x16A8;
	s19 =	simm.s32 $0x1770  }
.LBB2_3:
.Ltmp4:
0x39e: {  	(pc) =	sbr.rel .LBB2_6-.Ltmp4, $4  }
0x39f: {  	s18 =	simm.s32 $0xFA0;
	s29 =	simm.s32 $0x1068;
	s28 =	simm.s32 $0x1130  }
0x3a0: {  	s26 =	simm.s32 $0x11F8;
	s25 =	simm.s32 $0x12C0;
	s24 =	simm.s32 $0x1388  }
0x3a1: {  	s23 =	simm.s32 $0x1450;
	s22 =	simm.s32 $0x1518;
	s21 =	simm.s32 $0x15E0  }
0x3a2: {  	s20 =	simm.s32 $0x16A8;
	s19 =	simm.s32 $0x1770;
	s17 =	stileid.u32  }
.Lfunc_end2:
_tile_overlayer_lowered:
.L_overlay_start_2:
0x3a3: {  	(tag) =	ssettag $0x2  }
0x3a4: {  	s0 =	rddreg [dreg:$0x0];
	s2 =	stileid.u32  }
0x3a5: {  	s1 =	rddreg [dreg:$0x1];
	p0 =	sne.s32 s2, $0x0  }
0x3a6: {  	s3 =	rddreg [dreg:$0x2];
	[bflag:$0x3] =	sbarrier.arrive $0xFFFF;
	s2 =	simm.s32 @!p0 $0x1C09  }
0x3a7: {  	[timem:s3], [sflag:s2] =	dma.local @!p0 [hbm:s0], s1  }
0x3a8: {  	s0 =	simm.s32 @!p0 $0x9  }
0x3a9: {  	_ =	swait.ge @!p0 [sflag:s0], s1  }
0x3aa: {  	s1 =	ssub.s32 @!p0 $0x0, s1;
	[sflag:s0] =	ssyncset.done @!p0 $0x0  }
0x3ab: {  	[sflag:s0] =	ssyncadd.s32 @!p0 s1  }
0x3ac: {  	[bflag:$0x3] =	sbarrier.arrive $0xFFFF  }
0x3ad: {  	_ =	shalt  }

// kernel: sparse-core-data-format-call.cloned.1.call-start
scs
called_computation_lowered:
.L_overlay_start_0:
0x0: {  	s2 =	sld [smem:$0x3FD9]  }
0x1: {  	s3 =	sld [smem:$0x3FFE];
	_ =	sdelay $0x1  }
0x2: {  	s1 =	srdreg.scid  }
0x3: {  	s0 =	sand.u32 $0x1, s1  }
0x4: {  	s18 =	sshll.u32 s0, $0xA;
	s2 =	sadd.s32 s3, s2  }
0x5: {  	s2 =	sadd.s32 s2, s18  }
0x6: {  	[smem:$0x3FC6] =	sst s2  }
0x7: {  	_ = 	snop  }
0x8: {  	s2 =	sld [smem:$0x3FD0];
	(tm) =	ssettm $0x1  }
0x9: {  	s19 =	sld [smem:$0x3FFB];
	_ =	sdelay $0x3  }
0xa: {  	_ =	strace s19  }
0xb: {  	s3 =	sld [smem:$0x3FFC];
	_ =	sdelay $0x3  }
0xc: {  	_ =	strace s3  }
0xd: {  	s3 =	sld [smem:$0x3FFD];
	_ =	sdelay $0x3  }
0xe: {  	_ =	strace s3  }
0xf: {  	_ =	strace $0x8FFFFFFF  }
0x10: {  	s20 =	sld [smem:$0x3FDB];
	_ =	sdelay $0x1  }
0x11: {  	s4 =	simm.s32 $_scs_section_size  }
0x12: {  	s5 =	simm.s32 $_size__tile_overlayer_lowered;
	s6 =	simm.s32 $_tile_overlayer_lowered  }
0x13: {  	s23 =	simm.s32 $0x1BFF;
	s22 =	sshll.u32 s6, $0x1;
	s3 =	sadd.s32 s4, s20  }
0x14: {  	s7 =	simm.s32 $0x0;
	s21 =	sshll.u32 s5, $0x1;
	s5 =	sadd.s32 s22, s3  }
0x15: {  	[timem:s7], [sflag:s23] =	dma.local [hbm:s5], s21  }
0x16: {  	_ =	swait.ge [sflag:s23], s21  }
0x17: {  	s4 =	ssub.s32 $0x0, s21;
	[sflag:s23] =	ssyncset.done $0x0  }
0x18: {  	[sflag:s23] =	ssyncadd.s32 s4;
	_ =	sdelay $0x1  }
0x19: {  	s24 =	simm.s32 $0x1B8B  }
0x1a: {  	_ =	swait.ge [sflag:s24], $0x1  }
0x1b: {  	[sflag:s24] =	ssyncset.done $0x0  }
0x1c: {  	s26 =	simm.s32 $0x1B8E;
	s25 =	sld [smem:$0x3FFE];
	[sflag:s24] =	ssyncadd.s32 $0xFFFFFFFF  }
0x1d: {  	s27 =	simm.s32 $execute0_lowered;
	[smem:$0x3FD2] =	sst s26  }
0x1e: {  	s5 =	sshll.u32 s27, $0x1;
	_ =	strace $0x80000049;
	[dreg:$0x1] =	wrdreg $0xFFFFFFFF  }
0x1f: {  	s28 =	simm.s32 $_size_execute0_lowered;
	s3 =	sadd.s32 s3, s5;
	[dreg:$0x0] =	wrdreg $0x0  }
0x20: {  	s5 =	sshll.u32 s28, $0x1;
	[dreg:$0x2] =	wrdreg s3  }
0x21: {  	[dreg:$0x3] =	wrdreg s5  }
0x22: {  	[dreg:$0x4] =	wrdreg $0xC0  }
0x23: {  	_ =	task [dreg:s7], $0x5FFFF  }
0x24: {  	[dreg:$0x1] =	wrdreg $0xFFFFFFFF  }
0x25: {  	[dreg:$0x0] =	wrdreg $0x60  }
0x26: {  	[dreg:$0x2] =	wrdreg s25  }
0x27: {  	[dreg:$0x3] =	wrdreg s2  }
0x28: {  	[dreg:$0x4] =	wrdreg $0x9  }
0x29: {  	_ =	task.clear_ibuf [dreg:s7], $0x5FFFF;
	_ =	strace $0x90000049  }
0x2a: {  	s29 =	simm.s32 $0x9;
	_ =	strace $0x8000004B  }
0x2b: {  	_ =	swait.ge [sflag:s29], $0x1  }
0x2c: {  	[sflag:s29] =	ssyncadd.s32 $0xFFFFFFFF  }
0x2d: {  	_ =	strace $0x9000004B  }
0x2e: {  	_ =	sfence  }
0x2f: {  	s30 =	sld [smem:$0x0];
	_ =	sdelay $0x2  }
0x30: {  	s31 =	sshll.u32 s1, $0xD;
	s1 =	sshrl.u32 s1, $0x2  }
0x31: {  	s3 =	sand.u32 $0x4000, s31;
	s1 =	sadd.s32 s1, s30  }
0x32: {  	s0 =	sor.u32 s3, s0;
	s1 =	sshll.u32 s1, $0x11  }
0x33: {  	s0 =	sor.u32 s1, s0  }
0x34: {  	s0 =	sadd.s32 $0x8F2B, s0  }
0x35: {  	[sflag:s0] =	ssyncadd.remote.s32 $0x1  }
0x36: {  	_ =	sfence.sel $0xFFFF  }
0x37: {  	[dreg:$0x0] =	wrdreg $0xFFFFFFFF;
	(pc) =	sbr.abs _section_cstart, $3  }
0x38: {  	[dreg:$0x1] =	wrdreg $0xFFFFFFFF  }
0x39: {  	_ =	task.clear_ibuf [dreg:s7], $0x2FFFF;
	_ =	strace $0x9FFFFFFF  }
0x3a: {  	(tm) =	ssettm $0x7FFFFFFF  }
0x3b: {  	_ =	shalt  }
tec
execute0_lowered:
.L_overlay_start_1:
0x0: {  	(tag) =	ssettag $0x1  }
0x1: {  	s0 =	stileid.u32;
	s6 =	rddreg [dreg:$0x0]  }
0x2: {  	s2 =	rddreg [dreg:$0x1];
	s5 =	srdreg.scid  }
0x3: {  	s31 =	simm.s32 $0x2;
	s13 =	simm.s32 $0x0;
	s1 =	sshll.u32 s0, $0x7  }
0x4: {  	s14 =	simm.s32 $0x0;
	s12 =	simm.s32 $0x0;
	s3 =	sand.u32 $0x380, s1  }
0x5: {  	s5 =	sshll.u32 s5, $0x4;
	s6 =	sadd.s32 $0xA00, s6;
	s4 =	ssub.s32 $0x400, s3  }
0x6: {  	s1 =	rddreg [dreg:$0x2];
	_ =	strace $0x8000004A;
	s7 =	sand.u32 $0x380, s4  }
0x7: {  	s5 =	sand.u32 $0x10, s5;
	p0 =	sne.s32 s7, $0x0;
	s7 =	simm.s32 $0x1  }
.Ltmp0:
0x8: {  	s8 =	sshrl.u32 s4, $0xA;
	s7 =	simm.s32 @!p0 $0x0;
	(pc) =	sbr.rel .LBB1_1-.Ltmp0, $4  }
0x9: {  	s9 =	sor.u32 s0, s5;
	s4 =	simm.s32 $0x1;
	s30 =	sadd.s32 s7, s8  }
0xa: {  	s11 =	smov.u32 s3;
	[sflag:s4] =	ssyncpa.u1 $0x0;
	s5 =	smul.u32 $0x32, s30  }
0xb: {  	[sflag:s31] =	ssyncpa.u1 $0x0;
	p0 =	por $0x0, $0x0;
	s7 =	sshrl.u32 s9, $0x3  }
0xc: {  	s9 =	simm.s32 $0x2000;
	s10 =	smov.u32 s7;
	s8 =	sor.u32 $0x1, s5  }
.LBB1_4:
0xd: {  	s17 =	sand.u32 $0x1F80, s14;
	s13 =	sshll.u32 s13, $0xD  }
0xe: {  	[tilespmem:s16+$0x810 ss:$0x81] =	vst.msk $0xffff, v2;
	s18 =	sshrl.u32 s14, $0x3;
	s31 =	sand.u32 $0x7, s14;
	s17 =	sadd.s32 s2, s17  }
0xf: {  	[tilespmem:s16+$0x1020 ss:$0x81] =	vst.msk $0xffff, v0;
	s18 =	sand.u32 $0xF, s18;
	s14 =	sshll.u32 s31, $0x12;
	s13 =	sadd.s32 s13, s17  }
0x10: {  	[tilespmem:s16+$0x0 ss:$0x81] =	vst.msk $0xffff, v1;
	s14 =	sor.u32 $0x400, s14;
	s13 =	sadd.s32 s18, s13  }
0x11: {  	[hbm4b:s13+s14] =	stream.strided.scatter [tilespmem:s15], [sflag:$0x2], $0x2000, s9, s14, $0x20;
	[tilespmem:$0x8080] =	vst v63  }
.LBB1_5:
0x12: {  	s15 =	sadd.s32 $0x4, s10  }
0x13: {  	s13 =	sadd.s32 $0x400, s11;
	s17 =	smov.u32 s11;
	p2 =	sgt.s32 s15, $0xC7  }
0x14: {  	s17 =	smov.u32 @p2 s13  }
0x15: {  	s15 =	smov.u32 @p2 s7;
	p2 =	sgt.s32 s17, $0x3FF  }
0x16: {  	s17 =	smov.u32 @p2 s3;
	p2 =	sne.s32 s12, s8  }
.Ltmp1:
0x17: {  	p1 =	slt.u32 s12, $0x2;
	(pc) =	sbr.rel @!p2 .LBB1_6-.Ltmp1, $4  }
0x18: {  	s16 =	simm.s32 @!p1 $0x2  }
0x19: {  	s14 =	smov.u32 s11;
	p0 =	por !p0, !p0;
	_ =	swait.ge @!p1 [sflag:s16], $0x2000  }
0x1a: {  	s13 =	smov.u32 s10;
	[sflag:s16] =	ssyncset.done @!p1 $0x0;
	s10 =	smov.u32 s15  }
0x1b: {  	s12 =	sadd.s32 $0x1, s12;
	[sflag:s16] =	ssyncadd.s32 @!p1 $0xFFFFE000;
	s11 =	smov.u32 s17  }
.LBB1_1:
0x1c: {  	p1 =	sge.u32 s12, s5  }
0x1d: {  	s15 =	sand.u32 @!p1 $0x1FFFFFF, s10  }
0x1e: {  	s16 =	smulhi.u32 @!p1 $0x147AE15, s15;
	_ =	sdelay $0x1  }
0x1f: {  	s16 =	smul.u32 @!p1 $0xC8, s16  }
0x20: {  	s17 =	sxor.u32 @!p1 $0xFFFFFFFF, s12;
	s18 =	smul.u32 @!p1 $0xC80, s11  }
0x21: {  	s31 =	sadd.s32 $0xFFFFFFFF, s12;
	s17 =	sshll.u32 @!p1 s17, $0xD;
	s15 =	ssub.s32 @!p1 s15, s16  }
0x22: {  	s16 =	sand.u32 @!p1 $0x2000, s17;
	s17 =	sadd.s32 @!p1 s6, s18;
	s15 =	sshll.u32 @!p1 s15, $0x4  }
0x23: {  	s18 =	simm.s32 @!p1 $0x6400;
	s15 =	sadd.s32 @!p1 s15, s17;
	s17 =	simm.s32 @!p1 $0x40  }
0x24: {  	[tilespmem:s16], [sflag:$0x1] =	stream.strided.gather @!p1 [hbm4b:s15+s17], $0x2000, s18, s17, $0x38;
	[tilespmem:$0x8080] =	vst v63  }
0x25: {  	p1 =	sge.u32 s31, s5  }
.Ltmp2:
0x26: {  	_ = 	snop;
	(pc) =	sbr.rel @p1 .LBB1_5-.Ltmp2, $1  }
0x27: {  	_ =	sdelay $0x3  }
0x28: {  	s15 =	simm.s32 $0x1  }
0x29: {  	_ =	swait.ge [sflag:s4], $0x2000;
	s15 =	simm.s32 @!p0 $0x0  }
0x2a: {  	[sflag:s4] =	ssyncset.done $0x0;
	s16 =	sshll.u32 s15, $0xD  }
0x2b: {  	[sflag:s4] =	ssyncadd.s32 $0xFFFFE000;
	s19 =	sor.u32 $0x20, s16  }
0x2c: {  	s15 =	smul.u32 $0x8100, s15;
	v3 =	vld [tilespmem:s19+$0x10]  }
0x2d: {  	s30 =	sand.u32 $0x1, s12;
	v2 =	vld [tilespmem:s19+$0xFFFFFFF0]  }
0x2e: {  	s16 =	smul.u32 $0x8100, s30;
	s15 =	sshrl.u32 s15, $0x2;
	v0 =	vld [tilespmem:s19+$0x0]  }
0x2f: {  	v1 =	vld [tilespmem:s19+$0xFFFFFFE0];
	s17 =	sor.u32 $0x4000, s15  }
0x30: {  	s31 =	sshrl.u32 s16, $0x2;
	s16 =	sadd.s32 $0x0, s17  }
0x31: {  	s18 =	simm.s32 $0x4;
	s19 =	sadd.s32 $0x40, s19;
	s15 =	sor.u32 $0x4000, s31;
	[tilespmem:s16+$0x1830 ss:$0x81] =	vst.msk $0xffff, v3  }
.LBB1_3:
0x32: {  	v3 =	vld [tilespmem:s19+$0x10];
	p1 =	sne.s32 s18, $0x1FC;
	[tilespmem:s16+$0x810 ss:$0x81] =	vst.msk $0xffff, v2;
	s20 =	smov.u32 s18;
	s18 =	sadd.s32 $0x4, s18  }
.Ltmp3:
0x33: {  	v2 =	vld [tilespmem:s19+$0xFFFFFFF0];
	[tilespmem:s16+$0x1020 ss:$0x81] =	vst.msk $0xffff, v0;
	(pc) =	sbr.rel @p1 .LBB1_3-.Ltmp3, $4  }
0x34: {  	v0 =	vld [tilespmem:s19+$0x0];
	[tilespmem:s16+$0x0 ss:$0x81] =	vst.msk $0xffff, v1  }
0x35: {  	s16 =	sshra.s32 s20, $0x2;
	v1 =	vld [tilespmem:s19+$0xFFFFFFE0]  }
0x36: {  	s16 =	sadd.s32 s16, s17  }
0x37: {  	s19 =	sadd.s32 $0x40, s19;
	[tilespmem:s16+$0x1830 ss:$0x81] =	vst.msk $0xffff, v3  }
.Ltmp4:
0x38: {  	_ = 	snop;
	(pc) =	sbr.rel .LBB1_4-.Ltmp4, $1  }
0x39: {  	_ =	sdelay $0x3  }
.LBB1_6:
0x3a: {  	_ =	sfence.sel $0x180000  }
0x3b: {  	s2 =	simm.s32 $0x1;
	[bflag:$0x0] =	sbarrier.arrive $0xFFFF  }
0x3c: {  	s31 =	simm.s32 $0x2;
	[sflag:s2] =	ssyncpa.u1 $0x1  }
0x3d: {  	[sflag:s31] =	ssyncpa.u1 $0x1  }
0x3e: {  	p0 =	sne.s32 s0, $0x0;
	_ =	strace $0x9000004A  }
0x3f: {  	s0 =	sadd.s32 @!p0 $0x100000, s1;
	[bflag:$0x2] =	sbarrier.arrive $0xFFFF  }
0x40: {  	[sflag:s0] =	ssyncadd.tile.s32 @!p0 $0x1;
	_ =	shalt  }
.Lfunc_end1:
_tile_overlayer_lowered:
.L_overlay_start_2:
0x41: {  	(tag) =	ssettag $0x2  }
0x42: {  	s0 =	rddreg [dreg:$0x0];
	s2 =	stileid.u32  }
0x43: {  	s1 =	rddreg [dreg:$0x1];
	p0 =	sne.s32 s2, $0x0  }
0x44: {  	s3 =	rddreg [dreg:$0x2];
	[bflag:$0x3] =	sbarrier.arrive $0xFFFF;
	s2 =	simm.s32 @!p0 $0x1C01  }
0x45: {  	[timem:s3], [sflag:s2] =	dma.local @!p0 [hbm:s0], s1  }
0x46: {  	s0 =	simm.s32 @!p0 $0x1  }
0x47: {  	_ =	swait.ge @!p0 [sflag:s0], s1  }
0x48: {  	s1 =	ssub.s32 @!p0 $0x0, s1;
	[sflag:s0] =	ssyncset.done @!p0 $0x0  }
0x49: {  	[sflag:s0] =	ssyncadd.s32 @!p0 s1  }
0x4a: {  	[bflag:$0x3] =	sbarrier.arrive $0xFFFF  }
0x4b: {  	_ =	shalt  }

</sc_bundles>
